<compile_context>
chip_gen: v7x
topology: tpu7x:2x2x1
jax: 0.10.2.dev20260603
libtpu: 0.0.44.dev20260713+nightly
codegen_flags: <defaults>
</compile_context>

<pallas_src>
import jax
import jax.numpy as jnp
from jax import lax
from jax.experimental import pallas as pl
from jax.experimental.pallas import tpu as pltpu
from jax.experimental.pallas import tpu_sc as plsc

_N = 10000
_E = 320000
_D = 128

_NC = 2
_NS = 16
_NW = _NC * _NS
_CH = 128
_NCHUNK = 80
_EPWP = _CH * _NCHUNK
_NPAD = _EPWP - _E // _NW
_NP = 10240
_RPT = _NP // _NS


def _fill_vmem1d(ref, n, value):
    v = jnp.full((16,), value, jnp.float32)

    def step(i, _):
        ref[pl.ds(i * 16, 16)] = v
        return 0

    lax.fori_loop(0, n // 16, step, 0)


def _fill_vmem(ref, rows, cols, value):
    v = jnp.full((16,), value, jnp.float32)

    def row(i, _):
        def col(j, __):
            ref[i, pl.ds(j * 16, 16)] = v
            return 0
        return lax.fori_loop(0, cols // 16, col, 0)

    lax.fori_loop(0, rows, row, 0)


def _zero_acc(zbuf, acc, s):
    for k in range(_RPT // _CH):
        pltpu.sync_copy(zbuf, acc.at[pl.ds(s * _RPT + k * _CH, _CH)])


def _write_out(acc, out_hbm, c, s):
    pltpu.sync_copy(acc.at[pl.ds(s * _RPT, _RPT)],
                    out_hbm.at[c, pl.ds(s * _RPT, _RPT)])


def _agg_phase(x_hbm, idx_hbm, out_hbm, il, r0, r1, acc, isem, gsem, ssem,
               wid, c, s):
    rl = (r0, r1)
    pltpu.sync_copy(idx_hbm.at[wid, 0], il[0])
    pltpu.async_copy(x_hbm.at[il[0].at[0]], r0, gsem)
    pltpu.sync_copy(idx_hbm.at[wid, 1], il[1])
    pltpu.async_copy(idx_hbm.at[wid, 2], il[2], isem)
    pltpu.async_copy(r1, acc.at[il[0].at[1]], ssem, add=True)

    def quad(t, _):
        j = t * 4
        for b in range(4):
            pltpu.make_async_copy(rl[(b + 1) % 2], acc.at[il[0].at[1]],
                                  ssem).wait()
            pltpu.async_copy(x_hbm.at[il[(b + 1) % 4].at[0]],
                             rl[(b + 1) % 2], gsem)
            pltpu.async_copy(idx_hbm.at[wid, j + b + 3], il[(b + 3) % 4],
                             isem)
            pltpu.make_async_copy(x_hbm.at[il[0].at[0]], rl[b % 2],
                                  gsem).wait()
            pltpu.make_async_copy(idx_hbm.at[wid, 0], il[(b + 2) % 4],
                                  isem).wait()
            pltpu.async_copy(rl[b % 2], acc.at[il[b % 4].at[1]], ssem,
                             add=True)
        return 0

    lax.fori_loop(0, _NCHUNK // 4, quad, 0)

    pltpu.make_async_copy(x_hbm.at[il[0].at[0]], r0, gsem).wait()
    pltpu.make_async_copy(idx_hbm.at[wid, 0], il[0], isem).wait()
    pltpu.make_async_copy(r0, acc.at[il[0].at[1]], ssem).wait()
    plsc.subcore_barrier()
    _write_out(acc, out_hbm, c, s)


def _sc_agg_body(x_hbm, idx_hbm, out_hbm, i0, i1, i2, i3, r0, r1, acc,
                 isem, gsem, ssem):
    c = lax.axis_index("c")
    s = lax.axis_index("s")
    wid = s * _NC + c

    _fill_vmem(r1, _CH, _D, 0.0)
    _zero_acc(r1, acc, s)
    plsc.subcore_barrier()

    _agg_phase(x_hbm, idx_hbm, out_hbm, (i0, i1, i2, i3), r0, r1, acc,
               isem, gsem, ssem, wid, c, s)


def _make_sc_agg():
    return pl.kernel(
    _sc_agg_body,
    out_type=jax.ShapeDtypeStruct((_NC, _NP, _D), jnp.float32),
    mesh=plsc.VectorSubcoreMesh(core_axis_name="c", subcore_axis_name="s"),
    scratch_types=(
        [pltpu.VMEM((2, _CH), jnp.int32) for _ in range(4)]
        + [pltpu.VMEM((_CH, _D), jnp.float32) for _ in range(2)]
        + [pltpu.VMEM_SHARED((_NP, _D), jnp.float32),
           pltpu.SemaphoreType.DMA,
           pltpu.SemaphoreType.DMA,
           pltpu.SemaphoreType.DMA]
    ),
    )


def _sc_cnt_body(dst_hbm, out_hbm, hist, dst_all, tmp, cbuf, shared):
    c = lax.axis_index("c")
    s = lax.axis_index("s")
    wid = s * _NC + c

    _fill_vmem1d(hist, _NP, 0.0)
    pltpu.sync_copy(dst_hbm.at[wid], dst_all)

    def hrow(j, _):
        def hcol(l, __):
            v = dst_all[j, pl.ds(l * 16, 16)]
            cc, last = plsc.scan_count(v)
            plsc.addupdate_scatter(hist, [v], cc.astype(jnp.float32),
                                   mask=last)
            return 0
        return lax.fori_loop(0, _CH // 16, hcol, 0)

    lax.fori_loop(0, _NCHUNK, hrow, 0)

    pltpu.sync_copy(hist, shared.at[s])
    plsc.subcore_barrier()

    _fill_vmem1d(cbuf, _RPT, 0.0)
    for t in range(_NS):
        pltpu.sync_copy(shared.at[t, pl.ds(s * _RPT, _RPT)], tmp)

        def add(v, _):
            cbuf[pl.ds(v * 16, 16)] = cbuf[pl.ds(v * 16, 16)] + tmp[pl.ds(v * 16, 16)]
            return 0
        lax.fori_loop(0, _RPT // 16, add, 0)

    pltpu.sync_copy(cbuf, out_hbm.at[c, s])


def _make_sc_cnt():
    return pl.kernel(
    _sc_cnt_body,
    out_type=jax.ShapeDtypeStruct((_NC, _NS, _RPT), jnp.float32),
    mesh=plsc.VectorSubcoreMesh(core_axis_name="c", subcore_axis_name="s"),
    scratch_types=[
        pltpu.VMEM((_NP,), jnp.float32),
        pltpu.VMEM((_NCHUNK, _CH), jnp.int32),
        pltpu.VMEM((_RPT,), jnp.float32),
        pltpu.VMEM((_RPT,), jnp.float32),
        pltpu.VMEM_SHARED((_NS, _NP), jnp.float32),
    ],
    compiler_params=pltpu.CompilerParams(needs_layout_passes=False),
    )


_sc_kernels = {}


def _get_sc_kernels():
    if "agg" not in _sc_kernels:
        _sc_kernels["agg"] = _make_sc_agg()
        _sc_kernels["cnt"] = _make_sc_cnt()
    return _sc_kernels["agg"], _sc_kernels["cnt"]


def _pad_edges(edge_index):
    src = edge_index[0].reshape(_NW, _E // _NW)
    dst = edge_index[1].reshape(_NW, _E // _NW)
    pad_src = (jnp.arange(_NW * _NPAD, dtype=jnp.int32) % _N).reshape(_NW, _NPAD)
    pad_dst = (_N + jnp.arange(_NW * _NPAD, dtype=jnp.int32) % (_NP - _N)
               ).reshape(_NW, _NPAD)
    src = jnp.concatenate([src, pad_src], axis=1).reshape(_NW, _NCHUNK, _CH)
    dst = jnp.concatenate([dst, pad_dst], axis=1).reshape(_NW, _NCHUNK, _CH)
    idx4 = jnp.stack([src, dst], axis=2)
    idx4 = jnp.concatenate([idx4, idx4[:, :4]], axis=1)
    return idx4, dst


_RB = 2000


def _tc_layer1_body(x_ref, p_ref, cnt_ref, wl_ref, bl_ref, wr_ref, h_ref):
    cnt = cnt_ref[0] + cnt_ref[1]
    mean = (p_ref[0] + p_ref[1]) / jnp.maximum(cnt, 1.0)
    dn = (((1,), (1,)), ((), ()))
    h = (lax.dot_general(x_ref[...], wl_ref[...], dn,
                         preferred_element_type=jnp.float32)
         + bl_ref[...]
         + lax.dot_general(mean, wr_ref[...], dn,
                           preferred_element_type=jnp.float32))
    h_ref[...] = jnp.maximum(h, 0.0)


def _tc_layer2_body(h_ref, p_ref, cnt_ref, wl_ref, bl_ref, wr_ref,
                    wo_ref, bo_ref, out_ref):
    cnt = cnt_ref[0] + cnt_ref[1]
    mean = (p_ref[0] + p_ref[1]) / jnp.maximum(cnt, 1.0)
    dn = (((1,), (1,)), ((), ()))
    h2 = (lax.dot_general(h_ref[...], wl_ref[...], dn,
                          preferred_element_type=jnp.float32)
          + bl_ref[...]
          + lax.dot_general(mean, wr_ref[...], dn,
                            preferred_element_type=jnp.float32))
    h2 = jnp.maximum(h2, 0.0)
    out_ref[...] = lax.dot_general(h2, wo_ref[...], dn,
                                   preferred_element_type=jnp.float32) + bo_ref[...]


def _row_spec():
    return pl.BlockSpec((_RB, _D), lambda i: (i, 0))


def _part_spec():
    return pl.BlockSpec((_NC, _RB, _D), lambda i: (0, i, 0))


def _cnt_spec():
    return pl.BlockSpec((_NC, _RB, 1), lambda i: (0, i, 0))


def _w_spec():
    return pl.BlockSpec((_D, _D), lambda i: (0, 0))


def _b_spec():
    return pl.BlockSpec((_D,), lambda i: (0,))


def _tc_layer1(x, p, cntp, Wl, bl, Wr):
    return pl.pallas_call(
        _tc_layer1_body,
        grid=(_N // _RB,),
        in_specs=[_row_spec(), _part_spec(), _cnt_spec(),
                  _w_spec(), _b_spec(), _w_spec()],
        out_specs=_row_spec(),
        out_shape=jax.ShapeDtypeStruct((_N, _D), jnp.float32),
    )(x, p, cntp, Wl, bl, Wr)


def _tc_layer2(h, p, cntp, Wl, bl, Wr, Wo, bo):
    return pl.pallas_call(
        _tc_layer2_body,
        grid=(_N // _RB,),
        in_specs=[_row_spec(), _part_spec(), _cnt_spec(),
                  _w_spec(), _b_spec(), _w_spec(), _w_spec(), _b_spec()],
        out_specs=_row_spec(),
        out_shape=jax.ShapeDtypeStruct((_N, _D), jnp.float32),
    )(h, p, cntp, Wl, bl, Wr, Wo, bo)


def kernel(x, edge_index, W1l, b1l, W1r, W2l, b2l, W2r, Wout, bout):
    _sc_agg, _sc_cnt = _get_sc_kernels()
    idx4, dst3 = _pad_edges(edge_index)
    cntp = _sc_cnt(dst3).reshape(_NC, _NP, 1)
    p1 = _sc_agg(x, idx4)
    h = _tc_layer1(x, p1, cntp, W1l, b1l, W1r)
    p2 = _sc_agg(h, idx4)
    return _tc_layer2(h, p2, cntp, W2l, b2l, W2r, Wout, bout)

# --- scband reference (transcript-rebuilt; emitter-appended) ---
"""Pipeline reference for scband-graph-sagebaseline-66039417143456 (READ-ONLY COPY).

The authoritative reference and input builder live on the scoring server;
editing this copy changes nothing except your own understanding.
"""

import jax, jax.numpy as jnp
import numpy as np

N = 10000
E = 320000
D_IN = 128
D_HID = 128
D_OUT = 128


def setup_inputs(seed: int = 0) -> dict:
    key = jax.random.key(seed)
    ks = jax.random.split(key, 12)
    x = jax.random.normal(ks[0], (N, D_IN), dtype=jnp.float32)
    edge_index = jax.random.randint(ks[1], (2, E), 0, N, dtype=jnp.int32)
    s1 = 1.0 / np.sqrt(D_IN)
    s2 = 1.0 / np.sqrt(D_HID)
    W1l = jax.random.normal(ks[2], (D_HID, D_IN), dtype=jnp.float32) * s1
    b1l = jnp.zeros((D_HID,), dtype=jnp.float32)
    W1r = jax.random.normal(ks[3], (D_HID, D_IN), dtype=jnp.float32) * s1
    W2l = jax.random.normal(ks[4], (D_HID, D_HID), dtype=jnp.float32) * s2
    b2l = jnp.zeros((D_HID,), dtype=jnp.float32)
    W2r = jax.random.normal(ks[5], (D_HID, D_HID), dtype=jnp.float32) * s2
    Wout = jax.random.normal(ks[6], (D_OUT, D_HID), dtype=jnp.float32) * s2
    bout = jnp.zeros((D_OUT,), dtype=jnp.float32)
    return {"x": x, "edge_index": edge_index, "W1l": W1l, "b1l": b1l, "W1r": W1r,
            "W2l": W2l, "b2l": b2l, "W2r": W2r, "Wout": Wout, "bout": bout}


def _sage_conv(x, src, dst, Wl, bl, Wr):
    # PyG SAGEConv with mean aggregation:
    #   out_i = Wl @ x_i + bl + Wr @ mean_{j in N(i)} x_j
    msg = jnp.take(x, src, axis=0)                       # gather source features
    agg = jax.ops.segment_sum(msg, dst, num_segments=N)  # scatter-add to dst
    cnt = jax.ops.segment_sum(jnp.ones((src.shape[0],), dtype=x.dtype), dst, num_segments=N)
    mean = agg / jnp.clip(cnt, 1.0, None)[:, None]
    return x @ Wl.T + bl + mean @ Wr.T


def reference(x, edge_index, W1l, b1l, W1r, W2l, b2l, W2r, Wout, bout):
    src = edge_index[0]
    dst = edge_index[1]
    h = _sage_conv(x, src, dst, W1l, b1l, W1r)
    h = jax.nn.relu(h)
    # dropout p=0.2 is identity in eval mode
    h = _sage_conv(h, src, dst, W2l, b2l, W2r)
    h = jax.nn.relu(h)
    return h @ Wout.T + bout

if __name__ == "__main__":
    import jax
    _d = setup_inputs()
    print(jax.jit(kernel)(*tuple(_d.values())))

</pallas_src>

<mosaic_0001>
#map = affine_map<(d0, d1) -> (0, 0, 0)>
module attributes {stable_mosaic.version = 14 : i64} {
  func.func @_sc_cnt_body(%arg0: i32, %arg1: i32, %arg2: memref<32x80x128xi32, #tpu.memory_space<hbm>>, %arg3: memref<2x16x640xf32, #tpu.memory_space<hbm>>, %arg4: memref<10240xf32, #tpu.memory_space<vmem>>, %arg5: memref<80x128xi32, #tpu.memory_space<vmem>>, %arg6: memref<640xf32, #tpu.memory_space<vmem>>, %arg7: memref<640xf32, #tpu.memory_space<vmem>>, %arg8: memref<16x10240xf32, #tpu.memory_space<vmem_shared>>) attributes {dimension_semantics = [#tpu.dimension_semantics<core_parallel>, #tpu.dimension_semantics<subcore_parallel>], iteration_bounds = array<i64: 2, 16>, scalar_prefetch = 0 : i64, scratch_operands = 5 : i64, tpu.core_type = #tpu.core_type<sc_vector_subcore>, window_params = [{transform_indices = #map}, {transform_indices = #map}]} {
    %mul3A = arith.constant 2 : i32
    %mul3A_0 = arith.muli %arg1, %mul3A : i32
    %add3A = arith.addi %mul3A_0, %arg0 : i32
    %broadcast_in_dim3A = arith.constant 0.000000e+00 : f32
    %broadcast_in_dim3A_1 = vector.broadcast %broadcast_in_dim3A : f32 to vector<16xf32>
    %scan3A = arith.constant 0 : i32
    %scan3A_2 = arith.constant 0 : i32
    %scan3A_3 = arith.constant 640 : i32
    %scan3A_4 = arith.addi %scan3A_2, %scan3A_3 : i32
    %scan3A_5 = arith.constant 1 : i32
    %scan3A_6 = scf.for %scan3A_183 = %scan3A_2 to %scan3A_4 step %scan3A_5 iter_args(%scan3A_184 = %scan3A) -> (i32)  : i32 {
      %mul3A_185 = arith.constant 16 : i32
      %mul3A_186 = arith.muli %scan3A_183, %mul3A_185 : i32
      %swap3A = arith.index_cast %mul3A_186 : i32 to index
      %swap3A_187 = tpu.vector_load %arg4[%swap3A] {strides = array<i32>} : memref<10240xf32, #tpu.memory_space<vmem>>, vector<16xf32>,
      tpu.vector_store %arg4[%swap3A], %broadcast_in_dim3A_1 {strides = array<i32>} : memref<10240xf32, #tpu.memory_space<vmem>>, vector<16xf32>,
      %scan3A_188 = arith.constant 0 : i32
      scf.yield %scan3A_188 : i32
    }
    %scan3A_7 = arith.constant 640 : i32
    "tpu.region"() ({
      %run_scoped3A_183 = tpu.sem_alloc : memref<!tpu.dma_semaphore, #tpu.memory_space<semaphore_mem>>
      %dma_start3A = arith.constant 0 : i32
      %dma_start3A_184 = arith.constant 0 : i32
      %dma_start3A_185 = tpu.memref_slice %arg2[%add3A, %dma_start3A, %dma_start3A_184] : memref<32x80x128xi32, #tpu.memory_space<hbm>> -> memref<1x80x128xi32, #tpu.memory_space<hbm>>
      %dma_start3A_186 = tpu.memref_squeeze %dma_start3A_185 : memref<1x80x128xi32, #tpu.memory_space<hbm>> -> memref<80x128xi32, #tpu.memory_space<hbm>>
      %dma_start3A_187 = arith.constant 0 : i32
      %dma_start3A_188 = arith.constant 0 : i32
      %dma_start3A_189 = tpu.memref_slice %arg2[%add3A, %dma_start3A_187, %dma_start3A_188] : memref<32x80x128xi32, #tpu.memory_space<hbm>> -> memref<1x80x128xi32, #tpu.memory_space<hbm>>
      %dma_start3A_190 = tpu.memref_squeeze %dma_start3A_189 : memref<1x80x128xi32, #tpu.memory_space<hbm>> -> memref<80x128xi32, #tpu.memory_space<hbm>>
      tpu.enqueue_dma source(%dma_start3A_190 : memref<80x128xi32, #tpu.memory_space<hbm>>) target(%arg5 : memref<80x128xi32, #tpu.memory_space<vmem>>) target_semaphore(%run_scoped3A_183 : memref<!tpu.dma_semaphore, #tpu.memory_space<semaphore_mem>>)
      %dma_wait3A = arith.constant 0 : i32
      %dma_wait3A_191 = arith.constant 0 : i32
      %dma_wait3A_192 = tpu.memref_slice %arg2[%add3A, %dma_wait3A, %dma_wait3A_191] : memref<32x80x128xi32, #tpu.memory_space<hbm>> -> memref<1x80x128xi32, #tpu.memory_space<hbm>>
      %dma_wait3A_193 = tpu.memref_squeeze %dma_wait3A_192 : memref<1x80x128xi32, #tpu.memory_space<hbm>> -> memref<80x128xi32, #tpu.memory_space<hbm>>
      %dma_wait3A_194 = arith.constant 0 : i32
      %dma_wait3A_195 = arith.constant 0 : i32
      %dma_wait3A_196 = tpu.memref_slice %arg2[%add3A, %dma_wait3A_194, %dma_wait3A_195] : memref<32x80x128xi32, #tpu.memory_space<hbm>> -> memref<1x80x128xi32, #tpu.memory_space<hbm>>
      %dma_wait3A_197 = tpu.memref_squeeze %dma_wait3A_196 : memref<1x80x128xi32, #tpu.memory_space<hbm>> -> memref<80x128xi32, #tpu.memory_space<hbm>>
      tpu.wait_dma2 semaphore(%run_scoped3A_183 : memref<!tpu.dma_semaphore, #tpu.memory_space<semaphore_mem>>) src(%dma_wait3A_197 : memref<80x128xi32, #tpu.memory_space<hbm>>) dst(%arg5 : memref<80x128xi32, #tpu.memory_space<vmem>>)
      tpu.yield
    }) : () -> ()
    %scan3A_8 = arith.constant 0 : i32
    %scan3A_9 = arith.constant 0 : i32
    %scan3A_10 = arith.constant 80 : i32
    %scan3A_11 = arith.addi %scan3A_9, %scan3A_10 : i32
    %scan3A_12 = arith.constant 1 : i32
    %scan3A_13 = scf.for %scan3A_183 = %scan3A_9 to %scan3A_11 step %scan3A_12 iter_args(%scan3A_184 = %scan3A_8) -> (i32)  : i32 {
      %scan3A_185 = arith.constant 0 : i32
      %scan3A_186 = arith.constant 0 : i32
      %scan3A_187 = arith.constant 8 : i32
      %scan3A_188 = arith.addi %scan3A_186, %scan3A_187 : i32
      %scan3A_189 = arith.constant 1 : i32
      %scan3A_190 = scf.for %scan3A_192 = %scan3A_186 to %scan3A_188 step %scan3A_189 iter_args(%scan3A_193 = %scan3A_185) -> (i32)  : i32 {
        %mul3A_194 = arith.constant 16 : i32
        %mul3A_195 = arith.muli %scan3A_192, %mul3A_194 : i32
        %get3A = arith.index_cast %scan3A_183 : i32 to index
        %get3A_196 = arith.index_cast %mul3A_195 : i32 to index
        %get3A_197 = tpu.vector_load %arg5[%get3A, %get3A_196] {strides = array<i32>} : memref<80x128xi32, #tpu.memory_space<vmem>>, vector<16xi32>,
        %broadcast_in_dim3A_198 = arith.constant true
        %broadcast_in_dim3A_199 = vector.broadcast %broadcast_in_dim3A_198 : i1 to vector<16xi1>
        %unique3A, %unique3A_200 = tpu.scan_count mask(%broadcast_in_dim3A_199 : vector<16xi1>) value(%get3A_197 : vector<16xi32>) : vector<16xi1>, vector<16xi32>
        %convert_element_type3A = arith.sitofp %unique3A_200 : vector<16xi32> to vector<16xf32>
        tpu.vector_store_idx %arg4[%get3A_197], %convert_element_type3A masked %unique3A {add = true} : memref<10240xf32, #tpu.memory_space<vmem>>[vector<16xi32>], vector<16xf32>, vector<16xi1>
        %scan3A_201 = arith.constant 0 : i32
        scf.yield %scan3A_201 : i32
      }
      %scan3A_191 = arith.constant 8 : i32
      scf.yield %scan3A_190 : i32
    }
    %scan3A_14 = arith.constant 80 : i32
    "tpu.region"() ({
      %run_scoped3A_183 = tpu.sem_alloc : memref<!tpu.dma_semaphore, #tpu.memory_space<semaphore_mem>>
      %dma_start3A = arith.constant 0 : i32
      %dma_start3A_184 = tpu.memref_slice %arg8[%arg1, %dma_start3A] : memref<16x10240xf32, #tpu.memory_space<vmem_shared>> -> memref<1x10240xf32, #tpu.memory_space<vmem_shared>>
      %dma_start3A_185 = tpu.memref_squeeze %dma_start3A_184 : memref<1x10240xf32, #tpu.memory_space<vmem_shared>> -> memref<10240xf32, #tpu.memory_space<vmem_shared>>
      %dma_start3A_186 = arith.constant 0 : i32
      %dma_start3A_187 = tpu.memref_slice %arg8[%arg1, %dma_start3A_186] : memref<16x10240xf32, #tpu.memory_space<vmem_shared>> -> memref<1x10240xf32, #tpu.memory_space<vmem_shared>>
      %dma_start3A_188 = tpu.memref_squeeze %dma_start3A_187 : memref<1x10240xf32, #tpu.memory_space<vmem_shared>> -> memref<10240xf32, #tpu.memory_space<vmem_shared>>
      tpu.enqueue_dma source(%arg4 : memref<10240xf32, #tpu.memory_space<vmem>>) target(%dma_start3A_188 : memref<10240xf32, #tpu.memory_space<vmem_shared>>) target_semaphore(%run_scoped3A_183 : memref<!tpu.dma_semaphore, #tpu.memory_space<semaphore_mem>>)
      %dma_wait3A = arith.constant 0 : i32
      %dma_wait3A_189 = tpu.memref_slice %arg8[%arg1, %dma_wait3A] : memref<16x10240xf32, #tpu.memory_space<vmem_shared>> -> memref<1x10240xf32, #tpu.memory_space<vmem_shared>>
      %dma_wait3A_190 = tpu.memref_squeeze %dma_wait3A_189 : memref<1x10240xf32, #tpu.memory_space<vmem_shared>> -> memref<10240xf32, #tpu.memory_space<vmem_shared>>
      %dma_wait3A_191 = arith.constant 0 : i32
      %dma_wait3A_192 = tpu.memref_slice %arg8[%arg1, %dma_wait3A_191] : memref<16x10240xf32, #tpu.memory_space<vmem_shared>> -> memref<1x10240xf32, #tpu.memory_space<vmem_shared>>
      %dma_wait3A_193 = tpu.memref_squeeze %dma_wait3A_192 : memref<1x10240xf32, #tpu.memory_space<vmem_shared>> -> memref<10240xf32, #tpu.memory_space<vmem_shared>>
      tpu.wait_dma2 semaphore(%run_scoped3A_183 : memref<!tpu.dma_semaphore, #tpu.memory_space<semaphore_mem>>) src(%arg4 : memref<10240xf32, #tpu.memory_space<vmem>>) dst(%dma_wait3A_193 : memref<10240xf32, #tpu.memory_space<vmem_shared>>)
      tpu.yield
    }) : () -> ()
    %barrier3A = arith.constant 0 : index
    tpu.barrier barrier_id(%barrier3A)
    %broadcast_in_dim3A_15 = arith.constant 0.000000e+00 : f32
    %broadcast_in_dim3A_16 = vector.broadcast %broadcast_in_dim3A_15 : f32 to vector<16xf32>
    %scan3A_17 = arith.constant 0 : i32
    %scan3A_18 = arith.constant 0 : i32
    %scan3A_19 = arith.constant 40 : i32
    %scan3A_20 = arith.addi %scan3A_18, %scan3A_19 : i32
    %scan3A_21 = arith.constant 1 : i32
    %scan3A_22 = scf.for %scan3A_183 = %scan3A_18 to %scan3A_20 step %scan3A_21 iter_args(%scan3A_184 = %scan3A_17) -> (i32)  : i32 {
      %mul3A_185 = arith.constant 16 : i32
      %mul3A_186 = arith.muli %scan3A_183, %mul3A_185 : i32
      %swap3A = arith.index_cast %mul3A_186 : i32 to index
      %swap3A_187 = tpu.vector_load %arg7[%swap3A] {strides = array<i32>} : memref<640xf32, #tpu.memory_space<vmem>>, vector<16xf32>,
      tpu.vector_store %arg7[%swap3A], %broadcast_in_dim3A_16 {strides = array<i32>} : memref<640xf32, #tpu.memory_space<vmem>>, vector<16xf32>,
      %scan3A_188 = arith.constant 0 : i32
      scf.yield %scan3A_188 : i32
    }
    %scan3A_23 = arith.constant 40 : i32
    %mul3A_24 = arith.constant 640 : i32
    %mul3A_25 = arith.muli %arg1, %mul3A_24 : i32
    %run_scoped3A = arith.constant 0 : i32
    "tpu.region"() ({
      %run_scoped3A_183 = tpu.sem_alloc : memref<!tpu.dma_semaphore, #tpu.memory_space<semaphore_mem>>
      %dma_start3A = tpu.memref_slice %arg8[%run_scoped3A, %mul3A_25] : memref<16x10240xf32, #tpu.memory_space<vmem_shared>> -> memref<1x640xf32, #tpu.memory_space<vmem_shared>>
      %dma_start3A_184 = tpu.memref_squeeze %dma_start3A : memref<1x640xf32, #tpu.memory_space<vmem_shared>> -> memref<640xf32, #tpu.memory_space<vmem_shared>>
      %dma_start3A_185 = tpu.memref_slice %arg8[%run_scoped3A, %mul3A_25] : memref<16x10240xf32, #tpu.memory_space<vmem_shared>> -> memref<1x640xf32, #tpu.memory_space<vmem_shared>>
      %dma_start3A_186 = tpu.memref_squeeze %dma_start3A_185 : memref<1x640xf32, #tpu.memory_space<vmem_shared>> -> memref<640xf32, #tpu.memory_space<vmem_shared>>
      tpu.enqueue_dma source(%dma_start3A_186 : memref<640xf32, #tpu.memory_space<vmem_shared>>) target(%arg6 : memref<640xf32, #tpu.memory_space<vmem>>) target_semaphore(%run_scoped3A_183 : memref<!tpu.dma_semaphore, #tpu.memory_space<semaphore_mem>>)
      %dma_wait3A = tpu.memref_slice %arg8[%run_scoped3A, %mul3A_25] : memref<16x10240xf32, #tpu.memory_space<vmem_shared>> -> memref<1x640xf32, #tpu.memory_space<vmem_shared>>
      %dma_wait3A_187 = tpu.memref_squeeze %dma_wait3A : memref<1x640xf32, #tpu.memory_space<vmem_shared>> -> memref<640xf32, #tpu.memory_space<vmem_shared>>
      %dma_wait3A_188 = tpu.memref_slice %arg8[%run_scoped3A, %mul3A_25] : memref<16x10240xf32, #tpu.memory_space<vmem_shared>> -> memref<1x640xf32, #tpu.memory_space<vmem_shared>>
      %dma_wait3A_189 = tpu.memref_squeeze %dma_wait3A_188 : memref<1x640xf32, #tpu.memory_space<vmem_shared>> -> memref<640xf32, #tpu.memory_space<vmem_shared>>
      tpu.wait_dma2 semaphore(%run_scoped3A_183 : memref<!tpu.dma_semaphore, #tpu.memory_space<semaphore_mem>>) src(%dma_wait3A_189 : memref<640xf32, #tpu.memory_space<vmem_shared>>) dst(%arg6 : memref<640xf32, #tpu.memory_space<vmem>>)
      tpu.yield
    }) : () -> ()
    %scan3A_26 = arith.constant 0 : i32
    %scan3A_27 = arith.constant 0 : i32
    %scan3A_28 = arith.constant 40 : i32
    %scan3A_29 = arith.addi %scan3A_27, %scan3A_28 : i32
    %scan3A_30 = arith.constant 1 : i32
    %scan3A_31 = scf.for %scan3A_183 = %scan3A_27 to %scan3A_29 step %scan3A_30 iter_args(%scan3A_184 = %scan3A_26) -> (i32)  : i32 {
      %mul3A_185 = arith.constant 16 : i32
      %mul3A_186 = arith.muli %scan3A_183, %mul3A_185 : i32
      %get3A = arith.index_cast %mul3A_186 : i32 to index
      %get3A_187 = tpu.vector_load %arg7[%get3A] {strides = array<i32>} : memref<640xf32, #tpu.memory_space<vmem>>, vector<16xf32>,
      %mul3A_188 = arith.constant 16 : i32
      %mul3A_189 = arith.muli %scan3A_183, %mul3A_188 : i32
      %get3A_190 = arith.index_cast %mul3A_189 : i32 to index
      %get3A_191 = tpu.vector_load %arg6[%get3A_190] {strides = array<i32>} : memref<640xf32, #tpu.memory_space<vmem>>, vector<16xf32>,
      %add3A_192 = arith.addf %get3A_187, %get3A_191 : vector<16xf32>
      %mul3A_193 = arith.constant 16 : i32
      %mul3A_194 = arith.muli %scan3A_183, %mul3A_193 : i32
      %swap3A = arith.index_cast %mul3A_194 : i32 to index
      %swap3A_195 = tpu.vector_load %arg7[%swap3A] {strides = array<i32>} : memref<640xf32, #tpu.memory_space<vmem>>, vector<16xf32>,
      tpu.vector_store %arg7[%swap3A], %add3A_192 {strides = array<i32>} : memref<640xf32, #tpu.memory_space<vmem>>, vector<16xf32>,
      %scan3A_196 = arith.constant 0 : i32
      scf.yield %scan3A_196 : i32
    }
    %scan3A_32 = arith.constant 40 : i32
    %mul3A_33 = arith.constant 640 : i32
    %mul3A_34 = arith.muli %arg1, %mul3A_33 : i32
    %run_scoped3A_35 = arith.constant 1 : i32
    "tpu.region"() ({
      %run_scoped3A_183 = tpu.sem_alloc : memref<!tpu.dma_semaphore, #tpu.memory_space<semaphore_mem>>
      %dma_start3A = tpu.memref_slice %arg8[%run_scoped3A_35, %mul3A_34] : memref<16x10240xf32, #tpu.memory_space<vmem_shared>> -> memref<1x640xf32, #tpu.memory_space<vmem_shared>>
      %dma_start3A_184 = tpu.memref_squeeze %dma_start3A : memref<1x640xf32, #tpu.memory_space<vmem_shared>> -> memref<640xf32, #tpu.memory_space<vmem_shared>>
      %dma_start3A_185 = tpu.memref_slice %arg8[%run_scoped3A_35, %mul3A_34] : memref<16x10240xf32, #tpu.memory_space<vmem_shared>> -> memref<1x640xf32, #tpu.memory_space<vmem_shared>>
      %dma_start3A_186 = tpu.memref_squeeze %dma_start3A_185 : memref<1x640xf32, #tpu.memory_space<vmem_shared>> -> memref<640xf32, #tpu.memory_space<vmem_shared>>
      tpu.enqueue_dma source(%dma_start3A_186 : memref<640xf32, #tpu.memory_space<vmem_shared>>) target(%arg6 : memref<640xf32, #tpu.memory_space<vmem>>) target_semaphore(%run_scoped3A_183 : memref<!tpu.dma_semaphore, #tpu.memory_space<semaphore_mem>>)
      %dma_wait3A = tpu.memref_slice %arg8[%run_scoped3A_35, %mul3A_34] : memref<16x10240xf32, #tpu.memory_space<vmem_shared>> -> memref<1x640xf32, #tpu.memory_space<vmem_shared>>
      %dma_wait3A_187 = tpu.memref_squeeze %dma_wait3A : memref<1x640xf32, #tpu.memory_space<vmem_shared>> -> memref<640xf32, #tpu.memory_space<vmem_shared>>
      %dma_wait3A_188 = tpu.memref_slice %arg8[%run_scoped3A_35, %mul3A_34] : memref<16x10240xf32, #tpu.memory_space<vmem_shared>> -> memref<1x640xf32, #tpu.memory_space<vmem_shared>>
      %dma_wait3A_189 = tpu.memref_squeeze %dma_wait3A_188 : memref<1x640xf32, #tpu.memory_space<vmem_shared>> -> memref<640xf32, #tpu.memory_space<vmem_shared>>
      tpu.wait_dma2 semaphore(%run_scoped3A_183 : memref<!tpu.dma_semaphore, #tpu.memory_space<semaphore_mem>>) src(%dma_wait3A_189 : memref<640xf32, #tpu.memory_space<vmem_shared>>) dst(%arg6 : memref<640xf32, #tpu.memory_space<vmem>>)
      tpu.yield
    }) : () -> ()
    %scan3A_36 = arith.constant 0 : i32
    %scan3A_37 = arith.constant 0 : i32
    %scan3A_38 = arith.constant 40 : i32
    %scan3A_39 = arith.addi %scan3A_37, %scan3A_38 : i32
    %scan3A_40 = arith.constant 1 : i32
    %scan3A_41 = scf.for %scan3A_183 = %scan3A_37 to %scan3A_39 step %scan3A_40 iter_args(%scan3A_184 = %scan3A_36) -> (i32)  : i32 {
      %mul3A_185 = arith.constant 16 : i32
      %mul3A_186 = arith.muli %scan3A_183, %mul3A_185 : i32
      %get3A = arith.index_cast %mul3A_186 : i32 to index
      %get3A_187 = tpu.vector_load %arg7[%get3A] {strides = array<i32>} : memref<640xf32, #tpu.memory_space<vmem>>, vector<16xf32>,
      %mul3A_188 = arith.constant 16 : i32
      %mul3A_189 = arith.muli %scan3A_183, %mul3A_188 : i32
      %get3A_190 = arith.index_cast %mul3A_189 : i32 to index
      %get3A_191 = tpu.vector_load %arg6[%get3A_190] {strides = array<i32>} : memref<640xf32, #tpu.memory_space<vmem>>, vector<16xf32>,
      %add3A_192 = arith.addf %get3A_187, %get3A_191 : vector<16xf32>
      %mul3A_193 = arith.constant 16 : i32
      %mul3A_194 = arith.muli %scan3A_183, %mul3A_193 : i32
      %swap3A = arith.index_cast %mul3A_194 : i32 to index
      %swap3A_195 = tpu.vector_load %arg7[%swap3A] {strides = array<i32>} : memref<640xf32, #tpu.memory_space<vmem>>, vector<16xf32>,
      tpu.vector_store %arg7[%swap3A], %add3A_192 {strides = array<i32>} : memref<640xf32, #tpu.memory_space<vmem>>, vector<16xf32>,
      %scan3A_196 = arith.constant 0 : i32
      scf.yield %scan3A_196 : i32
    }
    %scan3A_42 = arith.constant 40 : i32
    %mul3A_43 = arith.constant 640 : i32
    %mul3A_44 = arith.muli %arg1, %mul3A_43 : i32
    %run_scoped3A_45 = arith.constant 2 : i32
    "tpu.region"() ({
      %run_scoped3A_183 = tpu.sem_alloc : memref<!tpu.dma_semaphore, #tpu.memory_space<semaphore_mem>>
      %dma_start3A = tpu.memref_slice %arg8[%run_scoped3A_45, %mul3A_44] : memref<16x10240xf32, #tpu.memory_space<vmem_shared>> -> memref<1x640xf32, #tpu.memory_space<vmem_shared>>
      %dma_start3A_184 = tpu.memref_squeeze %dma_start3A : memref<1x640xf32, #tpu.memory_space<vmem_shared>> -> memref<640xf32, #tpu.memory_space<vmem_shared>>
      %dma_start3A_185 = tpu.memref_slice %arg8[%run_scoped3A_45, %mul3A_44] : memref<16x10240xf32, #tpu.memory_space<vmem_shared>> -> memref<1x640xf32, #tpu.memory_space<vmem_shared>>
      %dma_start3A_186 = tpu.memref_squeeze %dma_start3A_185 : memref<1x640xf32, #tpu.memory_space<vmem_shared>> -> memref<640xf32, #tpu.memory_space<vmem_shared>>
      tpu.enqueue_dma source(%dma_start3A_186 : memref<640xf32, #tpu.memory_space<vmem_shared>>) target(%arg6 : memref<640xf32, #tpu.memory_space<vmem>>) target_semaphore(%run_scoped3A_183 : memref<!tpu.dma_semaphore, #tpu.memory_space<semaphore_mem>>)
      %dma_wait3A = tpu.memref_slice %arg8[%run_scoped3A_45, %mul3A_44] : memref<16x10240xf32, #tpu.memory_space<vmem_shared>> -> memref<1x640xf32, #tpu.memory_space<vmem_shared>>
      %dma_wait3A_187 = tpu.memref_squeeze %dma_wait3A : memref<1x640xf32, #tpu.memory_space<vmem_shared>> -> memref<640xf32, #tpu.memory_space<vmem_shared>>
      %dma_wait3A_188 = tpu.memref_slice %arg8[%run_scoped3A_45, %mul3A_44] : memref<16x10240xf32, #tpu.memory_space<vmem_shared>> -> memref<1x640xf32, #tpu.memory_space<vmem_shared>>
      %dma_wait3A_189 = tpu.memref_squeeze %dma_wait3A_188 : memref<1x640xf32, #tpu.memory_space<vmem_shared>> -> memref<640xf32, #tpu.memory_space<vmem_shared>>
      tpu.wait_dma2 semaphore(%run_scoped3A_183 : memref<!tpu.dma_semaphore, #tpu.memory_space<semaphore_mem>>) src(%dma_wait3A_189 : memref<640xf32, #tpu.memory_space<vmem_shared>>) dst(%arg6 : memref<640xf32, #tpu.memory_space<vmem>>)
      tpu.yield
    }) : () -> ()
    %scan3A_46 = arith.constant 0 : i32
    %scan3A_47 = arith.constant 0 : i32
    %scan3A_48 = arith.constant 40 : i32
    %scan3A_49 = arith.addi %scan3A_47, %scan3A_48 : i32
    %scan3A_50 = arith.constant 1 : i32
    %scan3A_51 = scf.for %scan3A_183 = %scan3A_47 to %scan3A_49 step %scan3A_50 iter_args(%scan3A_184 = %scan3A_46) -> (i32)  : i32 {
      %mul3A_185 = arith.constant 16 : i32
      %mul3A_186 = arith.muli %scan3A_183, %mul3A_185 : i32
      %get3A = arith.index_cast %mul3A_186 : i32 to index
      %get3A_187 = tpu.vector_load %arg7[%get3A] {strides = array<i32>} : memref<640xf32, #tpu.memory_space<vmem>>, vector<16xf32>,
      %mul3A_188 = arith.constant 16 : i32
      %mul3A_189 = arith.muli %scan3A_183, %mul3A_188 : i32
      %get3A_190 = arith.index_cast %mul3A_189 : i32 to index
      %get3A_191 = tpu.vector_load %arg6[%get3A_190] {strides = array<i32>} : memref<640xf32, #tpu.memory_space<vmem>>, vector<16xf32>,
      %add3A_192 = arith.addf %get3A_187, %get3A_191 : vector<16xf32>
      %mul3A_193 = arith.constant 16 : i32
      %mul3A_194 = arith.muli %scan3A_183, %mul3A_193 : i32
      %swap3A = arith.index_cast %mul3A_194 : i32 to index
      %swap3A_195 = tpu.vector_load %arg7[%swap3A] {strides = array<i32>} : memref<640xf32, #tpu.memory_space<vmem>>, vector<16xf32>,
      tpu.vector_store %arg7[%swap3A], %add3A_192 {strides = array<i32>} : memref<640xf32, #tpu.memory_space<vmem>>, vector<16xf32>,
      %scan3A_196 = arith.constant 0 : i32
      scf.yield %scan3A_196 : i32
    }
    %scan3A_52 = arith.constant 40 : i32
    %mul3A_53 = arith.constant 640 : i32
    %mul3A_54 = arith.muli %arg1, %mul3A_53 : i32
    %run_scoped3A_55 = arith.constant 3 : i32
    "tpu.region"() ({
      %run_scoped3A_183 = tpu.sem_alloc : memref<!tpu.dma_semaphore, #tpu.memory_space<semaphore_mem>>
      %dma_start3A = tpu.memref_slice %arg8[%run_scoped3A_55, %mul3A_54] : memref<16x10240xf32, #tpu.memory_space<vmem_shared>> -> memref<1x640xf32, #tpu.memory_space<vmem_shared>>
      %dma_start3A_184 = tpu.memref_squeeze %dma_start3A : memref<1x640xf32, #tpu.memory_space<vmem_shared>> -> memref<640xf32, #tpu.memory_space<vmem_shared>>
      %dma_start3A_185 = tpu.memref_slice %arg8[%run_scoped3A_55, %mul3A_54] : memref<16x10240xf32, #tpu.memory_space<vmem_shared>> -> memref<1x640xf32, #tpu.memory_space<vmem_shared>>
      %dma_start3A_186 = tpu.memref_squeeze %dma_start3A_185 : memref<1x640xf32, #tpu.memory_space<vmem_shared>> -> memref<640xf32, #tpu.memory_space<vmem_shared>>
      tpu.enqueue_dma source(%dma_start3A_186 : memref<640xf32, #tpu.memory_space<vmem_shared>>) target(%arg6 : memref<640xf32, #tpu.memory_space<vmem>>) target_semaphore(%run_scoped3A_183 : memref<!tpu.dma_semaphore, #tpu.memory_space<semaphore_mem>>)
      %dma_wait3A = tpu.memref_slice %arg8[%run_scoped3A_55, %mul3A_54] : memref<16x10240xf32, #tpu.memory_space<vmem_shared>> -> memref<1x640xf32, #tpu.memory_space<vmem_shared>>
      %dma_wait3A_187 = tpu.memref_squeeze %dma_wait3A : memref<1x640xf32, #tpu.memory_space<vmem_shared>> -> memref<640xf32, #tpu.memory_space<vmem_shared>>
      %dma_wait3A_188 = tpu.memref_slice %arg8[%run_scoped3A_55, %mul3A_54] : memref<16x10240xf32, #tpu.memory_space<vmem_shared>> -> memref<1x640xf32, #tpu.memory_space<vmem_shared>>
      %dma_wait3A_189 = tpu.memref_squeeze %dma_wait3A_188 : memref<1x640xf32, #tpu.memory_space<vmem_shared>> -> memref<640xf32, #tpu.memory_space<vmem_shared>>
      tpu.wait_dma2 semaphore(%run_scoped3A_183 : memref<!tpu.dma_semaphore, #tpu.memory_space<semaphore_mem>>) src(%dma_wait3A_189 : memref<640xf32, #tpu.memory_space<vmem_shared>>) dst(%arg6 : memref<640xf32, #tpu.memory_space<vmem>>)
      tpu.yield
    }) : () -> ()
    %scan3A_56 = arith.constant 0 : i32
    %scan3A_57 = arith.constant 0 : i32
    %scan3A_58 = arith.constant 40 : i32
    %scan3A_59 = arith.addi %scan3A_57, %scan3A_58 : i32
    %scan3A_60 = arith.constant 1 : i32
    %scan3A_61 = scf.for %scan3A_183 = %scan3A_57 to %scan3A_59 step %scan3A_60 iter_args(%scan3A_184 = %scan3A_56) -> (i32)  : i32 {
      %mul3A_185 = arith.constant 16 : i32
      %mul3A_186 = arith.muli %scan3A_183, %mul3A_185 : i32
      %get3A = arith.index_cast %mul3A_186 : i32 to index
      %get3A_187 = tpu.vector_load %arg7[%get3A] {strides = array<i32>} : memref<640xf32, #tpu.memory_space<vmem>>, vector<16xf32>,
      %mul3A_188 = arith.constant 16 : i32
      %mul3A_189 = arith.muli %scan3A_183, %mul3A_188 : i32
      %get3A_190 = arith.index_cast %mul3A_189 : i32 to index
      %get3A_191 = tpu.vector_load %arg6[%get3A_190] {strides = array<i32>} : memref<640xf32, #tpu.memory_space<vmem>>, vector<16xf32>,
      %add3A_192 = arith.addf %get3A_187, %get3A_191 : vector<16xf32>
      %mul3A_193 = arith.constant 16 : i32
      %mul3A_194 = arith.muli %scan3A_183, %mul3A_193 : i32
      %swap3A = arith.index_cast %mul3A_194 : i32 to index
      %swap3A_195 = tpu.vector_load %arg7[%swap3A] {strides = array<i32>} : memref<640xf32, #tpu.memory_space<vmem>>, vector<16xf32>,
      tpu.vector_store %arg7[%swap3A], %add3A_192 {strides = array<i32>} : memref<640xf32, #tpu.memory_space<vmem>>, vector<16xf32>,
      %scan3A_196 = arith.constant 0 : i32
      scf.yield %scan3A_196 : i32
    }
    %scan3A_62 = arith.constant 40 : i32
    %mul3A_63 = arith.constant 640 : i32
    %mul3A_64 = arith.muli %arg1, %mul3A_63 : i32
    %run_scoped3A_65 = arith.constant 4 : i32
    "tpu.region"() ({
      %run_scoped3A_183 = tpu.sem_alloc : memref<!tpu.dma_semaphore, #tpu.memory_space<semaphore_mem>>
      %dma_start3A = tpu.memref_slice %arg8[%run_scoped3A_65, %mul3A_64] : memref<16x10240xf32, #tpu.memory_space<vmem_shared>> -> memref<1x640xf32, #tpu.memory_space<vmem_shared>>
      %dma_start3A_184 = tpu.memref_squeeze %dma_start3A : memref<1x640xf32, #tpu.memory_space<vmem_shared>> -> memref<640xf32, #tpu.memory_space<vmem_shared>>
      %dma_start3A_185 = tpu.memref_slice %arg8[%run_scoped3A_65, %mul3A_64] : memref<16x10240xf32, #tpu.memory_space<vmem_shared>> -> memref<1x640xf32, #tpu.memory_space<vmem_shared>>
      %dma_start3A_186 = tpu.memref_squeeze %dma_start3A_185 : memref<1x640xf32, #tpu.memory_space<vmem_shared>> -> memref<640xf32, #tpu.memory_space<vmem_shared>>
      tpu.enqueue_dma source(%dma_start3A_186 : memref<640xf32, #tpu.memory_space<vmem_shared>>) target(%arg6 : memref<640xf32, #tpu.memory_space<vmem>>) target_semaphore(%run_scoped3A_183 : memref<!tpu.dma_semaphore, #tpu.memory_space<semaphore_mem>>)
      %dma_wait3A = tpu.memref_slice %arg8[%run_scoped3A_65, %mul3A_64] : memref<16x10240xf32, #tpu.memory_space<vmem_shared>> -> memref<1x640xf32, #tpu.memory_space<vmem_shared>>
      %dma_wait3A_187 = tpu.memref_squeeze %dma_wait3A : memref<1x640xf32, #tpu.memory_space<vmem_shared>> -> memref<640xf32, #tpu.memory_space<vmem_shared>>
      %dma_wait3A_188 = tpu.memref_slice %arg8[%run_scoped3A_65, %mul3A_64] : memref<16x10240xf32, #tpu.memory_space<vmem_shared>> -> memref<1x640xf32, #tpu.memory_space<vmem_shared>>
      %dma_wait3A_189 = tpu.memref_squeeze %dma_wait3A_188 : memref<1x640xf32, #tpu.memory_space<vmem_shared>> -> memref<640xf32, #tpu.memory_space<vmem_shared>>
      tpu.wait_dma2 semaphore(%run_scoped3A_183 : memref<!tpu.dma_semaphore, #tpu.memory_space<semaphore_mem>>) src(%dma_wait3A_189 : memref<640xf32, #tpu.memory_space<vmem_shared>>) dst(%arg6 : memref<640xf32, #tpu.memory_space<vmem>>)
      tpu.yield
    }) : () -> ()
    %scan3A_66 = arith.constant 0 : i32
    %scan3A_67 = arith.constant 0 : i32
    %scan3A_68 = arith.constant 40 : i32
    %scan3A_69 = arith.addi %scan3A_67, %scan3A_68 : i32
    %scan3A_70 = arith.constant 1 : i32
    %scan3A_71 = scf.for %scan3A_183 = %scan3A_67 to %scan3A_69 step %scan3A_70 iter_args(%scan3A_184 = %scan3A_66) -> (i32)  : i32 {
      %mul3A_185 = arith.constant 16 : i32
      %mul3A_186 = arith.muli %scan3A_183, %mul3A_185 : i32
      %get3A = arith.index_cast %mul3A_186 : i32 to index
      %get3A_187 = tpu.vector_load %arg7[%get3A] {strides = array<i32>} : memref<640xf32, #tpu.memory_space<vmem>>, vector<16xf32>,
      %mul3A_188 = arith.constant 16 : i32
      %mul3A_189 = arith.muli %scan3A_183, %mul3A_188 : i32
      %get3A_190 = arith.index_cast %mul3A_189 : i32 to index
      %get3A_191 = tpu.vector_load %arg6[%get3A_190] {strides = array<i32>} : memref<640xf32, #tpu.memory_space<vmem>>, vector<16xf32>,
      %add3A_192 = arith.addf %get3A_187, %get3A_191 : vector<16xf32>
      %mul3A_193 = arith.constant 16 : i32
      %mul3A_194 = arith.muli %scan3A_183, %mul3A_193 : i32
      %swap3A = arith.index_cast %mul3A_194 : i32 to index
      %swap3A_195 = tpu.vector_load %arg7[%swap3A] {strides = array<i32>} : memref<640xf32, #tpu.memory_space<vmem>>, vector<16xf32>,
      tpu.vector_store %arg7[%swap3A], %add3A_192 {strides = array<i32>} : memref<640xf32, #tpu.memory_space<vmem>>, vector<16xf32>,
      %scan3A_196 = arith.constant 0 : i32
      scf.yield %scan3A_196 : i32
    }
    %scan3A_72 = arith.constant 40 : i32
    %mul3A_73 = arith.constant 640 : i32
    %mul3A_74 = arith.muli %arg1, %mul3A_73 : i32
    %run_scoped3A_75 = arith.constant 5 : i32
    "tpu.region"() ({
      %run_scoped3A_183 = tpu.sem_alloc : memref<!tpu.dma_semaphore, #tpu.memory_space<semaphore_mem>>
      %dma_start3A = tpu.memref_slice %arg8[%run_scoped3A_75, %mul3A_74] : memref<16x10240xf32, #tpu.memory_space<vmem_shared>> -> memref<1x640xf32, #tpu.memory_space<vmem_shared>>
      %dma_start3A_184 = tpu.memref_squeeze %dma_start3A : memref<1x640xf32, #tpu.memory_space<vmem_shared>> -> memref<640xf32, #tpu.memory_space<vmem_shared>>
      %dma_start3A_185 = tpu.memref_slice %arg8[%run_scoped3A_75, %mul3A_74] : memref<16x10240xf32, #tpu.memory_space<vmem_shared>> -> memref<1x640xf32, #tpu.memory_space<vmem_shared>>
      %dma_start3A_186 = tpu.memref_squeeze %dma_start3A_185 : memref<1x640xf32, #tpu.memory_space<vmem_shared>> -> memref<640xf32, #tpu.memory_space<vmem_shared>>
      tpu.enqueue_dma source(%dma_start3A_186 : memref<640xf32, #tpu.memory_space<vmem_shared>>) target(%arg6 : memref<640xf32, #tpu.memory_space<vmem>>) target_semaphore(%run_scoped3A_183 : memref<!tpu.dma_semaphore, #tpu.memory_space<semaphore_mem>>)
      %dma_wait3A = tpu.memref_slice %arg8[%run_scoped3A_75, %mul3A_74] : memref<16x10240xf32, #tpu.memory_space<vmem_shared>> -> memref<1x640xf32, #tpu.memory_space<vmem_shared>>
      %dma_wait3A_187 = tpu.memref_squeeze %dma_wait3A : memref<1x640xf32, #tpu.memory_space<vmem_shared>> -> memref<640xf32, #tpu.memory_space<vmem_shared>>
      %dma_wait3A_188 = tpu.memref_slice %arg8[%run_scoped3A_75, %mul3A_74] : memref<16x10240xf32, #tpu.memory_space<vmem_shared>> -> memref<1x640xf32, #tpu.memory_space<vmem_shared>>
      %dma_wait3A_189 = tpu.memref_squeeze %dma_wait3A_188 : memref<1x640xf32, #tpu.memory_space<vmem_shared>> -> memref<640xf32, #tpu.memory_space<vmem_shared>>
      tpu.wait_dma2 semaphore(%run_scoped3A_183 : memref<!tpu.dma_semaphore, #tpu.memory_space<semaphore_mem>>) src(%dma_wait3A_189 : memref<640xf32, #tpu.memory_space<vmem_shared>>) dst(%arg6 : memref<640xf32, #tpu.memory_space<vmem>>)
      tpu.yield
    }) : () -> ()
    %scan3A_76 = arith.constant 0 : i32
    %scan3A_77 = arith.constant 0 : i32
    %scan3A_78 = arith.constant 40 : i32
    %scan3A_79 = arith.addi %scan3A_77, %scan3A_78 : i32
    %scan3A_80 = arith.constant 1 : i32
    %scan3A_81 = scf.for %scan3A_183 = %scan3A_77 to %scan3A_79 step %scan3A_80 iter_args(%scan3A_184 = %scan3A_76) -> (i32)  : i32 {
      %mul3A_185 = arith.constant 16 : i32
      %mul3A_186 = arith.muli %scan3A_183, %mul3A_185 : i32
      %get3A = arith.index_cast %mul3A_186 : i32 to index
      %get3A_187 = tpu.vector_load %arg7[%get3A] {strides = array<i32>} : memref<640xf32, #tpu.memory_space<vmem>>, vector<16xf32>,
      %mul3A_188 = arith.constant 16 : i32
      %mul3A_189 = arith.muli %scan3A_183, %mul3A_188 : i32
      %get3A_190 = arith.index_cast %mul3A_189 : i32 to index
      %get3A_191 = tpu.vector_load %arg6[%get3A_190] {strides = array<i32>} : memref<640xf32, #tpu.memory_space<vmem>>, vector<16xf32>,
      %add3A_192 = arith.addf %get3A_187, %get3A_191 : vector<16xf32>
      %mul3A_193 = arith.constant 16 : i32
      %mul3A_194 = arith.muli %scan3A_183, %mul3A_193 : i32
      %swap3A = arith.index_cast %mul3A_194 : i32 to index
      %swap3A_195 = tpu.vector_load %arg7[%swap3A] {strides = array<i32>} : memref<640xf32, #tpu.memory_space<vmem>>, vector<16xf32>,
      tpu.vector_store %arg7[%swap3A], %add3A_192 {strides = array<i32>} : memref<640xf32, #tpu.memory_space<vmem>>, vector<16xf32>,
      %scan3A_196 = arith.constant 0 : i32
      scf.yield %scan3A_196 : i32
    }
    %scan3A_82 = arith.constant 40 : i32
    %mul3A_83 = arith.constant 640 : i32
    %mul3A_84 = arith.muli %arg1, %mul3A_83 : i32
    %run_scoped3A_85 = arith.constant 6 : i32
    "tpu.region"() ({
      %run_scoped3A_183 = tpu.sem_alloc : memref<!tpu.dma_semaphore, #tpu.memory_space<semaphore_mem>>
      %dma_start3A = tpu.memref_slice %arg8[%run_scoped3A_85, %mul3A_84] : memref<16x10240xf32, #tpu.memory_space<vmem_shared>> -> memref<1x640xf32, #tpu.memory_space<vmem_shared>>
      %dma_start3A_184 = tpu.memref_squeeze %dma_start3A : memref<1x640xf32, #tpu.memory_space<vmem_shared>> -> memref<640xf32, #tpu.memory_space<vmem_shared>>
      %dma_start3A_185 = tpu.memref_slice %arg8[%run_scoped3A_85, %mul3A_84] : memref<16x10240xf32, #tpu.memory_space<vmem_shared>> -> memref<1x640xf32, #tpu.memory_space<vmem_shared>>
      %dma_start3A_186 = tpu.memref_squeeze %dma_start3A_185 : memref<1x640xf32, #tpu.memory_space<vmem_shared>> -> memref<640xf32, #tpu.memory_space<vmem_shared>>
      tpu.enqueue_dma source(%dma_start3A_186 : memref<640xf32, #tpu.memory_space<vmem_shared>>) target(%arg6 : memref<640xf32, #tpu.memory_space<vmem>>) target_semaphore(%run_scoped3A_183 : memref<!tpu.dma_semaphore, #tpu.memory_space<semaphore_mem>>)
      %dma_wait3A = tpu.memref_slice %arg8[%run_scoped3A_85, %mul3A_84] : memref<16x10240xf32, #tpu.memory_space<vmem_shared>> -> memref<1x640xf32, #tpu.memory_space<vmem_shared>>
      %dma_wait3A_187 = tpu.memref_squeeze %dma_wait3A : memref<1x640xf32, #tpu.memory_space<vmem_shared>> -> memref<640xf32, #tpu.memory_space<vmem_shared>>
      %dma_wait3A_188 = tpu.memref_slice %arg8[%run_scoped3A_85, %mul3A_84] : memref<16x10240xf32, #tpu.memory_space<vmem_shared>> -> memref<1x640xf32, #tpu.memory_space<vmem_shared>>
      %dma_wait3A_189 = tpu.memref_squeeze %dma_wait3A_188 : memref<1x640xf32, #tpu.memory_space<vmem_shared>> -> memref<640xf32, #tpu.memory_space<vmem_shared>>
      tpu.wait_dma2 semaphore(%run_scoped3A_183 : memref<!tpu.dma_semaphore, #tpu.memory_space<semaphore_mem>>) src(%dma_wait3A_189 : memref<640xf32, #tpu.memory_space<vmem_shared>>) dst(%arg6 : memref<640xf32, #tpu.memory_space<vmem>>)
      tpu.yield
    }) : () -> ()
    %scan3A_86 = arith.constant 0 : i32
    %scan3A_87 = arith.constant 0 : i32
    %scan3A_88 = arith.constant 40 : i32
    %scan3A_89 = arith.addi %scan3A_87, %scan3A_88 : i32
    %scan3A_90 = arith.constant 1 : i32
    %scan3A_91 = scf.for %scan3A_183 = %scan3A_87 to %scan3A_89 step %scan3A_90 iter_args(%scan3A_184 = %scan3A_86) -> (i32)  : i32 {
      %mul3A_185 = arith.constant 16 : i32
      %mul3A_186 = arith.muli %scan3A_183, %mul3A_185 : i32
      %get3A = arith.index_cast %mul3A_186 : i32 to index
      %get3A_187 = tpu.vector_load %arg7[%get3A] {strides = array<i32>} : memref<640xf32, #tpu.memory_space<vmem>>, vector<16xf32>,
      %mul3A_188 = arith.constant 16 : i32
      %mul3A_189 = arith.muli %scan3A_183, %mul3A_188 : i32
      %get3A_190 = arith.index_cast %mul3A_189 : i32 to index
      %get3A_191 = tpu.vector_load %arg6[%get3A_190] {strides = array<i32>} : memref<640xf32, #tpu.memory_space<vmem>>, vector<16xf32>,
      %add3A_192 = arith.addf %get3A_187, %get3A_191 : vector<16xf32>
      %mul3A_193 = arith.constant 16 : i32
      %mul3A_194 = arith.muli %scan3A_183, %mul3A_193 : i32
      %swap3A = arith.index_cast %mul3A_194 : i32 to index
      %swap3A_195 = tpu.vector_load %arg7[%swap3A] {strides = array<i32>} : memref<640xf32, #tpu.memory_space<vmem>>, vector<16xf32>,
      tpu.vector_store %arg7[%swap3A], %add3A_192 {strides = array<i32>} : memref<640xf32, #tpu.memory_space<vmem>>, vector<16xf32>,
      %scan3A_196 = arith.constant 0 : i32
      scf.yield %scan3A_196 : i32
    }
    %scan3A_92 = arith.constant 40 : i32
    %mul3A_93 = arith.constant 640 : i32
    %mul3A_94 = arith.muli %arg1, %mul3A_93 : i32
    %run_scoped3A_95 = arith.constant 7 : i32
    "tpu.region"() ({
      %run_scoped3A_183 = tpu.sem_alloc : memref<!tpu.dma_semaphore, #tpu.memory_space<semaphore_mem>>
      %dma_start3A = tpu.memref_slice %arg8[%run_scoped3A_95, %mul3A_94] : memref<16x10240xf32, #tpu.memory_space<vmem_shared>> -> memref<1x640xf32, #tpu.memory_space<vmem_shared>>
      %dma_start3A_184 = tpu.memref_squeeze %dma_start3A : memref<1x640xf32, #tpu.memory_space<vmem_shared>> -> memref<640xf32, #tpu.memory_space<vmem_shared>>
      %dma_start3A_185 = tpu.memref_slice %arg8[%run_scoped3A_95, %mul3A_94] : memref<16x10240xf32, #tpu.memory_space<vmem_shared>> -> memref<1x640xf32, #tpu.memory_space<vmem_shared>>
      %dma_start3A_186 = tpu.memref_squeeze %dma_start3A_185 : memref<1x640xf32, #tpu.memory_space<vmem_shared>> -> memref<640xf32, #tpu.memory_space<vmem_shared>>
      tpu.enqueue_dma source(%dma_start3A_186 : memref<640xf32, #tpu.memory_space<vmem_shared>>) target(%arg6 : memref<640xf32, #tpu.memory_space<vmem>>) target_semaphore(%run_scoped3A_183 : memref<!tpu.dma_semaphore, #tpu.memory_space<semaphore_mem>>)
      %dma_wait3A = tpu.memref_slice %arg8[%run_scoped3A_95, %mul3A_94] : memref<16x10240xf32, #tpu.memory_space<vmem_shared>> -> memref<1x640xf32, #tpu.memory_space<vmem_shared>>
      %dma_wait3A_187 = tpu.memref_squeeze %dma_wait3A : memref<1x640xf32, #tpu.memory_space<vmem_shared>> -> memref<640xf32, #tpu.memory_space<vmem_shared>>
      %dma_wait3A_188 = tpu.memref_slice %arg8[%run_scoped3A_95, %mul3A_94] : memref<16x10240xf32, #tpu.memory_space<vmem_shared>> -> memref<1x640xf32, #tpu.memory_space<vmem_shared>>
      %dma_wait3A_189 = tpu.memref_squeeze %dma_wait3A_188 : memref<1x640xf32, #tpu.memory_space<vmem_shared>> -> memref<640xf32, #tpu.memory_space<vmem_shared>>
      tpu.wait_dma2 semaphore(%run_scoped3A_183 : memref<!tpu.dma_semaphore, #tpu.memory_space<semaphore_mem>>) src(%dma_wait3A_189 : memref<640xf32, #tpu.memory_space<vmem_shared>>) dst(%arg6 : memref<640xf32, #tpu.memory_space<vmem>>)
      tpu.yield
    }) : () -> ()
    %scan3A_96 = arith.constant 0 : i32
    %scan3A_97 = arith.constant 0 : i32
    %scan3A_98 = arith.constant 40 : i32
    %scan3A_99 = arith.addi %scan3A_97, %scan3A_98 : i32
    %scan3A_100 = arith.constant 1 : i32
    %scan3A_101 = scf.for %scan3A_183 = %scan3A_97 to %scan3A_99 step %scan3A_100 iter_args(%scan3A_184 = %scan3A_96) -> (i32)  : i32 {
      %mul3A_185 = arith.constant 16 : i32
      %mul3A_186 = arith.muli %scan3A_183, %mul3A_185 : i32
      %get3A = arith.index_cast %mul3A_186 : i32 to index
      %get3A_187 = tpu.vector_load %arg7[%get3A] {strides = array<i32>} : memref<640xf32, #tpu.memory_space<vmem>>, vector<16xf32>,
      %mul3A_188 = arith.constant 16 : i32
      %mul3A_189 = arith.muli %scan3A_183, %mul3A_188 : i32
      %get3A_190 = arith.index_cast %mul3A_189 : i32 to index
      %get3A_191 = tpu.vector_load %arg6[%get3A_190] {strides = array<i32>} : memref<640xf32, #tpu.memory_space<vmem>>, vector<16xf32>,
      %add3A_192 = arith.addf %get3A_187, %get3A_191 : vector<16xf32>
      %mul3A_193 = arith.constant 16 : i32
      %mul3A_194 = arith.muli %scan3A_183, %mul3A_193 : i32
      %swap3A = arith.index_cast %mul3A_194 : i32 to index
      %swap3A_195 = tpu.vector_load %arg7[%swap3A] {strides = array<i32>} : memref<640xf32, #tpu.memory_space<vmem>>, vector<16xf32>,
      tpu.vector_store %arg7[%swap3A], %add3A_192 {strides = array<i32>} : memref<640xf32, #tpu.memory_space<vmem>>, vector<16xf32>,
      %scan3A_196 = arith.constant 0 : i32
      scf.yield %scan3A_196 : i32
    }
    %scan3A_102 = arith.constant 40 : i32
    %mul3A_103 = arith.constant 640 : i32
    %mul3A_104 = arith.muli %arg1, %mul3A_103 : i32
    %run_scoped3A_105 = arith.constant 8 : i32
    "tpu.region"() ({
      %run_scoped3A_183 = tpu.sem_alloc : memref<!tpu.dma_semaphore, #tpu.memory_space<semaphore_mem>>
      %dma_start3A = tpu.memref_slice %arg8[%run_scoped3A_105, %mul3A_104] : memref<16x10240xf32, #tpu.memory_space<vmem_shared>> -> memref<1x640xf32, #tpu.memory_space<vmem_shared>>
      %dma_start3A_184 = tpu.memref_squeeze %dma_start3A : memref<1x640xf32, #tpu.memory_space<vmem_shared>> -> memref<640xf32, #tpu.memory_space<vmem_shared>>
      %dma_start3A_185 = tpu.memref_slice %arg8[%run_scoped3A_105, %mul3A_104] : memref<16x10240xf32, #tpu.memory_space<vmem_shared>> -> memref<1x640xf32, #tpu.memory_space<vmem_shared>>
      %dma_start3A_186 = tpu.memref_squeeze %dma_start3A_185 : memref<1x640xf32, #tpu.memory_space<vmem_shared>> -> memref<640xf32, #tpu.memory_space<vmem_shared>>
      tpu.enqueue_dma source(%dma_start3A_186 : memref<640xf32, #tpu.memory_space<vmem_shared>>) target(%arg6 : memref<640xf32, #tpu.memory_space<vmem>>) target_semaphore(%run_scoped3A_183 : memref<!tpu.dma_semaphore, #tpu.memory_space<semaphore_mem>>)
      %dma_wait3A = tpu.memref_slice %arg8[%run_scoped3A_105, %mul3A_104] : memref<16x10240xf32, #tpu.memory_space<vmem_shared>> -> memref<1x640xf32, #tpu.memory_space<vmem_shared>>
      %dma_wait3A_187 = tpu.memref_squeeze %dma_wait3A : memref<1x640xf32, #tpu.memory_space<vmem_shared>> -> memref<640xf32, #tpu.memory_space<vmem_shared>>
      %dma_wait3A_188 = tpu.memref_slice %arg8[%run_scoped3A_105, %mul3A_104] : memref<16x10240xf32, #tpu.memory_space<vmem_shared>> -> memref<1x640xf32, #tpu.memory_space<vmem_shared>>
      %dma_wait3A_189 = tpu.memref_squeeze %dma_wait3A_188 : memref<1x640xf32, #tpu.memory_space<vmem_shared>> -> memref<640xf32, #tpu.memory_space<vmem_shared>>
      tpu.wait_dma2 semaphore(%run_scoped3A_183 : memref<!tpu.dma_semaphore, #tpu.memory_space<semaphore_mem>>) src(%dma_wait3A_189 : memref<640xf32, #tpu.memory_space<vmem_shared>>) dst(%arg6 : memref<640xf32, #tpu.memory_space<vmem>>)
      tpu.yield
    }) : () -> ()
    %scan3A_106 = arith.constant 0 : i32
    %scan3A_107 = arith.constant 0 : i32
    %scan3A_108 = arith.constant 40 : i32
    %scan3A_109 = arith.addi %scan3A_107, %scan3A_108 : i32
    %scan3A_110 = arith.constant 1 : i32
    %scan3A_111 = scf.for %scan3A_183 = %scan3A_107 to %scan3A_109 step %scan3A_110 iter_args(%scan3A_184 = %scan3A_106) -> (i32)  : i32 {
      %mul3A_185 = arith.constant 16 : i32
      %mul3A_186 = arith.muli %scan3A_183, %mul3A_185 : i32
      %get3A = arith.index_cast %mul3A_186 : i32 to index
      %get3A_187 = tpu.vector_load %arg7[%get3A] {strides = array<i32>} : memref<640xf32, #tpu.memory_space<vmem>>, vector<16xf32>,
      %mul3A_188 = arith.constant 16 : i32
      %mul3A_189 = arith.muli %scan3A_183, %mul3A_188 : i32
      %get3A_190 = arith.index_cast %mul3A_189 : i32 to index
      %get3A_191 = tpu.vector_load %arg6[%get3A_190] {strides = array<i32>} : memref<640xf32, #tpu.memory_space<vmem>>, vector<16xf32>,
      %add3A_192 = arith.addf %get3A_187, %get3A_191 : vector<16xf32>
      %mul3A_193 = arith.constant 16 : i32
      %mul3A_194 = arith.muli %scan3A_183, %mul3A_193 : i32
      %swap3A = arith.index_cast %mul3A_194 : i32 to index
      %swap3A_195 = tpu.vector_load %arg7[%swap3A] {strides = array<i32>} : memref<640xf32, #tpu.memory_space<vmem>>, vector<16xf32>,
      tpu.vector_store %arg7[%swap3A], %add3A_192 {strides = array<i32>} : memref<640xf32, #tpu.memory_space<vmem>>, vector<16xf32>,
      %scan3A_196 = arith.constant 0 : i32
      scf.yield %scan3A_196 : i32
    }
    %scan3A_112 = arith.constant 40 : i32
    %mul3A_113 = arith.constant 640 : i32
    %mul3A_114 = arith.muli %arg1, %mul3A_113 : i32
    %run_scoped3A_115 = arith.constant 9 : i32
    "tpu.region"() ({
      %run_scoped3A_183 = tpu.sem_alloc : memref<!tpu.dma_semaphore, #tpu.memory_space<semaphore_mem>>
      %dma_start3A = tpu.memref_slice %arg8[%run_scoped3A_115, %mul3A_114] : memref<16x10240xf32, #tpu.memory_space<vmem_shared>> -> memref<1x640xf32, #tpu.memory_space<vmem_shared>>
      %dma_start3A_184 = tpu.memref_squeeze %dma_start3A : memref<1x640xf32, #tpu.memory_space<vmem_shared>> -> memref<640xf32, #tpu.memory_space<vmem_shared>>
      %dma_start3A_185 = tpu.memref_slice %arg8[%run_scoped3A_115, %mul3A_114] : memref<16x10240xf32, #tpu.memory_space<vmem_shared>> -> memref<1x640xf32, #tpu.memory_space<vmem_shared>>
      %dma_start3A_186 = tpu.memref_squeeze %dma_start3A_185 : memref<1x640xf32, #tpu.memory_space<vmem_shared>> -> memref<640xf32, #tpu.memory_space<vmem_shared>>
      tpu.enqueue_dma source(%dma_start3A_186 : memref<640xf32, #tpu.memory_space<vmem_shared>>) target(%arg6 : memref<640xf32, #tpu.memory_space<vmem>>) target_semaphore(%run_scoped3A_183 : memref<!tpu.dma_semaphore, #tpu.memory_space<semaphore_mem>>)
      %dma_wait3A = tpu.memref_slice %arg8[%run_scoped3A_115, %mul3A_114] : memref<16x10240xf32, #tpu.memory_space<vmem_shared>> -> memref<1x640xf32, #tpu.memory_space<vmem_shared>>
      %dma_wait3A_187 = tpu.memref_squeeze %dma_wait3A : memref<1x640xf32, #tpu.memory_space<vmem_shared>> -> memref<640xf32, #tpu.memory_space<vmem_shared>>
      %dma_wait3A_188 = tpu.memref_slice %arg8[%run_scoped3A_115, %mul3A_114] : memref<16x10240xf32, #tpu.memory_space<vmem_shared>> -> memref<1x640xf32, #tpu.memory_space<vmem_shared>>
      %dma_wait3A_189 = tpu.memref_squeeze %dma_wait3A_188 : memref<1x640xf32, #tpu.memory_space<vmem_shared>> -> memref<640xf32, #tpu.memory_space<vmem_shared>>
      tpu.wait_dma2 semaphore(%run_scoped3A_183 : memref<!tpu.dma_semaphore, #tpu.memory_space<semaphore_mem>>) src(%dma_wait3A_189 : memref<640xf32, #tpu.memory_space<vmem_shared>>) dst(%arg6 : memref<640xf32, #tpu.memory_space<vmem>>)
      tpu.yield
    }) : () -> ()
    %scan3A_116 = arith.constant 0 : i32
    %scan3A_117 = arith.constant 0 : i32
    %scan3A_118 = arith.constant 40 : i32
    %scan3A_119 = arith.addi %scan3A_117, %scan3A_118 : i32
    %scan3A_120 = arith.constant 1 : i32
    %scan3A_121 = scf.for %scan3A_183 = %scan3A_117 to %scan3A_119 step %scan3A_120 iter_args(%scan3A_184 = %scan3A_116) -> (i32)  : i32 {
      %mul3A_185 = arith.constant 16 : i32
      %mul3A_186 = arith.muli %scan3A_183, %mul3A_185 : i32
      %get3A = arith.index_cast %mul3A_186 : i32 to index
      %get3A_187 = tpu.vector_load %arg7[%get3A] {strides = array<i32>} : memref<640xf32, #tpu.memory_space<vmem>>, vector<16xf32>,
      %mul3A_188 = arith.constant 16 : i32
      %mul3A_189 = arith.muli %scan3A_183, %mul3A_188 : i32
      %get3A_190 = arith.index_cast %mul3A_189 : i32 to index
      %get3A_191 = tpu.vector_load %arg6[%get3A_190] {strides = array<i32>} : memref<640xf32, #tpu.memory_space<vmem>>, vector<16xf32>,
      %add3A_192 = arith.addf %get3A_187, %get3A_191 : vector<16xf32>
      %mul3A_193 = arith.constant 16 : i32
      %mul3A_194 = arith.muli %scan3A_183, %mul3A_193 : i32
      %swap3A = arith.index_cast %mul3A_194 : i32 to index
      %swap3A_195 = tpu.vector_load %arg7[%swap3A] {strides = array<i32>} : memref<640xf32, #tpu.memory_space<vmem>>, vector<16xf32>,
      tpu.vector_store %arg7[%swap3A], %add3A_192 {strides = array<i32>} : memref<640xf32, #tpu.memory_space<vmem>>, vector<16xf32>,
      %scan3A_196 = arith.constant 0 : i32
      scf.yield %scan3A_196 : i32
    }
    %scan3A_122 = arith.constant 40 : i32
    %mul3A_123 = arith.constant 640 : i32
    %mul3A_124 = arith.muli %arg1, %mul3A_123 : i32
    %run_scoped3A_125 = arith.constant 10 : i32
    "tpu.region"() ({
      %run_scoped3A_183 = tpu.sem_alloc : memref<!tpu.dma_semaphore, #tpu.memory_space<semaphore_mem>>
      %dma_start3A = tpu.memref_slice %arg8[%run_scoped3A_125, %mul3A_124] : memref<16x10240xf32, #tpu.memory_space<vmem_shared>> -> memref<1x640xf32, #tpu.memory_space<vmem_shared>>
      %dma_start3A_184 = tpu.memref_squeeze %dma_start3A : memref<1x640xf32, #tpu.memory_space<vmem_shared>> -> memref<640xf32, #tpu.memory_space<vmem_shared>>
      %dma_start3A_185 = tpu.memref_slice %arg8[%run_scoped3A_125, %mul3A_124] : memref<16x10240xf32, #tpu.memory_space<vmem_shared>> -> memref<1x640xf32, #tpu.memory_space<vmem_shared>>
      %dma_start3A_186 = tpu.memref_squeeze %dma_start3A_185 : memref<1x640xf32, #tpu.memory_space<vmem_shared>> -> memref<640xf32, #tpu.memory_space<vmem_shared>>
      tpu.enqueue_dma source(%dma_start3A_186 : memref<640xf32, #tpu.memory_space<vmem_shared>>) target(%arg6 : memref<640xf32, #tpu.memory_space<vmem>>) target_semaphore(%run_scoped3A_183 : memref<!tpu.dma_semaphore, #tpu.memory_space<semaphore_mem>>)
      %dma_wait3A = tpu.memref_slice %arg8[%run_scoped3A_125, %mul3A_124] : memref<16x10240xf32, #tpu.memory_space<vmem_shared>> -> memref<1x640xf32, #tpu.memory_space<vmem_shared>>
      %dma_wait3A_187 = tpu.memref_squeeze %dma_wait3A : memref<1x640xf32, #tpu.memory_space<vmem_shared>> -> memref<640xf32, #tpu.memory_space<vmem_shared>>
      %dma_wait3A_188 = tpu.memref_slice %arg8[%run_scoped3A_125, %mul3A_124] : memref<16x10240xf32, #tpu.memory_space<vmem_shared>> -> memref<1x640xf32, #tpu.memory_space<vmem_shared>>
      %dma_wait3A_189 = tpu.memref_squeeze %dma_wait3A_188 : memref<1x640xf32, #tpu.memory_space<vmem_shared>> -> memref<640xf32, #tpu.memory_space<vmem_shared>>
      tpu.wait_dma2 semaphore(%run_scoped3A_183 : memref<!tpu.dma_semaphore, #tpu.memory_space<semaphore_mem>>) src(%dma_wait3A_189 : memref<640xf32, #tpu.memory_space<vmem_shared>>) dst(%arg6 : memref<640xf32, #tpu.memory_space<vmem>>)
      tpu.yield
    }) : () -> ()
    %scan3A_126 = arith.constant 0 : i32
    %scan3A_127 = arith.constant 0 : i32
    %scan3A_128 = arith.constant 40 : i32
    %scan3A_129 = arith.addi %scan3A_127, %scan3A_128 : i32
    %scan3A_130 = arith.constant 1 : i32
    %scan3A_131 = scf.for %scan3A_183 = %scan3A_127 to %scan3A_129 step %scan3A_130 iter_args(%scan3A_184 = %scan3A_126) -> (i32)  : i32 {
      %mul3A_185 = arith.constant 16 : i32
      %mul3A_186 = arith.muli %scan3A_183, %mul3A_185 : i32
      %get3A = arith.index_cast %mul3A_186 : i32 to index
      %get3A_187 = tpu.vector_load %arg7[%get3A] {strides = array<i32>} : memref<640xf32, #tpu.memory_space<vmem>>, vector<16xf32>,
      %mul3A_188 = arith.constant 16 : i32
      %mul3A_189 = arith.muli %scan3A_183, %mul3A_188 : i32
      %get3A_190 = arith.index_cast %mul3A_189 : i32 to index
      %get3A_191 = tpu.vector_load %arg6[%get3A_190] {strides = array<i32>} : memref<640xf32, #tpu.memory_space<vmem>>, vector<16xf32>,
      %add3A_192 = arith.addf %get3A_187, %get3A_191 : vector<16xf32>
      %mul3A_193 = arith.constant 16 : i32
      %mul3A_194 = arith.muli %scan3A_183, %mul3A_193 : i32
      %swap3A = arith.index_cast %mul3A_194 : i32 to index
      %swap3A_195 = tpu.vector_load %arg7[%swap3A] {strides = array<i32>} : memref<640xf32, #tpu.memory_space<vmem>>, vector<16xf32>,
      tpu.vector_store %arg7[%swap3A], %add3A_192 {strides = array<i32>} : memref<640xf32, #tpu.memory_space<vmem>>, vector<16xf32>,
      %scan3A_196 = arith.constant 0 : i32
      scf.yield %scan3A_196 : i32
    }
    %scan3A_132 = arith.constant 40 : i32
    %mul3A_133 = arith.constant 640 : i32
    %mul3A_134 = arith.muli %arg1, %mul3A_133 : i32
    %run_scoped3A_135 = arith.constant 11 : i32
    "tpu.region"() ({
      %run_scoped3A_183 = tpu.sem_alloc : memref<!tpu.dma_semaphore, #tpu.memory_space<semaphore_mem>>
      %dma_start3A = tpu.memref_slice %arg8[%run_scoped3A_135, %mul3A_134] : memref<16x10240xf32, #tpu.memory_space<vmem_shared>> -> memref<1x640xf32, #tpu.memory_space<vmem_shared>>
      %dma_start3A_184 = tpu.memref_squeeze %dma_start3A : memref<1x640xf32, #tpu.memory_space<vmem_shared>> -> memref<640xf32, #tpu.memory_space<vmem_shared>>
      %dma_start3A_185 = tpu.memref_slice %arg8[%run_scoped3A_135, %mul3A_134] : memref<16x10240xf32, #tpu.memory_space<vmem_shared>> -> memref<1x640xf32, #tpu.memory_space<vmem_shared>>
      %dma_start3A_186 = tpu.memref_squeeze %dma_start3A_185 : memref<1x640xf32, #tpu.memory_space<vmem_shared>> -> memref<640xf32, #tpu.memory_space<vmem_shared>>
      tpu.enqueue_dma source(%dma_start3A_186 : memref<640xf32, #tpu.memory_space<vmem_shared>>) target(%arg6 : memref<640xf32, #tpu.memory_space<vmem>>) target_semaphore(%run_scoped3A_183 : memref<!tpu.dma_semaphore, #tpu.memory_space<semaphore_mem>>)
      %dma_wait3A = tpu.memref_slice %arg8[%run_scoped3A_135, %mul3A_134] : memref<16x10240xf32, #tpu.memory_space<vmem_shared>> -> memref<1x640xf32, #tpu.memory_space<vmem_shared>>
      %dma_wait3A_187 = tpu.memref_squeeze %dma_wait3A : memref<1x640xf32, #tpu.memory_space<vmem_shared>> -> memref<640xf32, #tpu.memory_space<vmem_shared>>
      %dma_wait3A_188 = tpu.memref_slice %arg8[%run_scoped3A_135, %mul3A_134] : memref<16x10240xf32, #tpu.memory_space<vmem_shared>> -> memref<1x640xf32, #tpu.memory_space<vmem_shared>>
      %dma_wait3A_189 = tpu.memref_squeeze %dma_wait3A_188 : memref<1x640xf32, #tpu.memory_space<vmem_shared>> -> memref<640xf32, #tpu.memory_space<vmem_shared>>
      tpu.wait_dma2 semaphore(%run_scoped3A_183 : memref<!tpu.dma_semaphore, #tpu.memory_space<semaphore_mem>>) src(%dma_wait3A_189 : memref<640xf32, #tpu.memory_space<vmem_shared>>) dst(%arg6 : memref<640xf32, #tpu.memory_space<vmem>>)
      tpu.yield
    }) : () -> ()
    %scan3A_136 = arith.constant 0 : i32
    %scan3A_137 = arith.constant 0 : i32
    %scan3A_138 = arith.constant 40 : i32
    %scan3A_139 = arith.addi %scan3A_137, %scan3A_138 : i32
    %scan3A_140 = arith.constant 1 : i32
    %scan3A_141 = scf.for %scan3A_183 = %scan3A_137 to %scan3A_139 step %scan3A_140 iter_args(%scan3A_184 = %scan3A_136) -> (i32)  : i32 {
      %mul3A_185 = arith.constant 16 : i32
      %mul3A_186 = arith.muli %scan3A_183, %mul3A_185 : i32
      %get3A = arith.index_cast %mul3A_186 : i32 to index
      %get3A_187 = tpu.vector_load %arg7[%get3A] {strides = array<i32>} : memref<640xf32, #tpu.memory_space<vmem>>, vector<16xf32>,
      %mul3A_188 = arith.constant 16 : i32
      %mul3A_189 = arith.muli %scan3A_183, %mul3A_188 : i32
      %get3A_190 = arith.index_cast %mul3A_189 : i32 to index
      %get3A_191 = tpu.vector_load %arg6[%get3A_190] {strides = array<i32>} : memref<640xf32, #tpu.memory_space<vmem>>, vector<16xf32>,
      %add3A_192 = arith.addf %get3A_187, %get3A_191 : vector<16xf32>
      %mul3A_193 = arith.constant 16 : i32
      %mul3A_194 = arith.muli %scan3A_183, %mul3A_193 : i32
      %swap3A = arith.index_cast %mul3A_194 : i32 to index
      %swap3A_195 = tpu.vector_load %arg7[%swap3A] {strides = array<i32>} : memref<640xf32, #tpu.memory_space<vmem>>, vector<16xf32>,
      tpu.vector_store %arg7[%swap3A], %add3A_192 {strides = array<i32>} : memref<640xf32, #tpu.memory_space<vmem>>, vector<16xf32>,
      %scan3A_196 = arith.constant 0 : i32
      scf.yield %scan3A_196 : i32
    }
    %scan3A_142 = arith.constant 40 : i32
    %mul3A_143 = arith.constant 640 : i32
    %mul3A_144 = arith.muli %arg1, %mul3A_143 : i32
    %run_scoped3A_145 = arith.constant 12 : i32
    "tpu.region"() ({
      %run_scoped3A_183 = tpu.sem_alloc : memref<!tpu.dma_semaphore, #tpu.memory_space<semaphore_mem>>
      %dma_start3A = tpu.memref_slice %arg8[%run_scoped3A_145, %mul3A_144] : memref<16x10240xf32, #tpu.memory_space<vmem_shared>> -> memref<1x640xf32, #tpu.memory_space<vmem_shared>>
      %dma_start3A_184 = tpu.memref_squeeze %dma_start3A : memref<1x640xf32, #tpu.memory_space<vmem_shared>> -> memref<640xf32, #tpu.memory_space<vmem_shared>>
      %dma_start3A_185 = tpu.memref_slice %arg8[%run_scoped3A_145, %mul3A_144] : memref<16x10240xf32, #tpu.memory_space<vmem_shared>> -> memref<1x640xf32, #tpu.memory_space<vmem_shared>>
      %dma_start3A_186 = tpu.memref_squeeze %dma_start3A_185 : memref<1x640xf32, #tpu.memory_space<vmem_shared>> -> memref<640xf32, #tpu.memory_space<vmem_shared>>
      tpu.enqueue_dma source(%dma_start3A_186 : memref<640xf32, #tpu.memory_space<vmem_shared>>) target(%arg6 : memref<640xf32, #tpu.memory_space<vmem>>) target_semaphore(%run_scoped3A_183 : memref<!tpu.dma_semaphore, #tpu.memory_space<semaphore_mem>>)
      %dma_wait3A = tpu.memref_slice %arg8[%run_scoped3A_145, %mul3A_144] : memref<16x10240xf32, #tpu.memory_space<vmem_shared>> -> memref<1x640xf32, #tpu.memory_space<vmem_shared>>
      %dma_wait3A_187 = tpu.memref_squeeze %dma_wait3A : memref<1x640xf32, #tpu.memory_space<vmem_shared>> -> memref<640xf32, #tpu.memory_space<vmem_shared>>
      %dma_wait3A_188 = tpu.memref_slice %arg8[%run_scoped3A_145, %mul3A_144] : memref<16x10240xf32, #tpu.memory_space<vmem_shared>> -> memref<1x640xf32, #tpu.memory_space<vmem_shared>>
      %dma_wait3A_189 = tpu.memref_squeeze %dma_wait3A_188 : memref<1x640xf32, #tpu.memory_space<vmem_shared>> -> memref<640xf32, #tpu.memory_space<vmem_shared>>
      tpu.wait_dma2 semaphore(%run_scoped3A_183 : memref<!tpu.dma_semaphore, #tpu.memory_space<semaphore_mem>>) src(%dma_wait3A_189 : memref<640xf32, #tpu.memory_space<vmem_shared>>) dst(%arg6 : memref<640xf32, #tpu.memory_space<vmem>>)
      tpu.yield
    }) : () -> ()
    %scan3A_146 = arith.constant 0 : i32
    %scan3A_147 = arith.constant 0 : i32
    %scan3A_148 = arith.constant 40 : i32
    %scan3A_149 = arith.addi %scan3A_147, %scan3A_148 : i32
    %scan3A_150 = arith.constant 1 : i32
    %scan3A_151 = scf.for %scan3A_183 = %scan3A_147 to %scan3A_149 step %scan3A_150 iter_args(%scan3A_184 = %scan3A_146) -> (i32)  : i32 {
      %mul3A_185 = arith.constant 16 : i32
      %mul3A_186 = arith.muli %scan3A_183, %mul3A_185 : i32
      %get3A = arith.index_cast %mul3A_186 : i32 to index
      %get3A_187 = tpu.vector_load %arg7[%get3A] {strides = array<i32>} : memref<640xf32, #tpu.memory_space<vmem>>, vector<16xf32>,
      %mul3A_188 = arith.constant 16 : i32
      %mul3A_189 = arith.muli %scan3A_183, %mul3A_188 : i32
      %get3A_190 = arith.index_cast %mul3A_189 : i32 to index
      %get3A_191 = tpu.vector_load %arg6[%get3A_190] {strides = array<i32>} : memref<640xf32, #tpu.memory_space<vmem>>, vector<16xf32>,
      %add3A_192 = arith.addf %get3A_187, %get3A_191 : vector<16xf32>
      %mul3A_193 = arith.constant 16 : i32
      %mul3A_194 = arith.muli %scan3A_183, %mul3A_193 : i32
      %swap3A = arith.index_cast %mul3A_194 : i32 to index
      %swap3A_195 = tpu.vector_load %arg7[%swap3A] {strides = array<i32>} : memref<640xf32, #tpu.memory_space<vmem>>, vector<16xf32>,
      tpu.vector_store %arg7[%swap3A], %add3A_192 {strides = array<i32>} : memref<640xf32, #tpu.memory_space<vmem>>, vector<16xf32>,
      %scan3A_196 = arith.constant 0 : i32
      scf.yield %scan3A_196 : i32
    }
    %scan3A_152 = arith.constant 40 : i32
    %mul3A_153 = arith.constant 640 : i32
    %mul3A_154 = arith.muli %arg1, %mul3A_153 : i32
    %run_scoped3A_155 = arith.constant 13 : i32
    "tpu.region"() ({
      %run_scoped3A_183 = tpu.sem_alloc : memref<!tpu.dma_semaphore, #tpu.memory_space<semaphore_mem>>
      %dma_start3A = tpu.memref_slice %arg8[%run_scoped3A_155, %mul3A_154] : memref<16x10240xf32, #tpu.memory_space<vmem_shared>> -> memref<1x640xf32, #tpu.memory_space<vmem_shared>>
      %dma_start3A_184 = tpu.memref_squeeze %dma_start3A : memref<1x640xf32, #tpu.memory_space<vmem_shared>> -> memref<640xf32, #tpu.memory_space<vmem_shared>>
      %dma_start3A_185 = tpu.memref_slice %arg8[%run_scoped3A_155, %mul3A_154] : memref<16x10240xf32, #tpu.memory_space<vmem_shared>> -> memref<1x640xf32, #tpu.memory_space<vmem_shared>>
      %dma_start3A_186 = tpu.memref_squeeze %dma_start3A_185 : memref<1x640xf32, #tpu.memory_space<vmem_shared>> -> memref<640xf32, #tpu.memory_space<vmem_shared>>
      tpu.enqueue_dma source(%dma_start3A_186 : memref<640xf32, #tpu.memory_space<vmem_shared>>) target(%arg6 : memref<640xf32, #tpu.memory_space<vmem>>) target_semaphore(%run_scoped3A_183 : memref<!tpu.dma_semaphore, #tpu.memory_space<semaphore_mem>>)
      %dma_wait3A = tpu.memref_slice %arg8[%run_scoped3A_155, %mul3A_154] : memref<16x10240xf32, #tpu.memory_space<vmem_shared>> -> memref<1x640xf32, #tpu.memory_space<vmem_shared>>
      %dma_wait3A_187 = tpu.memref_squeeze %dma_wait3A : memref<1x640xf32, #tpu.memory_space<vmem_shared>> -> memref<640xf32, #tpu.memory_space<vmem_shared>>
      %dma_wait3A_188 = tpu.memref_slice %arg8[%run_scoped3A_155, %mul3A_154] : memref<16x10240xf32, #tpu.memory_space<vmem_shared>> -> memref<1x640xf32, #tpu.memory_space<vmem_shared>>
      %dma_wait3A_189 = tpu.memref_squeeze %dma_wait3A_188 : memref<1x640xf32, #tpu.memory_space<vmem_shared>> -> memref<640xf32, #tpu.memory_space<vmem_shared>>
      tpu.wait_dma2 semaphore(%run_scoped3A_183 : memref<!tpu.dma_semaphore, #tpu.memory_space<semaphore_mem>>) src(%dma_wait3A_189 : memref<640xf32, #tpu.memory_space<vmem_shared>>) dst(%arg6 : memref<640xf32, #tpu.memory_space<vmem>>)
      tpu.yield
    }) : () -> ()
    %scan3A_156 = arith.constant 0 : i32
    %scan3A_157 = arith.constant 0 : i32
    %scan3A_158 = arith.constant 40 : i32
    %scan3A_159 = arith.addi %scan3A_157, %scan3A_158 : i32
    %scan3A_160 = arith.constant 1 : i32
    %scan3A_161 = scf.for %scan3A_183 = %scan3A_157 to %scan3A_159 step %scan3A_160 iter_args(%scan3A_184 = %scan3A_156) -> (i32)  : i32 {
      %mul3A_185 = arith.constant 16 : i32
      %mul3A_186 = arith.muli %scan3A_183, %mul3A_185 : i32
      %get3A = arith.index_cast %mul3A_186 : i32 to index
      %get3A_187 = tpu.vector_load %arg7[%get3A] {strides = array<i32>} : memref<640xf32, #tpu.memory_space<vmem>>, vector<16xf32>,
      %mul3A_188 = arith.constant 16 : i32
      %mul3A_189 = arith.muli %scan3A_183, %mul3A_188 : i32
      %get3A_190 = arith.index_cast %mul3A_189 : i32 to index
      %get3A_191 = tpu.vector_load %arg6[%get3A_190] {strides = array<i32>} : memref<640xf32, #tpu.memory_space<vmem>>, vector<16xf32>,
      %add3A_192 = arith.addf %get3A_187, %get3A_191 : vector<16xf32>
      %mul3A_193 = arith.constant 16 : i32
      %mul3A_194 = arith.muli %scan3A_183, %mul3A_193 : i32
      %swap3A = arith.index_cast %mul3A_194 : i32 to index
      %swap3A_195 = tpu.vector_load %arg7[%swap3A] {strides = array<i32>} : memref<640xf32, #tpu.memory_space<vmem>>, vector<16xf32>,
      tpu.vector_store %arg7[%swap3A], %add3A_192 {strides = array<i32>} : memref<640xf32, #tpu.memory_space<vmem>>, vector<16xf32>,
      %scan3A_196 = arith.constant 0 : i32
      scf.yield %scan3A_196 : i32
    }
    %scan3A_162 = arith.constant 40 : i32
    %mul3A_163 = arith.constant 640 : i32
    %mul3A_164 = arith.muli %arg1, %mul3A_163 : i32
    %run_scoped3A_165 = arith.constant 14 : i32
    "tpu.region"() ({
      %run_scoped3A_183 = tpu.sem_alloc : memref<!tpu.dma_semaphore, #tpu.memory_space<semaphore_mem>>
      %dma_start3A = tpu.memref_slice %arg8[%run_scoped3A_165, %mul3A_164] : memref<16x10240xf32, #tpu.memory_space<vmem_shared>> -> memref<1x640xf32, #tpu.memory_space<vmem_shared>>
      %dma_start3A_184 = tpu.memref_squeeze %dma_start3A : memref<1x640xf32, #tpu.memory_space<vmem_shared>> -> memref<640xf32, #tpu.memory_space<vmem_shared>>
      %dma_start3A_185 = tpu.memref_slice %arg8[%run_scoped3A_165, %mul3A_164] : memref<16x10240xf32, #tpu.memory_space<vmem_shared>> -> memref<1x640xf32, #tpu.memory_space<vmem_shared>>
      %dma_start3A_186 = tpu.memref_squeeze %dma_start3A_185 : memref<1x640xf32, #tpu.memory_space<vmem_shared>> -> memref<640xf32, #tpu.memory_space<vmem_shared>>
      tpu.enqueue_dma source(%dma_start3A_186 : memref<640xf32, #tpu.memory_space<vmem_shared>>) target(%arg6 : memref<640xf32, #tpu.memory_space<vmem>>) target_semaphore(%run_scoped3A_183 : memref<!tpu.dma_semaphore, #tpu.memory_space<semaphore_mem>>)
      %dma_wait3A = tpu.memref_slice %arg8[%run_scoped3A_165, %mul3A_164] : memref<16x10240xf32, #tpu.memory_space<vmem_shared>> -> memref<1x640xf32, #tpu.memory_space<vmem_shared>>
      %dma_wait3A_187 = tpu.memref_squeeze %dma_wait3A : memref<1x640xf32, #tpu.memory_space<vmem_shared>> -> memref<640xf32, #tpu.memory_space<vmem_shared>>
      %dma_wait3A_188 = tpu.memref_slice %arg8[%run_scoped3A_165, %mul3A_164] : memref<16x10240xf32, #tpu.memory_space<vmem_shared>> -> memref<1x640xf32, #tpu.memory_space<vmem_shared>>
      %dma_wait3A_189 = tpu.memref_squeeze %dma_wait3A_188 : memref<1x640xf32, #tpu.memory_space<vmem_shared>> -> memref<640xf32, #tpu.memory_space<vmem_shared>>
      tpu.wait_dma2 semaphore(%run_scoped3A_183 : memref<!tpu.dma_semaphore, #tpu.memory_space<semaphore_mem>>) src(%dma_wait3A_189 : memref<640xf32, #tpu.memory_space<vmem_shared>>) dst(%arg6 : memref<640xf32, #tpu.memory_space<vmem>>)
      tpu.yield
    }) : () -> ()
    %scan3A_166 = arith.constant 0 : i32
    %scan3A_167 = arith.constant 0 : i32
    %scan3A_168 = arith.constant 40 : i32
    %scan3A_169 = arith.addi %scan3A_167, %scan3A_168 : i32
    %scan3A_170 = arith.constant 1 : i32
    %scan3A_171 = scf.for %scan3A_183 = %scan3A_167 to %scan3A_169 step %scan3A_170 iter_args(%scan3A_184 = %scan3A_166) -> (i32)  : i32 {
      %mul3A_185 = arith.constant 16 : i32
      %mul3A_186 = arith.muli %scan3A_183, %mul3A_185 : i32
      %get3A = arith.index_cast %mul3A_186 : i32 to index
      %get3A_187 = tpu.vector_load %arg7[%get3A] {strides = array<i32>} : memref<640xf32, #tpu.memory_space<vmem>>, vector<16xf32>,
      %mul3A_188 = arith.constant 16 : i32
      %mul3A_189 = arith.muli %scan3A_183, %mul3A_188 : i32
      %get3A_190 = arith.index_cast %mul3A_189 : i32 to index
      %get3A_191 = tpu.vector_load %arg6[%get3A_190] {strides = array<i32>} : memref<640xf32, #tpu.memory_space<vmem>>, vector<16xf32>,
      %add3A_192 = arith.addf %get3A_187, %get3A_191 : vector<16xf32>
      %mul3A_193 = arith.constant 16 : i32
      %mul3A_194 = arith.muli %scan3A_183, %mul3A_193 : i32
      %swap3A = arith.index_cast %mul3A_194 : i32 to index
      %swap3A_195 = tpu.vector_load %arg7[%swap3A] {strides = array<i32>} : memref<640xf32, #tpu.memory_space<vmem>>, vector<16xf32>,
      tpu.vector_store %arg7[%swap3A], %add3A_192 {strides = array<i32>} : memref<640xf32, #tpu.memory_space<vmem>>, vector<16xf32>,
      %scan3A_196 = arith.constant 0 : i32
      scf.yield %scan3A_196 : i32
    }
    %scan3A_172 = arith.constant 40 : i32
    %mul3A_173 = arith.constant 640 : i32
    %mul3A_174 = arith.muli %arg1, %mul3A_173 : i32
    %run_scoped3A_175 = arith.constant 15 : i32
    "tpu.region"() ({
      %run_scoped3A_183 = tpu.sem_alloc : memref<!tpu.dma_semaphore, #tpu.memory_space<semaphore_mem>>
      %dma_start3A = tpu.memref_slice %arg8[%run_scoped3A_175, %mul3A_174] : memref<16x10240xf32, #tpu.memory_space<vmem_shared>> -> memref<1x640xf32, #tpu.memory_space<vmem_shared>>
      %dma_start3A_184 = tpu.memref_squeeze %dma_start3A : memref<1x640xf32, #tpu.memory_space<vmem_shared>> -> memref<640xf32, #tpu.memory_space<vmem_shared>>
      %dma_start3A_185 = tpu.memref_slice %arg8[%run_scoped3A_175, %mul3A_174] : memref<16x10240xf32, #tpu.memory_space<vmem_shared>> -> memref<1x640xf32, #tpu.memory_space<vmem_shared>>
      %dma_start3A_186 = tpu.memref_squeeze %dma_start3A_185 : memref<1x640xf32, #tpu.memory_space<vmem_shared>> -> memref<640xf32, #tpu.memory_space<vmem_shared>>
      tpu.enqueue_dma source(%dma_start3A_186 : memref<640xf32, #tpu.memory_space<vmem_shared>>) target(%arg6 : memref<640xf32, #tpu.memory_space<vmem>>) target_semaphore(%run_scoped3A_183 : memref<!tpu.dma_semaphore, #tpu.memory_space<semaphore_mem>>)
      %dma_wait3A = tpu.memref_slice %arg8[%run_scoped3A_175, %mul3A_174] : memref<16x10240xf32, #tpu.memory_space<vmem_shared>> -> memref<1x640xf32, #tpu.memory_space<vmem_shared>>
      %dma_wait3A_187 = tpu.memref_squeeze %dma_wait3A : memref<1x640xf32, #tpu.memory_space<vmem_shared>> -> memref<640xf32, #tpu.memory_space<vmem_shared>>
      %dma_wait3A_188 = tpu.memref_slice %arg8[%run_scoped3A_175, %mul3A_174] : memref<16x10240xf32, #tpu.memory_space<vmem_shared>> -> memref<1x640xf32, #tpu.memory_space<vmem_shared>>
      %dma_wait3A_189 = tpu.memref_squeeze %dma_wait3A_188 : memref<1x640xf32, #tpu.memory_space<vmem_shared>> -> memref<640xf32, #tpu.memory_space<vmem_shared>>
      tpu.wait_dma2 semaphore(%run_scoped3A_183 : memref<!tpu.dma_semaphore, #tpu.memory_space<semaphore_mem>>) src(%dma_wait3A_189 : memref<640xf32, #tpu.memory_space<vmem_shared>>) dst(%arg6 : memref<640xf32, #tpu.memory_space<vmem>>)
      tpu.yield
    }) : () -> ()
    %scan3A_176 = arith.constant 0 : i32
    %scan3A_177 = arith.constant 0 : i32
    %scan3A_178 = arith.constant 40 : i32
    %scan3A_179 = arith.addi %scan3A_177, %scan3A_178 : i32
    %scan3A_180 = arith.constant 1 : i32
    %scan3A_181 = scf.for %scan3A_183 = %scan3A_177 to %scan3A_179 step %scan3A_180 iter_args(%scan3A_184 = %scan3A_176) -> (i32)  : i32 {
      %mul3A_185 = arith.constant 16 : i32
      %mul3A_186 = arith.muli %scan3A_183, %mul3A_185 : i32
      %get3A = arith.index_cast %mul3A_186 : i32 to index
      %get3A_187 = tpu.vector_load %arg7[%get3A] {strides = array<i32>} : memref<640xf32, #tpu.memory_space<vmem>>, vector<16xf32>,
      %mul3A_188 = arith.constant 16 : i32
      %mul3A_189 = arith.muli %scan3A_183, %mul3A_188 : i32
      %get3A_190 = arith.index_cast %mul3A_189 : i32 to index
      %get3A_191 = tpu.vector_load %arg6[%get3A_190] {strides = array<i32>} : memref<640xf32, #tpu.memory_space<vmem>>, vector<16xf32>,
      %add3A_192 = arith.addf %get3A_187, %get3A_191 : vector<16xf32>
      %mul3A_193 = arith.constant 16 : i32
      %mul3A_194 = arith.muli %scan3A_183, %mul3A_193 : i32
      %swap3A = arith.index_cast %mul3A_194 : i32 to index
      %swap3A_195 = tpu.vector_load %arg7[%swap3A] {strides = array<i32>} : memref<640xf32, #tpu.memory_space<vmem>>, vector<16xf32>,
      tpu.vector_store %arg7[%swap3A], %add3A_192 {strides = array<i32>} : memref<640xf32, #tpu.memory_space<vmem>>, vector<16xf32>,
      %scan3A_196 = arith.constant 0 : i32
      scf.yield %scan3A_196 : i32
    }
    %scan3A_182 = arith.constant 40 : i32
    "tpu.region"() ({
      %run_scoped3A_183 = tpu.sem_alloc : memref<!tpu.dma_semaphore, #tpu.memory_space<semaphore_mem>>
      %dma_start3A = arith.constant 0 : i32
      %dma_start3A_184 = tpu.memref_slice %arg3[%arg0, %arg1, %dma_start3A] : memref<2x16x640xf32, #tpu.memory_space<hbm>> -> memref<1x1x640xf32, #tpu.memory_space<hbm>>
      %dma_start3A_185 = tpu.memref_squeeze %dma_start3A_184 : memref<1x1x640xf32, #tpu.memory_space<hbm>> -> memref<640xf32, #tpu.memory_space<hbm>>
      %dma_start3A_186 = arith.constant 0 : i32
      %dma_start3A_187 = tpu.memref_slice %arg3[%arg0, %arg1, %dma_start3A_186] : memref<2x16x640xf32, #tpu.memory_space<hbm>> -> memref<1x1x640xf32, #tpu.memory_space<hbm>>
      %dma_start3A_188 = tpu.memref_squeeze %dma_start3A_187 : memref<1x1x640xf32, #tpu.memory_space<hbm>> -> memref<640xf32, #tpu.memory_space<hbm>>
      tpu.enqueue_dma source(%arg7 : memref<640xf32, #tpu.memory_space<vmem>>) target(%dma_start3A_188 : memref<640xf32, #tpu.memory_space<hbm>>) target_semaphore(%run_scoped3A_183 : memref<!tpu.dma_semaphore, #tpu.memory_space<semaphore_mem>>)
      %dma_wait3A = arith.constant 0 : i32
      %dma_wait3A_189 = tpu.memref_slice %arg3[%arg0, %arg1, %dma_wait3A] : memref<2x16x640xf32, #tpu.memory_space<hbm>> -> memref<1x1x640xf32, #tpu.memory_space<hbm>>
      %dma_wait3A_190 = tpu.memref_squeeze %dma_wait3A_189 : memref<1x1x640xf32, #tpu.memory_space<hbm>> -> memref<640xf32, #tpu.memory_space<hbm>>
      %dma_wait3A_191 = arith.constant 0 : i32
      %dma_wait3A_192 = tpu.memref_slice %arg3[%arg0, %arg1, %dma_wait3A_191] : memref<2x16x640xf32, #tpu.memory_space<hbm>> -> memref<1x1x640xf32, #tpu.memory_space<hbm>>
      %dma_wait3A_193 = tpu.memref_squeeze %dma_wait3A_192 : memref<1x1x640xf32, #tpu.memory_space<hbm>> -> memref<640xf32, #tpu.memory_space<hbm>>
      tpu.wait_dma2 semaphore(%run_scoped3A_183 : memref<!tpu.dma_semaphore, #tpu.memory_space<semaphore_mem>>) src(%arg7 : memref<640xf32, #tpu.memory_space<vmem>>) dst(%dma_wait3A_193 : memref<640xf32, #tpu.memory_space<hbm>>)
      tpu.yield
    }) : () -> ()
    return
  }
}

#map = affine_map<(d0, d1) -> (0, 0)>
#map1 = affine_map<(d0, d1) -> (0, 0, 0, 0)>
#map2 = affine_map<(d0, d1) -> (0, 0, 0)>
module attributes {stable_mosaic.version = 14 : i64} {
  func.func @_sc_agg_body(%arg0: i32, %arg1: i32, %arg2: memref<10000x128xf32, #tpu.memory_space<hbm>>, %arg3: memref<32x84x2x128xi32, #tpu.memory_space<hbm>>, %arg4: memref<2x10240x128xf32, #tpu.memory_space<hbm>>, %arg5: memref<2x128xi32, #tpu.memory_space<vmem>>, %arg6: memref<2x128xi32, #tpu.memory_space<vmem>>, %arg7: memref<2x128xi32, #tpu.memory_space<vmem>>, %arg8: memref<2x128xi32, #tpu.memory_space<vmem>>, %arg9: memref<128x128xf32, #tpu.memory_space<vmem>>, %arg10: memref<128x128xf32, #tpu.memory_space<vmem>>, %arg11: memref<10240x128xf32, #tpu.memory_space<vmem_shared>>, %arg12: memref<!tpu.dma_semaphore, #tpu.memory_space<semaphore_mem>>, %arg13: memref<!tpu.dma_semaphore, #tpu.memory_space<semaphore_mem>>, %arg14: memref<!tpu.dma_semaphore, #tpu.memory_space<semaphore_mem>>) attributes {dimension_semantics = [#tpu.dimension_semantics<core_parallel>, #tpu.dimension_semantics<subcore_parallel>], iteration_bounds = array<i64: 2, 16>, scalar_prefetch = 0 : i64, scratch_operands = 10 : i64, tpu.core_type = #tpu.core_type<sc_vector_subcore>, window_params = [{transform_indices = #map}, {transform_indices = #map1}, {transform_indices = #map2}]} {
    %mul3A = arith.constant 2 : i32
    %mul3A_0 = arith.muli %arg1, %mul3A : i32
    %add3A = arith.addi %mul3A_0, %arg0 : i32
    %broadcast_in_dim3A = arith.constant 0.000000e+00 : f32
    %broadcast_in_dim3A_1 = vector.broadcast %broadcast_in_dim3A : f32 to vector<16xf32>
    %scan3A = arith.constant 0 : i32
    %scan3A_2 = arith.constant 0 : i32
    %scan3A_3 = arith.constant 128 : i32
    %scan3A_4 = arith.addi %scan3A_2, %scan3A_3 : i32
    %scan3A_5 = arith.constant 1 : i32
    %scan3A_6 = scf.for %scan3A_85 = %scan3A_2 to %scan3A_4 step %scan3A_5 iter_args(%scan3A_86 = %scan3A) -> (i32)  : i32 {
      %scan3A_87 = arith.constant 0 : i32
      %scan3A_88 = arith.constant 0 : i32
      %scan3A_89 = arith.constant 8 : i32
      %scan3A_90 = arith.addi %scan3A_88, %scan3A_89 : i32
      %scan3A_91 = arith.constant 1 : i32
      %scan3A_92 = scf.for %scan3A_94 = %scan3A_88 to %scan3A_90 step %scan3A_91 iter_args(%scan3A_95 = %scan3A_87) -> (i32)  : i32 {
        %mul3A_96 = arith.constant 16 : i32
        %mul3A_97 = arith.muli %scan3A_94, %mul3A_96 : i32
        %swap3A = arith.index_cast %scan3A_85 : i32 to index
        %swap3A_98 = arith.index_cast %mul3A_97 : i32 to index
        %swap3A_99 = tpu.vector_load %arg10[%swap3A, %swap3A_98] {strides = array<i32>} : memref<128x128xf32, #tpu.memory_space<vmem>>, vector<1x16xf32>,
        %swap3A_100 = vector.shape_cast %swap3A_99 : vector<1x16xf32> to vector<16xf32>
        %swap3A_101 = vector.shape_cast %broadcast_in_dim3A_1 : vector<16xf32> to vector<1x16xf32>
        tpu.vector_store %arg10[%swap3A, %swap3A_98], %swap3A_101 {strides = array<i32>} : memref<128x128xf32, #tpu.memory_space<vmem>>, vector<1x16xf32>,
        %scan3A_102 = arith.constant 0 : i32
        scf.yield %scan3A_102 : i32
      }
      %scan3A_93 = arith.constant 8 : i32
      scf.yield %scan3A_92 : i32
    }
    %scan3A_7 = arith.constant 128 : i32
    %mul3A_8 = arith.constant 640 : i32
    %mul3A_9 = arith.muli %arg1, %mul3A_8 : i32
    %add3A_10 = arith.constant 0 : i32
    %add3A_11 = arith.addi %mul3A_9, %add3A_10 : i32
    "tpu.region"() ({
      %run_scoped3A_85 = tpu.sem_alloc : memref<!tpu.dma_semaphore, #tpu.memory_space<semaphore_mem>>
      %dma_start3A_86 = arith.constant 0 : i32
      %dma_start3A_87 = tpu.memref_slice %arg11[%add3A_11, %dma_start3A_86] : memref<10240x128xf32, #tpu.memory_space<vmem_shared>> -> memref<128x128xf32, #tpu.memory_space<vmem_shared>>
      %dma_start3A_88 = arith.constant 0 : i32
      %dma_start3A_89 = tpu.memref_slice %arg11[%add3A_11, %dma_start3A_88] : memref<10240x128xf32, #tpu.memory_space<vmem_shared>> -> memref<128x128xf32, #tpu.memory_space<vmem_shared>>
      tpu.enqueue_dma source(%arg10 : memref<128x128xf32, #tpu.memory_space<vmem>>) target(%dma_start3A_89 : memref<128x128xf32, #tpu.memory_space<vmem_shared>>) target_semaphore(%run_scoped3A_85 : memref<!tpu.dma_semaphore, #tpu.memory_space<semaphore_mem>>)
      %dma_wait3A_90 = arith.constant 0 : i32
      %dma_wait3A_91 = tpu.memref_slice %arg11[%add3A_11, %dma_wait3A_90] : memref<10240x128xf32, #tpu.memory_space<vmem_shared>> -> memref<128x128xf32, #tpu.memory_space<vmem_shared>>
      %dma_wait3A_92 = arith.constant 0 : i32
      %dma_wait3A_93 = tpu.memref_slice %arg11[%add3A_11, %dma_wait3A_92] : memref<10240x128xf32, #tpu.memory_space<vmem_shared>> -> memref<128x128xf32, #tpu.memory_space<vmem_shared>>
      tpu.wait_dma2 semaphore(%run_scoped3A_85 : memref<!tpu.dma_semaphore, #tpu.memory_space<semaphore_mem>>) src(%arg10 : memref<128x128xf32, #tpu.memory_space<vmem>>) dst(%dma_wait3A_93 : memref<128x128xf32, #tpu.memory_space<vmem_shared>>)
      tpu.yield
    }) : () -> ()
    %mul3A_12 = arith.constant 640 : i32
    %mul3A_13 = arith.muli %arg1, %mul3A_12 : i32
    %add3A_14 = arith.constant 128 : i32
    %add3A_15 = arith.addi %mul3A_13, %add3A_14 : i32
    "tpu.region"() ({
      %run_scoped3A_85 = tpu.sem_alloc : memref<!tpu.dma_semaphore, #tpu.memory_space<semaphore_mem>>
      %dma_start3A_86 = arith.constant 0 : i32
      %dma_start3A_87 = tpu.memref_slice %arg11[%add3A_15, %dma_start3A_86] : memref<10240x128xf32, #tpu.memory_space<vmem_shared>> -> memref<128x128xf32, #tpu.memory_space<vmem_shared>>
      %dma_start3A_88 = arith.constant 0 : i32
      %dma_start3A_89 = tpu.memref_slice %arg11[%add3A_15, %dma_start3A_88] : memref<10240x128xf32, #tpu.memory_space<vmem_shared>> -> memref<128x128xf32, #tpu.memory_space<vmem_shared>>
      tpu.enqueue_dma source(%arg10 : memref<128x128xf32, #tpu.memory_space<vmem>>) target(%dma_start3A_89 : memref<128x128xf32, #tpu.memory_space<vmem_shared>>) target_semaphore(%run_scoped3A_85 : memref<!tpu.dma_semaphore, #tpu.memory_space<semaphore_mem>>)
      %dma_wait3A_90 = arith.constant 0 : i32
      %dma_wait3A_91 = tpu.memref_slice %arg11[%add3A_15, %dma_wait3A_90] : memref<10240x128xf32, #tpu.memory_space<vmem_shared>> -> memref<128x128xf32, #tpu.memory_space<vmem_shared>>
      %dma_wait3A_92 = arith.constant 0 : i32
      %dma_wait3A_93 = tpu.memref_slice %arg11[%add3A_15, %dma_wait3A_92] : memref<10240x128xf32, #tpu.memory_space<vmem_shared>> -> memref<128x128xf32, #tpu.memory_space<vmem_shared>>
      tpu.wait_dma2 semaphore(%run_scoped3A_85 : memref<!tpu.dma_semaphore, #tpu.memory_space<semaphore_mem>>) src(%arg10 : memref<128x128xf32, #tpu.memory_space<vmem>>) dst(%dma_wait3A_93 : memref<128x128xf32, #tpu.memory_space<vmem_shared>>)
      tpu.yield
    }) : () -> ()
    %mul3A_16 = arith.constant 640 : i32
    %mul3A_17 = arith.muli %arg1, %mul3A_16 : i32
    %add3A_18 = arith.constant 256 : i32
    %add3A_19 = arith.addi %mul3A_17, %add3A_18 : i32
    "tpu.region"() ({
      %run_scoped3A_85 = tpu.sem_alloc : memref<!tpu.dma_semaphore, #tpu.memory_space<semaphore_mem>>
      %dma_start3A_86 = arith.constant 0 : i32
      %dma_start3A_87 = tpu.memref_slice %arg11[%add3A_19, %dma_start3A_86] : memref<10240x128xf32, #tpu.memory_space<vmem_shared>> -> memref<128x128xf32, #tpu.memory_space<vmem_shared>>
      %dma_start3A_88 = arith.constant 0 : i32
      %dma_start3A_89 = tpu.memref_slice %arg11[%add3A_19, %dma_start3A_88] : memref<10240x128xf32, #tpu.memory_space<vmem_shared>> -> memref<128x128xf32, #tpu.memory_space<vmem_shared>>
      tpu.enqueue_dma source(%arg10 : memref<128x128xf32, #tpu.memory_space<vmem>>) target(%dma_start3A_89 : memref<128x128xf32, #tpu.memory_space<vmem_shared>>) target_semaphore(%run_scoped3A_85 : memref<!tpu.dma_semaphore, #tpu.memory_space<semaphore_mem>>)
      %dma_wait3A_90 = arith.constant 0 : i32
      %dma_wait3A_91 = tpu.memref_slice %arg11[%add3A_19, %dma_wait3A_90] : memref<10240x128xf32, #tpu.memory_space<vmem_shared>> -> memref<128x128xf32, #tpu.memory_space<vmem_shared>>
      %dma_wait3A_92 = arith.constant 0 : i32
      %dma_wait3A_93 = tpu.memref_slice %arg11[%add3A_19, %dma_wait3A_92] : memref<10240x128xf32, #tpu.memory_space<vmem_shared>> -> memref<128x128xf32, #tpu.memory_space<vmem_shared>>
      tpu.wait_dma2 semaphore(%run_scoped3A_85 : memref<!tpu.dma_semaphore, #tpu.memory_space<semaphore_mem>>) src(%arg10 : memref<128x128xf32, #tpu.memory_space<vmem>>) dst(%dma_wait3A_93 : memref<128x128xf32, #tpu.memory_space<vmem_shared>>)
      tpu.yield
    }) : () -> ()
    %mul3A_20 = arith.constant 640 : i32
    %mul3A_21 = arith.muli %arg1, %mul3A_20 : i32
    %add3A_22 = arith.constant 384 : i32
    %add3A_23 = arith.addi %mul3A_21, %add3A_22 : i32
    "tpu.region"() ({
      %run_scoped3A_85 = tpu.sem_alloc : memref<!tpu.dma_semaphore, #tpu.memory_space<semaphore_mem>>
      %dma_start3A_86 = arith.constant 0 : i32
      %dma_start3A_87 = tpu.memref_slice %arg11[%add3A_23, %dma_start3A_86] : memref<10240x128xf32, #tpu.memory_space<vmem_shared>> -> memref<128x128xf32, #tpu.memory_space<vmem_shared>>
      %dma_start3A_88 = arith.constant 0 : i32
      %dma_start3A_89 = tpu.memref_slice %arg11[%add3A_23, %dma_start3A_88] : memref<10240x128xf32, #tpu.memory_space<vmem_shared>> -> memref<128x128xf32, #tpu.memory_space<vmem_shared>>
      tpu.enqueue_dma source(%arg10 : memref<128x128xf32, #tpu.memory_space<vmem>>) target(%dma_start3A_89 : memref<128x128xf32, #tpu.memory_space<vmem_shared>>) target_semaphore(%run_scoped3A_85 : memref<!tpu.dma_semaphore, #tpu.memory_space<semaphore_mem>>)
      %dma_wait3A_90 = arith.constant 0 : i32
      %dma_wait3A_91 = tpu.memref_slice %arg11[%add3A_23, %dma_wait3A_90] : memref<10240x128xf32, #tpu.memory_space<vmem_shared>> -> memref<128x128xf32, #tpu.memory_space<vmem_shared>>
      %dma_wait3A_92 = arith.constant 0 : i32
      %dma_wait3A_93 = tpu.memref_slice %arg11[%add3A_23, %dma_wait3A_92] : memref<10240x128xf32, #tpu.memory_space<vmem_shared>> -> memref<128x128xf32, #tpu.memory_space<vmem_shared>>
      tpu.wait_dma2 semaphore(%run_scoped3A_85 : memref<!tpu.dma_semaphore, #tpu.memory_space<semaphore_mem>>) src(%arg10 : memref<128x128xf32, #tpu.memory_space<vmem>>) dst(%dma_wait3A_93 : memref<128x128xf32, #tpu.memory_space<vmem_shared>>)
      tpu.yield
    }) : () -> ()
    %mul3A_24 = arith.constant 640 : i32
    %mul3A_25 = arith.muli %arg1, %mul3A_24 : i32
    %add3A_26 = arith.constant 512 : i32
    %add3A_27 = arith.addi %mul3A_25, %add3A_26 : i32
    "tpu.region"() ({
      %run_scoped3A_85 = tpu.sem_alloc : memref<!tpu.dma_semaphore, #tpu.memory_space<semaphore_mem>>
      %dma_start3A_86 = arith.constant 0 : i32
      %dma_start3A_87 = tpu.memref_slice %arg11[%add3A_27, %dma_start3A_86] : memref<10240x128xf32, #tpu.memory_space<vmem_shared>> -> memref<128x128xf32, #tpu.memory_space<vmem_shared>>
      %dma_start3A_88 = arith.constant 0 : i32
      %dma_start3A_89 = tpu.memref_slice %arg11[%add3A_27, %dma_start3A_88] : memref<10240x128xf32, #tpu.memory_space<vmem_shared>> -> memref<128x128xf32, #tpu.memory_space<vmem_shared>>
      tpu.enqueue_dma source(%arg10 : memref<128x128xf32, #tpu.memory_space<vmem>>) target(%dma_start3A_89 : memref<128x128xf32, #tpu.memory_space<vmem_shared>>) target_semaphore(%run_scoped3A_85 : memref<!tpu.dma_semaphore, #tpu.memory_space<semaphore_mem>>)
      %dma_wait3A_90 = arith.constant 0 : i32
      %dma_wait3A_91 = tpu.memref_slice %arg11[%add3A_27, %dma_wait3A_90] : memref<10240x128xf32, #tpu.memory_space<vmem_shared>> -> memref<128x128xf32, #tpu.memory_space<vmem_shared>>
      %dma_wait3A_92 = arith.constant 0 : i32
      %dma_wait3A_93 = tpu.memref_slice %arg11[%add3A_27, %dma_wait3A_92] : memref<10240x128xf32, #tpu.memory_space<vmem_shared>> -> memref<128x128xf32, #tpu.memory_space<vmem_shared>>
      tpu.wait_dma2 semaphore(%run_scoped3A_85 : memref<!tpu.dma_semaphore, #tpu.memory_space<semaphore_mem>>) src(%arg10 : memref<128x128xf32, #tpu.memory_space<vmem>>) dst(%dma_wait3A_93 : memref<128x128xf32, #tpu.memory_space<vmem_shared>>)
      tpu.yield
    }) : () -> ()
    %barrier3A = arith.constant 0 : index
    tpu.barrier barrier_id(%barrier3A)
    %run_scoped3A = arith.constant 0 : i32
    "tpu.region"() ({
      %run_scoped3A_85 = tpu.sem_alloc : memref<!tpu.dma_semaphore, #tpu.memory_space<semaphore_mem>>
      %dma_start3A_86 = arith.constant 0 : i32
      %dma_start3A_87 = arith.constant 0 : i32
      %dma_start3A_88 = tpu.memref_slice %arg3[%add3A, %run_scoped3A, %dma_start3A_86, %dma_start3A_87] : memref<32x84x2x128xi32, #tpu.memory_space<hbm>> -> memref<1x1x2x128xi32, #tpu.memory_space<hbm>>
      %dma_start3A_89 = tpu.memref_squeeze %dma_start3A_88 : memref<1x1x2x128xi32, #tpu.memory_space<hbm>> -> memref<2x128xi32, #tpu.memory_space<hbm>>
      %dma_start3A_90 = arith.constant 0 : i32
      %dma_start3A_91 = arith.constant 0 : i32
      %dma_start3A_92 = tpu.memref_slice %arg3[%add3A, %run_scoped3A, %dma_start3A_90, %dma_start3A_91] : memref<32x84x2x128xi32, #tpu.memory_space<hbm>> -> memref<1x1x2x128xi32, #tpu.memory_space<hbm>>
      %dma_start3A_93 = tpu.memref_squeeze %dma_start3A_92 : memref<1x1x2x128xi32, #tpu.memory_space<hbm>> -> memref<2x128xi32, #tpu.memory_space<hbm>>
      tpu.enqueue_dma source(%dma_start3A_93 : memref<2x128xi32, #tpu.memory_space<hbm>>) target(%arg5 : memref<2x128xi32, #tpu.memory_space<vmem>>) target_semaphore(%run_scoped3A_85 : memref<!tpu.dma_semaphore, #tpu.memory_space<semaphore_mem>>)
      %dma_wait3A_94 = arith.constant 0 : i32
      %dma_wait3A_95 = arith.constant 0 : i32
      %dma_wait3A_96 = tpu.memref_slice %arg3[%add3A, %run_scoped3A, %dma_wait3A_94, %dma_wait3A_95] : memref<32x84x2x128xi32, #tpu.memory_space<hbm>> -> memref<1x1x2x128xi32, #tpu.memory_space<hbm>>
      %dma_wait3A_97 = tpu.memref_squeeze %dma_wait3A_96 : memref<1x1x2x128xi32, #tpu.memory_space<hbm>> -> memref<2x128xi32, #tpu.memory_space<hbm>>
      %dma_wait3A_98 = arith.constant 0 : i32
      %dma_wait3A_99 = arith.constant 0 : i32
      %dma_wait3A_100 = tpu.memref_slice %arg3[%add3A, %run_scoped3A, %dma_wait3A_98, %dma_wait3A_99] : memref<32x84x2x128xi32, #tpu.memory_space<hbm>> -> memref<1x1x2x128xi32, #tpu.memory_space<hbm>>
      %dma_wait3A_101 = tpu.memref_squeeze %dma_wait3A_100 : memref<1x1x2x128xi32, #tpu.memory_space<hbm>> -> memref<2x128xi32, #tpu.memory_space<hbm>>
      tpu.wait_dma2 semaphore(%run_scoped3A_85 : memref<!tpu.dma_semaphore, #tpu.memory_space<semaphore_mem>>) src(%dma_wait3A_101 : memref<2x128xi32, #tpu.memory_space<hbm>>) dst(%arg5 : memref<2x128xi32, #tpu.memory_space<vmem>>)
      tpu.yield
    }) : () -> ()
    %dma_start3A = arith.constant 0 : i32
    %dma_start3A_28 = arith.constant 0 : i32
    %dma_start3A_29 = tpu.memref_slice %arg5[%dma_start3A, %dma_start3A_28] : memref<2x128xi32, #tpu.memory_space<vmem>> -> memref<1x128xi32, #tpu.memory_space<vmem>>
    %dma_start3A_30 = tpu.memref_squeeze %dma_start3A_29 : memref<1x128xi32, #tpu.memory_space<vmem>> -> memref<128xi32, #tpu.memory_space<vmem>>
    %dma_start3A_31 = arith.constant 0 : i32
    %dma_start3A_32 = arith.constant 0 : i32
    %dma_start3A_33 = tpu.memref_slice %arg2[%dma_start3A_31, %dma_start3A_32] : memref<10000x128xf32, #tpu.memory_space<hbm>> -> memref<10000x128xf32, #tpu.memory_space<hbm>>
    tpu.enqueue_indirect_dma source(%dma_start3A_33 : memref<10000x128xf32, #tpu.memory_space<hbm>>) target(%arg9 : memref<128x128xf32, #tpu.memory_space<vmem>>) offsets(%dma_start3A_30 : memref<128xi32, #tpu.memory_space<vmem>>) semaphore(%arg13 : memref<!tpu.dma_semaphore, #tpu.memory_space<semaphore_mem>>)
    %run_scoped3A_34 = arith.constant 1 : i32
    "tpu.region"() ({
      %run_scoped3A_85 = tpu.sem_alloc : memref<!tpu.dma_semaphore, #tpu.memory_space<semaphore_mem>>
      %dma_start3A_86 = arith.constant 0 : i32
      %dma_start3A_87 = arith.constant 0 : i32
      %dma_start3A_88 = tpu.memref_slice %arg3[%add3A, %run_scoped3A_34, %dma_start3A_86, %dma_start3A_87] : memref<32x84x2x128xi32, #tpu.memory_space<hbm>> -> memref<1x1x2x128xi32, #tpu.memory_space<hbm>>
      %dma_start3A_89 = tpu.memref_squeeze %dma_start3A_88 : memref<1x1x2x128xi32, #tpu.memory_space<hbm>> -> memref<2x128xi32, #tpu.memory_space<hbm>>
      %dma_start3A_90 = arith.constant 0 : i32
      %dma_start3A_91 = arith.constant 0 : i32
      %dma_start3A_92 = tpu.memref_slice %arg3[%add3A, %run_scoped3A_34, %dma_start3A_90, %dma_start3A_91] : memref<32x84x2x128xi32, #tpu.memory_space<hbm>> -> memref<1x1x2x128xi32, #tpu.memory_space<hbm>>
      %dma_start3A_93 = tpu.memref_squeeze %dma_start3A_92 : memref<1x1x2x128xi32, #tpu.memory_space<hbm>> -> memref<2x128xi32, #tpu.memory_space<hbm>>
      tpu.enqueue_dma source(%dma_start3A_93 : memref<2x128xi32, #tpu.memory_space<hbm>>) target(%arg6 : memref<2x128xi32, #tpu.memory_space<vmem>>) target_semaphore(%run_scoped3A_85 : memref<!tpu.dma_semaphore, #tpu.memory_space<semaphore_mem>>)
      %dma_wait3A_94 = arith.constant 0 : i32
      %dma_wait3A_95 = arith.constant 0 : i32
      %dma_wait3A_96 = tpu.memref_slice %arg3[%add3A, %run_scoped3A_34, %dma_wait3A_94, %dma_wait3A_95] : memref<32x84x2x128xi32, #tpu.memory_space<hbm>> -> memref<1x1x2x128xi32, #tpu.memory_space<hbm>>
      %dma_wait3A_97 = tpu.memref_squeeze %dma_wait3A_96 : memref<1x1x2x128xi32, #tpu.memory_space<hbm>> -> memref<2x128xi32, #tpu.memory_space<hbm>>
      %dma_wait3A_98 = arith.constant 0 : i32
      %dma_wait3A_99 = arith.constant 0 : i32
      %dma_wait3A_100 = tpu.memref_slice %arg3[%add3A, %run_scoped3A_34, %dma_wait3A_98, %dma_wait3A_99] : memref<32x84x2x128xi32, #tpu.memory_space<hbm>> -> memref<1x1x2x128xi32, #tpu.memory_space<hbm>>
      %dma_wait3A_101 = tpu.memref_squeeze %dma_wait3A_100 : memref<1x1x2x128xi32, #tpu.memory_space<hbm>> -> memref<2x128xi32, #tpu.memory_space<hbm>>
      tpu.wait_dma2 semaphore(%run_scoped3A_85 : memref<!tpu.dma_semaphore, #tpu.memory_space<semaphore_mem>>) src(%dma_wait3A_101 : memref<2x128xi32, #tpu.memory_space<hbm>>) dst(%arg6 : memref<2x128xi32, #tpu.memory_space<vmem>>)
      tpu.yield
    }) : () -> ()
    %dma_start3A_35 = arith.constant 2 : i32
    %dma_start3A_36 = arith.constant 0 : i32
    %dma_start3A_37 = arith.constant 0 : i32
    %dma_start3A_38 = tpu.memref_slice %arg3[%add3A, %dma_start3A_35, %dma_start3A_36, %dma_start3A_37] : memref<32x84x2x128xi32, #tpu.memory_space<hbm>> -> memref<1x1x2x128xi32, #tpu.memory_space<hbm>>
    %dma_start3A_39 = tpu.memref_squeeze %dma_start3A_38 : memref<1x1x2x128xi32, #tpu.memory_space<hbm>> -> memref<2x128xi32, #tpu.memory_space<hbm>>
    %dma_start3A_40 = arith.constant 0 : i32
    %dma_start3A_41 = arith.constant 0 : i32
    %dma_start3A_42 = tpu.memref_slice %arg3[%add3A, %dma_start3A_35, %dma_start3A_40, %dma_start3A_41] : memref<32x84x2x128xi32, #tpu.memory_space<hbm>> -> memref<1x1x2x128xi32, #tpu.memory_space<hbm>>
    %dma_start3A_43 = tpu.memref_squeeze %dma_start3A_42 : memref<1x1x2x128xi32, #tpu.memory_space<hbm>> -> memref<2x128xi32, #tpu.memory_space<hbm>>
    tpu.enqueue_dma source(%dma_start3A_43 : memref<2x128xi32, #tpu.memory_space<hbm>>) target(%arg7 : memref<2x128xi32, #tpu.memory_space<vmem>>) target_semaphore(%arg12 : memref<!tpu.dma_semaphore, #tpu.memory_space<semaphore_mem>>)
    %dma_start3A_44 = arith.constant 1 : i32
    %dma_start3A_45 = arith.constant 0 : i32
    %dma_start3A_46 = tpu.memref_slice %arg5[%dma_start3A_44, %dma_start3A_45] : memref<2x128xi32, #tpu.memory_space<vmem>> -> memref<1x128xi32, #tpu.memory_space<vmem>>
    %dma_start3A_47 = tpu.memref_squeeze %dma_start3A_46 : memref<1x128xi32, #tpu.memory_space<vmem>> -> memref<128xi32, #tpu.memory_space<vmem>>
    %dma_start3A_48 = arith.constant 0 : i32
    %dma_start3A_49 = arith.constant 0 : i32
    %dma_start3A_50 = tpu.memref_slice %arg11[%dma_start3A_48, %dma_start3A_49] : memref<10240x128xf32, #tpu.memory_space<vmem_shared>> -> memref<10240x128xf32, #tpu.memory_space<vmem_shared>>
    tpu.enqueue_indirect_dma source(%arg10 : memref<128x128xf32, #tpu.memory_space<vmem>>) target(%dma_start3A_50 : memref<10240x128xf32, #tpu.memory_space<vmem_shared>>) offsets(%dma_start3A_47 : memref<128xi32, #tpu.memory_space<vmem>>) semaphore(%arg14 : memref<!tpu.dma_semaphore, #tpu.memory_space<semaphore_mem>>) {add = true}
    %scan3A_51 = arith.constant 0 : i32
    %scan3A_52 = arith.constant 0 : i32
    %scan3A_53 = arith.constant 20 : i32
    %scan3A_54 = arith.addi %scan3A_52, %scan3A_53 : i32
    %scan3A_55 = arith.constant 1 : i32
    %scan3A_56 = scf.for %scan3A_85 = %scan3A_52 to %scan3A_54 step %scan3A_55 iter_args(%scan3A_86 = %scan3A_51) -> (i32)  : i32 {
      %mul3A_87 = arith.constant 4 : i32
      %mul3A_88 = arith.muli %scan3A_85, %mul3A_87 : i32
      %dma_wait3A_89 = arith.constant 1 : i32
      %dma_wait3A_90 = arith.constant 0 : i32
      %dma_wait3A_91 = tpu.memref_slice %arg5[%dma_wait3A_89, %dma_wait3A_90] : memref<2x128xi32, #tpu.memory_space<vmem>> -> memref<1x128xi32, #tpu.memory_space<vmem>>
      %dma_wait3A_92 = tpu.memref_squeeze %dma_wait3A_91 : memref<1x128xi32, #tpu.memory_space<vmem>> -> memref<128xi32, #tpu.memory_space<vmem>>
      %dma_wait3A_93 = arith.constant 0 : i32
      %dma_wait3A_94 = arith.constant 0 : i32
      %dma_wait3A_95 = tpu.memref_slice %arg11[%dma_wait3A_93, %dma_wait3A_94] : memref<10240x128xf32, #tpu.memory_space<vmem_shared>> -> memref<10240x128xf32, #tpu.memory_space<vmem_shared>>
      tpu.wait_indirect_dma semaphore(%arg14 : memref<!tpu.dma_semaphore, #tpu.memory_space<semaphore_mem>>) src(%arg10 : memref<128x128xf32, #tpu.memory_space<vmem>>) dst(%dma_wait3A_95 : memref<10240x128xf32, #tpu.memory_space<vmem_shared>>)
      %dma_start3A_96 = arith.constant 0 : i32
      %dma_start3A_97 = arith.constant 0 : i32
      %dma_start3A_98 = tpu.memref_slice %arg6[%dma_start3A_96, %dma_start3A_97] : memref<2x128xi32, #tpu.memory_space<vmem>> -> memref<1x128xi32, #tpu.memory_space<vmem>>
      %dma_start3A_99 = tpu.memref_squeeze %dma_start3A_98 : memref<1x128xi32, #tpu.memory_space<vmem>> -> memref<128xi32, #tpu.memory_space<vmem>>
      %dma_start3A_100 = arith.constant 0 : i32
      %dma_start3A_101 = arith.constant 0 : i32
      %dma_start3A_102 = tpu.memref_slice %arg2[%dma_start3A_100, %dma_start3A_101] : memref<10000x128xf32, #tpu.memory_space<hbm>> -> memref<10000x128xf32, #tpu.memory_space<hbm>>
      tpu.enqueue_indirect_dma source(%dma_start3A_102 : memref<10000x128xf32, #tpu.memory_space<hbm>>) target(%arg10 : memref<128x128xf32, #tpu.memory_space<vmem>>) offsets(%dma_start3A_99 : memref<128xi32, #tpu.memory_space<vmem>>) semaphore(%arg13 : memref<!tpu.dma_semaphore, #tpu.memory_space<semaphore_mem>>)
      %add3A_103 = arith.constant 0 : i32
      %add3A_104 = arith.addi %mul3A_88, %add3A_103 : i32
      %add3A_105 = arith.constant 3 : i32
      %add3A_106 = arith.addi %add3A_104, %add3A_105 : i32
      %dma_start3A_107 = arith.constant 0 : i32
      %dma_start3A_108 = arith.constant 0 : i32
      %dma_start3A_109 = tpu.memref_slice %arg3[%add3A, %add3A_106, %dma_start3A_107, %dma_start3A_108] : memref<32x84x2x128xi32, #tpu.memory_space<hbm>> -> memref<1x1x2x128xi32, #tpu.memory_space<hbm>>
      %dma_start3A_110 = tpu.memref_squeeze %dma_start3A_109 : memref<1x1x2x128xi32, #tpu.memory_space<hbm>> -> memref<2x128xi32, #tpu.memory_space<hbm>>
      %dma_start3A_111 = arith.constant 0 : i32
      %dma_start3A_112 = arith.constant 0 : i32
      %dma_start3A_113 = tpu.memref_slice %arg3[%add3A, %add3A_106, %dma_start3A_111, %dma_start3A_112] : memref<32x84x2x128xi32, #tpu.memory_space<hbm>> -> memref<1x1x2x128xi32, #tpu.memory_space<hbm>>
      %dma_start3A_114 = tpu.memref_squeeze %dma_start3A_113 : memref<1x1x2x128xi32, #tpu.memory_space<hbm>> -> memref<2x128xi32, #tpu.memory_space<hbm>>
      tpu.enqueue_dma source(%dma_start3A_114 : memref<2x128xi32, #tpu.memory_space<hbm>>) target(%arg8 : memref<2x128xi32, #tpu.memory_space<vmem>>) target_semaphore(%arg12 : memref<!tpu.dma_semaphore, #tpu.memory_space<semaphore_mem>>)
      %dma_wait3A_115 = arith.constant 0 : i32
      %dma_wait3A_116 = arith.constant 0 : i32
      %dma_wait3A_117 = tpu.memref_slice %arg5[%dma_wait3A_115, %dma_wait3A_116] : memref<2x128xi32, #tpu.memory_space<vmem>> -> memref<1x128xi32, #tpu.memory_space<vmem>>
      %dma_wait3A_118 = tpu.memref_squeeze %dma_wait3A_117 : memref<1x128xi32, #tpu.memory_space<vmem>> -> memref<128xi32, #tpu.memory_space<vmem>>
      %dma_wait3A_119 = arith.constant 0 : i32
      %dma_wait3A_120 = arith.constant 0 : i32
      %dma_wait3A_121 = tpu.memref_slice %arg2[%dma_wait3A_119, %dma_wait3A_120] : memref<10000x128xf32, #tpu.memory_space<hbm>> -> memref<10000x128xf32, #tpu.memory_space<hbm>>
      tpu.wait_indirect_dma semaphore(%arg13 : memref<!tpu.dma_semaphore, #tpu.memory_space<semaphore_mem>>) src(%dma_wait3A_121 : memref<10000x128xf32, #tpu.memory_space<hbm>>) dst(%arg9 : memref<128x128xf32, #tpu.memory_space<vmem>>)
      %dma_wait3A_122 = arith.constant 0 : i32
      %dma_wait3A_123 = arith.constant 0 : i32
      %dma_wait3A_124 = arith.constant 0 : i32
      %dma_wait3A_125 = tpu.memref_slice %arg3[%add3A, %dma_wait3A_122, %dma_wait3A_123, %dma_wait3A_124] : memref<32x84x2x128xi32, #tpu.memory_space<hbm>> -> memref<1x1x2x128xi32, #tpu.memory_space<hbm>>
      %dma_wait3A_126 = tpu.memref_squeeze %dma_wait3A_125 : memref<1x1x2x128xi32, #tpu.memory_space<hbm>> -> memref<2x128xi32, #tpu.memory_space<hbm>>
      %dma_wait3A_127 = arith.constant 0 : i32
      %dma_wait3A_128 = arith.constant 0 : i32
      %dma_wait3A_129 = tpu.memref_slice %arg3[%add3A, %dma_wait3A_122, %dma_wait3A_127, %dma_wait3A_128] : memref<32x84x2x128xi32, #tpu.memory_space<hbm>> -> memref<1x1x2x128xi32, #tpu.memory_space<hbm>>
      %dma_wait3A_130 = tpu.memref_squeeze %dma_wait3A_129 : memref<1x1x2x128xi32, #tpu.memory_space<hbm>> -> memref<2x128xi32, #tpu.memory_space<hbm>>
      tpu.wait_dma2 semaphore(%arg12 : memref<!tpu.dma_semaphore, #tpu.memory_space<semaphore_mem>>) src(%dma_wait3A_130 : memref<2x128xi32, #tpu.memory_space<hbm>>) dst(%arg7 : memref<2x128xi32, #tpu.memory_space<vmem>>)
      %dma_start3A_131 = arith.constant 1 : i32
      %dma_start3A_132 = arith.constant 0 : i32
      %dma_start3A_133 = tpu.memref_slice %arg5[%dma_start3A_131, %dma_start3A_132] : memref<2x128xi32, #tpu.memory_space<vmem>> -> memref<1x128xi32, #tpu.memory_space<vmem>>
      %dma_start3A_134 = tpu.memref_squeeze %dma_start3A_133 : memref<1x128xi32, #tpu.memory_space<vmem>> -> memref<128xi32, #tpu.memory_space<vmem>>
      %dma_start3A_135 = arith.constant 0 : i32
      %dma_start3A_136 = arith.constant 0 : i32
      %dma_start3A_137 = tpu.memref_slice %arg11[%dma_start3A_135, %dma_start3A_136] : memref<10240x128xf32, #tpu.memory_space<vmem_shared>> -> memref<10240x128xf32, #tpu.memory_space<vmem_shared>>
      tpu.enqueue_indirect_dma source(%arg9 : memref<128x128xf32, #tpu.memory_space<vmem>>) target(%dma_start3A_137 : memref<10240x128xf32, #tpu.memory_space<vmem_shared>>) offsets(%dma_start3A_134 : memref<128xi32, #tpu.memory_space<vmem>>) semaphore(%arg14 : memref<!tpu.dma_semaphore, #tpu.memory_space<semaphore_mem>>) {add = true}
      %dma_wait3A_138 = arith.constant 1 : i32
      %dma_wait3A_139 = arith.constant 0 : i32
      %dma_wait3A_140 = tpu.memref_slice %arg5[%dma_wait3A_138, %dma_wait3A_139] : memref<2x128xi32, #tpu.memory_space<vmem>> -> memref<1x128xi32, #tpu.memory_space<vmem>>
      %dma_wait3A_141 = tpu.memref_squeeze %dma_wait3A_140 : memref<1x128xi32, #tpu.memory_space<vmem>> -> memref<128xi32, #tpu.memory_space<vmem>>
      %dma_wait3A_142 = arith.constant 0 : i32
      %dma_wait3A_143 = arith.constant 0 : i32
      %dma_wait3A_144 = tpu.memref_slice %arg11[%dma_wait3A_142, %dma_wait3A_143] : memref<10240x128xf32, #tpu.memory_space<vmem_shared>> -> memref<10240x128xf32, #tpu.memory_space<vmem_shared>>
      tpu.wait_indirect_dma semaphore(%arg14 : memref<!tpu.dma_semaphore, #tpu.memory_space<semaphore_mem>>) src(%arg9 : memref<128x128xf32, #tpu.memory_space<vmem>>) dst(%dma_wait3A_144 : memref<10240x128xf32, #tpu.memory_space<vmem_shared>>)
      %dma_start3A_145 = arith.constant 0 : i32
      %dma_start3A_146 = arith.constant 0 : i32
      %dma_start3A_147 = tpu.memref_slice %arg7[%dma_start3A_145, %dma_start3A_146] : memref<2x128xi32, #tpu.memory_space<vmem>> -> memref<1x128xi32, #tpu.memory_space<vmem>>
      %dma_start3A_148 = tpu.memref_squeeze %dma_start3A_147 : memref<1x128xi32, #tpu.memory_space<vmem>> -> memref<128xi32, #tpu.memory_space<vmem>>
      %dma_start3A_149 = arith.constant 0 : i32
      %dma_start3A_150 = arith.constant 0 : i32
      %dma_start3A_151 = tpu.memref_slice %arg2[%dma_start3A_149, %dma_start3A_150] : memref<10000x128xf32, #tpu.memory_space<hbm>> -> memref<10000x128xf32, #tpu.memory_space<hbm>>
      tpu.enqueue_indirect_dma source(%dma_start3A_151 : memref<10000x128xf32, #tpu.memory_space<hbm>>) target(%arg9 : memref<128x128xf32, #tpu.memory_space<vmem>>) offsets(%dma_start3A_148 : memref<128xi32, #tpu.memory_space<vmem>>) semaphore(%arg13 : memref<!tpu.dma_semaphore, #tpu.memory_space<semaphore_mem>>)
      %add3A_152 = arith.constant 1 : i32
      %add3A_153 = arith.addi %mul3A_88, %add3A_152 : i32
      %add3A_154 = arith.constant 3 : i32
      %add3A_155 = arith.addi %add3A_153, %add3A_154 : i32
      %dma_start3A_156 = arith.constant 0 : i32
      %dma_start3A_157 = arith.constant 0 : i32
      %dma_start3A_158 = tpu.memref_slice %arg3[%add3A, %add3A_155, %dma_start3A_156, %dma_start3A_157] : memref<32x84x2x128xi32, #tpu.memory_space<hbm>> -> memref<1x1x2x128xi32, #tpu.memory_space<hbm>>
      %dma_start3A_159 = tpu.memref_squeeze %dma_start3A_158 : memref<1x1x2x128xi32, #tpu.memory_space<hbm>> -> memref<2x128xi32, #tpu.memory_space<hbm>>
      %dma_start3A_160 = arith.constant 0 : i32
      %dma_start3A_161 = arith.constant 0 : i32
      %dma_start3A_162 = tpu.memref_slice %arg3[%add3A, %add3A_155, %dma_start3A_160, %dma_start3A_161] : memref<32x84x2x128xi32, #tpu.memory_space<hbm>> -> memref<1x1x2x128xi32, #tpu.memory_space<hbm>>
      %dma_start3A_163 = tpu.memref_squeeze %dma_start3A_162 : memref<1x1x2x128xi32, #tpu.memory_space<hbm>> -> memref<2x128xi32, #tpu.memory_space<hbm>>
      tpu.enqueue_dma source(%dma_start3A_163 : memref<2x128xi32, #tpu.memory_space<hbm>>) target(%arg5 : memref<2x128xi32, #tpu.memory_space<vmem>>) target_semaphore(%arg12 : memref<!tpu.dma_semaphore, #tpu.memory_space<semaphore_mem>>)
      %dma_wait3A_164 = arith.constant 0 : i32
      %dma_wait3A_165 = arith.constant 0 : i32
      %dma_wait3A_166 = tpu.memref_slice %arg5[%dma_wait3A_164, %dma_wait3A_165] : memref<2x128xi32, #tpu.memory_space<vmem>> -> memref<1x128xi32, #tpu.memory_space<vmem>>
      %dma_wait3A_167 = tpu.memref_squeeze %dma_wait3A_166 : memref<1x128xi32, #tpu.memory_space<vmem>> -> memref<128xi32, #tpu.memory_space<vmem>>
      %dma_wait3A_168 = arith.constant 0 : i32
      %dma_wait3A_169 = arith.constant 0 : i32
      %dma_wait3A_170 = tpu.memref_slice %arg2[%dma_wait3A_168, %dma_wait3A_169] : memref<10000x128xf32, #tpu.memory_space<hbm>> -> memref<10000x128xf32, #tpu.memory_space<hbm>>
      tpu.wait_indirect_dma semaphore(%arg13 : memref<!tpu.dma_semaphore, #tpu.memory_space<semaphore_mem>>) src(%dma_wait3A_170 : memref<10000x128xf32, #tpu.memory_space<hbm>>) dst(%arg10 : memref<128x128xf32, #tpu.memory_space<vmem>>)
      %dma_wait3A_171 = arith.constant 0 : i32
      %dma_wait3A_172 = arith.constant 0 : i32
      %dma_wait3A_173 = arith.constant 0 : i32
      %dma_wait3A_174 = tpu.memref_slice %arg3[%add3A, %dma_wait3A_171, %dma_wait3A_172, %dma_wait3A_173] : memref<32x84x2x128xi32, #tpu.memory_space<hbm>> -> memref<1x1x2x128xi32, #tpu.memory_space<hbm>>
      %dma_wait3A_175 = tpu.memref_squeeze %dma_wait3A_174 : memref<1x1x2x128xi32, #tpu.memory_space<hbm>> -> memref<2x128xi32, #tpu.memory_space<hbm>>
      %dma_wait3A_176 = arith.constant 0 : i32
      %dma_wait3A_177 = arith.constant 0 : i32
      %dma_wait3A_178 = tpu.memref_slice %arg3[%add3A, %dma_wait3A_171, %dma_wait3A_176, %dma_wait3A_177] : memref<32x84x2x128xi32, #tpu.memory_space<hbm>> -> memref<1x1x2x128xi32, #tpu.memory_space<hbm>>
      %dma_wait3A_179 = tpu.memref_squeeze %dma_wait3A_178 : memref<1x1x2x128xi32, #tpu.memory_space<hbm>> -> memref<2x128xi32, #tpu.memory_space<hbm>>
      tpu.wait_dma2 semaphore(%arg12 : memref<!tpu.dma_semaphore, #tpu.memory_space<semaphore_mem>>) src(%dma_wait3A_179 : memref<2x128xi32, #tpu.memory_space<hbm>>) dst(%arg8 : memref<2x128xi32, #tpu.memory_space<vmem>>)
      %dma_start3A_180 = arith.constant 1 : i32
      %dma_start3A_181 = arith.constant 0 : i32
      %dma_start3A_182 = tpu.memref_slice %arg6[%dma_start3A_180, %dma_start3A_181] : memref<2x128xi32, #tpu.memory_space<vmem>> -> memref<1x128xi32, #tpu.memory_space<vmem>>
      %dma_start3A_183 = tpu.memref_squeeze %dma_start3A_182 : memref<1x128xi32, #tpu.memory_space<vmem>> -> memref<128xi32, #tpu.memory_space<vmem>>
      %dma_start3A_184 = arith.constant 0 : i32
      %dma_start3A_185 = arith.constant 0 : i32
      %dma_start3A_186 = tpu.memref_slice %arg11[%dma_start3A_184, %dma_start3A_185] : memref<10240x128xf32, #tpu.memory_space<vmem_shared>> -> memref<10240x128xf32, #tpu.memory_space<vmem_shared>>
      tpu.enqueue_indirect_dma source(%arg10 : memref<128x128xf32, #tpu.memory_space<vmem>>) target(%dma_start3A_186 : memref<10240x128xf32, #tpu.memory_space<vmem_shared>>) offsets(%dma_start3A_183 : memref<128xi32, #tpu.memory_space<vmem>>) semaphore(%arg14 : memref<!tpu.dma_semaphore, #tpu.memory_space<semaphore_mem>>) {add = true}
      %dma_wait3A_187 = arith.constant 1 : i32
      %dma_wait3A_188 = arith.constant 0 : i32
      %dma_wait3A_189 = tpu.memref_slice %arg5[%dma_wait3A_187, %dma_wait3A_188] : memref<2x128xi32, #tpu.memory_space<vmem>> -> memref<1x128xi32, #tpu.memory_space<vmem>>
      %dma_wait3A_190 = tpu.memref_squeeze %dma_wait3A_189 : memref<1x128xi32, #tpu.memory_space<vmem>> -> memref<128xi32, #tpu.memory_space<vmem>>
      %dma_wait3A_191 = arith.constant 0 : i32
      %dma_wait3A_192 = arith.constant 0 : i32
      %dma_wait3A_193 = tpu.memref_slice %arg11[%dma_wait3A_191, %dma_wait3A_192] : memref<10240x128xf32, #tpu.memory_space<vmem_shared>> -> memref<10240x128xf32, #tpu.memory_space<vmem_shared>>
      tpu.wait_indirect_dma semaphore(%arg14 : memref<!tpu.dma_semaphore, #tpu.memory_space<semaphore_mem>>) src(%arg10 : memref<128x128xf32, #tpu.memory_space<vmem>>) dst(%dma_wait3A_193 : memref<10240x128xf32, #tpu.memory_space<vmem_shared>>)
      %dma_start3A_194 = arith.constant 0 : i32
      %dma_start3A_195 = arith.constant 0 : i32
      %dma_start3A_196 = tpu.memref_slice %arg8[%dma_start3A_194, %dma_start3A_195] : memref<2x128xi32, #tpu.memory_space<vmem>> -> memref<1x128xi32, #tpu.memory_space<vmem>>
      %dma_start3A_197 = tpu.memref_squeeze %dma_start3A_196 : memref<1x128xi32, #tpu.memory_space<vmem>> -> memref<128xi32, #tpu.memory_space<vmem>>
      %dma_start3A_198 = arith.constant 0 : i32
      %dma_start3A_199 = arith.constant 0 : i32
      %dma_start3A_200 = tpu.memref_slice %arg2[%dma_start3A_198, %dma_start3A_199] : memref<10000x128xf32, #tpu.memory_space<hbm>> -> memref<10000x128xf32, #tpu.memory_space<hbm>>
      tpu.enqueue_indirect_dma source(%dma_start3A_200 : memref<10000x128xf32, #tpu.memory_space<hbm>>) target(%arg10 : memref<128x128xf32, #tpu.memory_space<vmem>>) offsets(%dma_start3A_197 : memref<128xi32, #tpu.memory_space<vmem>>) semaphore(%arg13 : memref<!tpu.dma_semaphore, #tpu.memory_space<semaphore_mem>>)
      %add3A_201 = arith.constant 2 : i32
      %add3A_202 = arith.addi %mul3A_88, %add3A_201 : i32
      %add3A_203 = arith.constant 3 : i32
      %add3A_204 = arith.addi %add3A_202, %add3A_203 : i32
      %dma_start3A_205 = arith.constant 0 : i32
      %dma_start3A_206 = arith.constant 0 : i32
      %dma_start3A_207 = tpu.memref_slice %arg3[%add3A, %add3A_204, %dma_start3A_205, %dma_start3A_206] : memref<32x84x2x128xi32, #tpu.memory_space<hbm>> -> memref<1x1x2x128xi32, #tpu.memory_space<hbm>>
      %dma_start3A_208 = tpu.memref_squeeze %dma_start3A_207 : memref<1x1x2x128xi32, #tpu.memory_space<hbm>> -> memref<2x128xi32, #tpu.memory_space<hbm>>
      %dma_start3A_209 = arith.constant 0 : i32
      %dma_start3A_210 = arith.constant 0 : i32
      %dma_start3A_211 = tpu.memref_slice %arg3[%add3A, %add3A_204, %dma_start3A_209, %dma_start3A_210] : memref<32x84x2x128xi32, #tpu.memory_space<hbm>> -> memref<1x1x2x128xi32, #tpu.memory_space<hbm>>
      %dma_start3A_212 = tpu.memref_squeeze %dma_start3A_211 : memref<1x1x2x128xi32, #tpu.memory_space<hbm>> -> memref<2x128xi32, #tpu.memory_space<hbm>>
      tpu.enqueue_dma source(%dma_start3A_212 : memref<2x128xi32, #tpu.memory_space<hbm>>) target(%arg6 : memref<2x128xi32, #tpu.memory_space<vmem>>) target_semaphore(%arg12 : memref<!tpu.dma_semaphore, #tpu.memory_space<semaphore_mem>>)
      %dma_wait3A_213 = arith.constant 0 : i32
      %dma_wait3A_214 = arith.constant 0 : i32
      %dma_wait3A_215 = tpu.memref_slice %arg5[%dma_wait3A_213, %dma_wait3A_214] : memref<2x128xi32, #tpu.memory_space<vmem>> -> memref<1x128xi32, #tpu.memory_space<vmem>>
      %dma_wait3A_216 = tpu.memref_squeeze %dma_wait3A_215 : memref<1x128xi32, #tpu.memory_space<vmem>> -> memref<128xi32, #tpu.memory_space<vmem>>
      %dma_wait3A_217 = arith.constant 0 : i32
      %dma_wait3A_218 = arith.constant 0 : i32
      %dma_wait3A_219 = tpu.memref_slice %arg2[%dma_wait3A_217, %dma_wait3A_218] : memref<10000x128xf32, #tpu.memory_space<hbm>> -> memref<10000x128xf32, #tpu.memory_space<hbm>>
      tpu.wait_indirect_dma semaphore(%arg13 : memref<!tpu.dma_semaphore, #tpu.memory_space<semaphore_mem>>) src(%dma_wait3A_219 : memref<10000x128xf32, #tpu.memory_space<hbm>>) dst(%arg9 : memref<128x128xf32, #tpu.memory_space<vmem>>)
      %dma_wait3A_220 = arith.constant 0 : i32
      %dma_wait3A_221 = arith.constant 0 : i32
      %dma_wait3A_222 = arith.constant 0 : i32
      %dma_wait3A_223 = tpu.memref_slice %arg3[%add3A, %dma_wait3A_220, %dma_wait3A_221, %dma_wait3A_222] : memref<32x84x2x128xi32, #tpu.memory_space<hbm>> -> memref<1x1x2x128xi32, #tpu.memory_space<hbm>>
      %dma_wait3A_224 = tpu.memref_squeeze %dma_wait3A_223 : memref<1x1x2x128xi32, #tpu.memory_space<hbm>> -> memref<2x128xi32, #tpu.memory_space<hbm>>
      %dma_wait3A_225 = arith.constant 0 : i32
      %dma_wait3A_226 = arith.constant 0 : i32
      %dma_wait3A_227 = tpu.memref_slice %arg3[%add3A, %dma_wait3A_220, %dma_wait3A_225, %dma_wait3A_226] : memref<32x84x2x128xi32, #tpu.memory_space<hbm>> -> memref<1x1x2x128xi32, #tpu.memory_space<hbm>>
      %dma_wait3A_228 = tpu.memref_squeeze %dma_wait3A_227 : memref<1x1x2x128xi32, #tpu.memory_space<hbm>> -> memref<2x128xi32, #tpu.memory_space<hbm>>
      tpu.wait_dma2 semaphore(%arg12 : memref<!tpu.dma_semaphore, #tpu.memory_space<semaphore_mem>>) src(%dma_wait3A_228 : memref<2x128xi32, #tpu.memory_space<hbm>>) dst(%arg5 : memref<2x128xi32, #tpu.memory_space<vmem>>)
      %dma_start3A_229 = arith.constant 1 : i32
      %dma_start3A_230 = arith.constant 0 : i32
      %dma_start3A_231 = tpu.memref_slice %arg7[%dma_start3A_229, %dma_start3A_230] : memref<2x128xi32, #tpu.memory_space<vmem>> -> memref<1x128xi32, #tpu.memory_space<vmem>>
      %dma_start3A_232 = tpu.memref_squeeze %dma_start3A_231 : memref<1x128xi32, #tpu.memory_space<vmem>> -> memref<128xi32, #tpu.memory_space<vmem>>
      %dma_start3A_233 = arith.constant 0 : i32
      %dma_start3A_234 = arith.constant 0 : i32
      %dma_start3A_235 = tpu.memref_slice %arg11[%dma_start3A_233, %dma_start3A_234] : memref<10240x128xf32, #tpu.memory_space<vmem_shared>> -> memref<10240x128xf32, #tpu.memory_space<vmem_shared>>
      tpu.enqueue_indirect_dma source(%arg9 : memref<128x128xf32, #tpu.memory_space<vmem>>) target(%dma_start3A_235 : memref<10240x128xf32, #tpu.memory_space<vmem_shared>>) offsets(%dma_start3A_232 : memref<128xi32, #tpu.memory_space<vmem>>) semaphore(%arg14 : memref<!tpu.dma_semaphore, #tpu.memory_space<semaphore_mem>>) {add = true}
      %dma_wait3A_236 = arith.constant 1 : i32
      %dma_wait3A_237 = arith.constant 0 : i32
      %dma_wait3A_238 = tpu.memref_slice %arg5[%dma_wait3A_236, %dma_wait3A_237] : memref<2x128xi32, #tpu.memory_space<vmem>> -> memref<1x128xi32, #tpu.memory_space<vmem>>
      %dma_wait3A_239 = tpu.memref_squeeze %dma_wait3A_238 : memref<1x128xi32, #tpu.memory_space<vmem>> -> memref<128xi32, #tpu.memory_space<vmem>>
      %dma_wait3A_240 = arith.constant 0 : i32
      %dma_wait3A_241 = arith.constant 0 : i32
      %dma_wait3A_242 = tpu.memref_slice %arg11[%dma_wait3A_240, %dma_wait3A_241] : memref<10240x128xf32, #tpu.memory_space<vmem_shared>> -> memref<10240x128xf32, #tpu.memory_space<vmem_shared>>
      tpu.wait_indirect_dma semaphore(%arg14 : memref<!tpu.dma_semaphore, #tpu.memory_space<semaphore_mem>>) src(%arg9 : memref<128x128xf32, #tpu.memory_space<vmem>>) dst(%dma_wait3A_242 : memref<10240x128xf32, #tpu.memory_space<vmem_shared>>)
      %dma_start3A_243 = arith.constant 0 : i32
      %dma_start3A_244 = arith.constant 0 : i32
      %dma_start3A_245 = tpu.memref_slice %arg5[%dma_start3A_243, %dma_start3A_244] : memref<2x128xi32, #tpu.memory_space<vmem>> -> memref<1x128xi32, #tpu.memory_space<vmem>>
      %dma_start3A_246 = tpu.memref_squeeze %dma_start3A_245 : memref<1x128xi32, #tpu.memory_space<vmem>> -> memref<128xi32, #tpu.memory_space<vmem>>
      %dma_start3A_247 = arith.constant 0 : i32
      %dma_start3A_248 = arith.constant 0 : i32
      %dma_start3A_249 = tpu.memref_slice %arg2[%dma_start3A_247, %dma_start3A_248] : memref<10000x128xf32, #tpu.memory_space<hbm>> -> memref<10000x128xf32, #tpu.memory_space<hbm>>
      tpu.enqueue_indirect_dma source(%dma_start3A_249 : memref<10000x128xf32, #tpu.memory_space<hbm>>) target(%arg9 : memref<128x128xf32, #tpu.memory_space<vmem>>) offsets(%dma_start3A_246 : memref<128xi32, #tpu.memory_space<vmem>>) semaphore(%arg13 : memref<!tpu.dma_semaphore, #tpu.memory_space<semaphore_mem>>)
      %add3A_250 = arith.constant 3 : i32
      %add3A_251 = arith.addi %mul3A_88, %add3A_250 : i32
      %add3A_252 = arith.constant 3 : i32
      %add3A_253 = arith.addi %add3A_251, %add3A_252 : i32
      %dma_start3A_254 = arith.constant 0 : i32
      %dma_start3A_255 = arith.constant 0 : i32
      %dma_start3A_256 = tpu.memref_slice %arg3[%add3A, %add3A_253, %dma_start3A_254, %dma_start3A_255] : memref<32x84x2x128xi32, #tpu.memory_space<hbm>> -> memref<1x1x2x128xi32, #tpu.memory_space<hbm>>
      %dma_start3A_257 = tpu.memref_squeeze %dma_start3A_256 : memref<1x1x2x128xi32, #tpu.memory_space<hbm>> -> memref<2x128xi32, #tpu.memory_space<hbm>>
      %dma_start3A_258 = arith.constant 0 : i32
      %dma_start3A_259 = arith.constant 0 : i32
      %dma_start3A_260 = tpu.memref_slice %arg3[%add3A, %add3A_253, %dma_start3A_258, %dma_start3A_259] : memref<32x84x2x128xi32, #tpu.memory_space<hbm>> -> memref<1x1x2x128xi32, #tpu.memory_space<hbm>>
      %dma_start3A_261 = tpu.memref_squeeze %dma_start3A_260 : memref<1x1x2x128xi32, #tpu.memory_space<hbm>> -> memref<2x128xi32, #tpu.memory_space<hbm>>
      tpu.enqueue_dma source(%dma_start3A_261 : memref<2x128xi32, #tpu.memory_space<hbm>>) target(%arg7 : memref<2x128xi32, #tpu.memory_space<vmem>>) target_semaphore(%arg12 : memref<!tpu.dma_semaphore, #tpu.memory_space<semaphore_mem>>)
      %dma_wait3A_262 = arith.constant 0 : i32
      %dma_wait3A_263 = arith.constant 0 : i32
      %dma_wait3A_264 = tpu.memref_slice %arg5[%dma_wait3A_262, %dma_wait3A_263] : memref<2x128xi32, #tpu.memory_space<vmem>> -> memref<1x128xi32, #tpu.memory_space<vmem>>
      %dma_wait3A_265 = tpu.memref_squeeze %dma_wait3A_264 : memref<1x128xi32, #tpu.memory_space<vmem>> -> memref<128xi32, #tpu.memory_space<vmem>>
      %dma_wait3A_266 = arith.constant 0 : i32
      %dma_wait3A_267 = arith.constant 0 : i32
      %dma_wait3A_268 = tpu.memref_slice %arg2[%dma_wait3A_266, %dma_wait3A_267] : memref<10000x128xf32, #tpu.memory_space<hbm>> -> memref<10000x128xf32, #tpu.memory_space<hbm>>
      tpu.wait_indirect_dma semaphore(%arg13 : memref<!tpu.dma_semaphore, #tpu.memory_space<semaphore_mem>>) src(%dma_wait3A_268 : memref<10000x128xf32, #tpu.memory_space<hbm>>) dst(%arg10 : memref<128x128xf32, #tpu.memory_space<vmem>>)
      %dma_wait3A_269 = arith.constant 0 : i32
      %dma_wait3A_270 = arith.constant 0 : i32
      %dma_wait3A_271 = arith.constant 0 : i32
      %dma_wait3A_272 = tpu.memref_slice %arg3[%add3A, %dma_wait3A_269, %dma_wait3A_270, %dma_wait3A_271] : memref<32x84x2x128xi32, #tpu.memory_space<hbm>> -> memref<1x1x2x128xi32, #tpu.memory_space<hbm>>
      %dma_wait3A_273 = tpu.memref_squeeze %dma_wait3A_272 : memref<1x1x2x128xi32, #tpu.memory_space<hbm>> -> memref<2x128xi32, #tpu.memory_space<hbm>>
      %dma_wait3A_274 = arith.constant 0 : i32
      %dma_wait3A_275 = arith.constant 0 : i32
      %dma_wait3A_276 = tpu.memref_slice %arg3[%add3A, %dma_wait3A_269, %dma_wait3A_274, %dma_wait3A_275] : memref<32x84x2x128xi32, #tpu.memory_space<hbm>> -> memref<1x1x2x128xi32, #tpu.memory_space<hbm>>
      %dma_wait3A_277 = tpu.memref_squeeze %dma_wait3A_276 : memref<1x1x2x128xi32, #tpu.memory_space<hbm>> -> memref<2x128xi32, #tpu.memory_space<hbm>>
      tpu.wait_dma2 semaphore(%arg12 : memref<!tpu.dma_semaphore, #tpu.memory_space<semaphore_mem>>) src(%dma_wait3A_277 : memref<2x128xi32, #tpu.memory_space<hbm>>) dst(%arg6 : memref<2x128xi32, #tpu.memory_space<vmem>>)
      %dma_start3A_278 = arith.constant 1 : i32
      %dma_start3A_279 = arith.constant 0 : i32
      %dma_start3A_280 = tpu.memref_slice %arg8[%dma_start3A_278, %dma_start3A_279] : memref<2x128xi32, #tpu.memory_space<vmem>> -> memref<1x128xi32, #tpu.memory_space<vmem>>
      %dma_start3A_281 = tpu.memref_squeeze %dma_start3A_280 : memref<1x128xi32, #tpu.memory_space<vmem>> -> memref<128xi32, #tpu.memory_space<vmem>>
      %dma_start3A_282 = arith.constant 0 : i32
      %dma_start3A_283 = arith.constant 0 : i32
      %dma_start3A_284 = tpu.memref_slice %arg11[%dma_start3A_282, %dma_start3A_283] : memref<10240x128xf32, #tpu.memory_space<vmem_shared>> -> memref<10240x128xf32, #tpu.memory_space<vmem_shared>>
      tpu.enqueue_indirect_dma source(%arg10 : memref<128x128xf32, #tpu.memory_space<vmem>>) target(%dma_start3A_284 : memref<10240x128xf32, #tpu.memory_space<vmem_shared>>) offsets(%dma_start3A_281 : memref<128xi32, #tpu.memory_space<vmem>>) semaphore(%arg14 : memref<!tpu.dma_semaphore, #tpu.memory_space<semaphore_mem>>) {add = true}
      %scan3A_285 = arith.constant 0 : i32
      scf.yield %scan3A_285 : i32
    }
    %scan3A_57 = arith.constant 20 : i32
    %dma_wait3A = arith.constant 0 : i32
    %dma_wait3A_58 = arith.constant 0 : i32
    %dma_wait3A_59 = tpu.memref_slice %arg5[%dma_wait3A, %dma_wait3A_58] : memref<2x128xi32, #tpu.memory_space<vmem>> -> memref<1x128xi32, #tpu.memory_space<vmem>>
    %dma_wait3A_60 = tpu.memref_squeeze %dma_wait3A_59 : memref<1x128xi32, #tpu.memory_space<vmem>> -> memref<128xi32, #tpu.memory_space<vmem>>
    %dma_wait3A_61 = arith.constant 0 : i32
    %dma_wait3A_62 = arith.constant 0 : i32
    %dma_wait3A_63 = tpu.memref_slice %arg2[%dma_wait3A_61, %dma_wait3A_62] : memref<10000x128xf32, #tpu.memory_space<hbm>> -> memref<10000x128xf32, #tpu.memory_space<hbm>>
    tpu.wait_indirect_dma semaphore(%arg13 : memref<!tpu.dma_semaphore, #tpu.memory_space<semaphore_mem>>) src(%dma_wait3A_63 : memref<10000x128xf32, #tpu.memory_space<hbm>>) dst(%arg9 : memref<128x128xf32, #tpu.memory_space<vmem>>)
    %dma_wait3A_64 = arith.constant 0 : i32
    %dma_wait3A_65 = arith.constant 0 : i32
    %dma_wait3A_66 = arith.constant 0 : i32
    %dma_wait3A_67 = tpu.memref_slice %arg3[%add3A, %dma_wait3A_64, %dma_wait3A_65, %dma_wait3A_66] : memref<32x84x2x128xi32, #tpu.memory_space<hbm>> -> memref<1x1x2x128xi32, #tpu.memory_space<hbm>>
    %dma_wait3A_68 = tpu.memref_squeeze %dma_wait3A_67 : memref<1x1x2x128xi32, #tpu.memory_space<hbm>> -> memref<2x128xi32, #tpu.memory_space<hbm>>
    %dma_wait3A_69 = arith.constant 0 : i32
    %dma_wait3A_70 = arith.constant 0 : i32
    %dma_wait3A_71 = tpu.memref_slice %arg3[%add3A, %dma_wait3A_64, %dma_wait3A_69, %dma_wait3A_70] : memref<32x84x2x128xi32, #tpu.memory_space<hbm>> -> memref<1x1x2x128xi32, #tpu.memory_space<hbm>>
    %dma_wait3A_72 = tpu.memref_squeeze %dma_wait3A_71 : memref<1x1x2x128xi32, #tpu.memory_space<hbm>> -> memref<2x128xi32, #tpu.memory_space<hbm>>
    tpu.wait_dma2 semaphore(%arg12 : memref<!tpu.dma_semaphore, #tpu.memory_space<semaphore_mem>>) src(%dma_wait3A_72 : memref<2x128xi32, #tpu.memory_space<hbm>>) dst(%arg5 : memref<2x128xi32, #tpu.memory_space<vmem>>)
    %dma_wait3A_73 = arith.constant 1 : i32
    %dma_wait3A_74 = arith.constant 0 : i32
    %dma_wait3A_75 = tpu.memref_slice %arg5[%dma_wait3A_73, %dma_wait3A_74] : memref<2x128xi32, #tpu.memory_space<vmem>> -> memref<1x128xi32, #tpu.memory_space<vmem>>
    %dma_wait3A_76 = tpu.memref_squeeze %dma_wait3A_75 : memref<1x128xi32, #tpu.memory_space<vmem>> -> memref<128xi32, #tpu.memory_space<vmem>>
    %dma_wait3A_77 = arith.constant 0 : i32
    %dma_wait3A_78 = arith.constant 0 : i32
    %dma_wait3A_79 = tpu.memref_slice %arg11[%dma_wait3A_77, %dma_wait3A_78] : memref<10240x128xf32, #tpu.memory_space<vmem_shared>> -> memref<10240x128xf32, #tpu.memory_space<vmem_shared>>
    tpu.wait_indirect_dma semaphore(%arg14 : memref<!tpu.dma_semaphore, #tpu.memory_space<semaphore_mem>>) src(%arg9 : memref<128x128xf32, #tpu.memory_space<vmem>>) dst(%dma_wait3A_79 : memref<10240x128xf32, #tpu.memory_space<vmem_shared>>)
    %barrier3A_80 = arith.constant 0 : index
    tpu.barrier barrier_id(%barrier3A_80)
    %mul3A_81 = arith.constant 640 : i32
    %mul3A_82 = arith.muli %arg1, %mul3A_81 : i32
    %mul3A_83 = arith.constant 640 : i32
    %mul3A_84 = arith.muli %arg1, %mul3A_83 : i32
    "tpu.region"() ({
      %run_scoped3A_85 = tpu.sem_alloc : memref<!tpu.dma_semaphore, #tpu.memory_space<semaphore_mem>>
      %dma_start3A_86 = arith.constant 0 : i32
      %dma_start3A_87 = tpu.memref_slice %arg4[%arg0, %mul3A_84, %dma_start3A_86] : memref<2x10240x128xf32, #tpu.memory_space<hbm>> -> memref<1x640x128xf32, #tpu.memory_space<hbm>>
      %dma_start3A_88 = tpu.memref_squeeze %dma_start3A_87 : memref<1x640x128xf32, #tpu.memory_space<hbm>> -> memref<640x128xf32, #tpu.memory_space<hbm>>
      %dma_start3A_89 = arith.constant 0 : i32
      %dma_start3A_90 = tpu.memref_slice %arg11[%mul3A_82, %dma_start3A_89] : memref<10240x128xf32, #tpu.memory_space<vmem_shared>> -> memref<640x128xf32, #tpu.memory_space<vmem_shared>>
      tpu.enqueue_dma source(%dma_start3A_90 : memref<640x128xf32, #tpu.memory_space<vmem_shared>>) target(%dma_start3A_88 : memref<640x128xf32, #tpu.memory_space<hbm>>) target_semaphore(%run_scoped3A_85 : memref<!tpu.dma_semaphore, #tpu.memory_space<semaphore_mem>>)
      %dma_wait3A_91 = arith.constant 0 : i32
      %dma_wait3A_92 = tpu.memref_slice %arg4[%arg0, %mul3A_84, %dma_wait3A_91] : memref<2x10240x128xf32, #tpu.memory_space<hbm>> -> memref<1x640x128xf32, #tpu.memory_space<hbm>>
      %dma_wait3A_93 = tpu.memref_squeeze %dma_wait3A_92 : memref<1x640x128xf32, #tpu.memory_space<hbm>> -> memref<640x128xf32, #tpu.memory_space<hbm>>
      %dma_wait3A_94 = arith.constant 0 : i32
      %dma_wait3A_95 = tpu.memref_slice %arg11[%mul3A_82, %dma_wait3A_94] : memref<10240x128xf32, #tpu.memory_space<vmem_shared>> -> memref<640x128xf32, #tpu.memory_space<vmem_shared>>
      tpu.wait_dma2 semaphore(%run_scoped3A_85 : memref<!tpu.dma_semaphore, #tpu.memory_space<semaphore_mem>>) src(%dma_wait3A_95 : memref<640x128xf32, #tpu.memory_space<vmem_shared>>) dst(%dma_wait3A_93 : memref<640x128xf32, #tpu.memory_space<hbm>>)
      tpu.yield
    }) : () -> ()
    return
  }
}

#map = affine_map<(d0, d1) -> (0, 0)>
#map1 = affine_map<(d0, d1) -> (0, 0, 0, 0)>
#map2 = affine_map<(d0, d1) -> (0, 0, 0)>
module attributes {stable_mosaic.version = 14 : i64} {
  func.func @_sc_agg_body(%arg0: i32, %arg1: i32, %arg2: memref<10000x128xf32, #tpu.memory_space<hbm>>, %arg3: memref<32x84x2x128xi32, #tpu.memory_space<hbm>>, %arg4: memref<2x10240x128xf32, #tpu.memory_space<hbm>>, %arg5: memref<2x128xi32, #tpu.memory_space<vmem>>, %arg6: memref<2x128xi32, #tpu.memory_space<vmem>>, %arg7: memref<2x128xi32, #tpu.memory_space<vmem>>, %arg8: memref<2x128xi32, #tpu.memory_space<vmem>>, %arg9: memref<128x128xf32, #tpu.memory_space<vmem>>, %arg10: memref<128x128xf32, #tpu.memory_space<vmem>>, %arg11: memref<10240x128xf32, #tpu.memory_space<vmem_shared>>, %arg12: memref<!tpu.dma_semaphore, #tpu.memory_space<semaphore_mem>>, %arg13: memref<!tpu.dma_semaphore, #tpu.memory_space<semaphore_mem>>, %arg14: memref<!tpu.dma_semaphore, #tpu.memory_space<semaphore_mem>>) attributes {dimension_semantics = [#tpu.dimension_semantics<core_parallel>, #tpu.dimension_semantics<subcore_parallel>], iteration_bounds = array<i64: 2, 16>, scalar_prefetch = 0 : i64, scratch_operands = 10 : i64, tpu.core_type = #tpu.core_type<sc_vector_subcore>, window_params = [{transform_indices = #map}, {transform_indices = #map1}, {transform_indices = #map2}]} {
    %mul3A = arith.constant 2 : i32
    %mul3A_0 = arith.muli %arg1, %mul3A : i32
    %add3A = arith.addi %mul3A_0, %arg0 : i32
    %broadcast_in_dim3A = arith.constant 0.000000e+00 : f32
    %broadcast_in_dim3A_1 = vector.broadcast %broadcast_in_dim3A : f32 to vector<16xf32>
    %scan3A = arith.constant 0 : i32
    %scan3A_2 = arith.constant 0 : i32
    %scan3A_3 = arith.constant 128 : i32
    %scan3A_4 = arith.addi %scan3A_2, %scan3A_3 : i32
    %scan3A_5 = arith.constant 1 : i32
    %scan3A_6 = scf.for %scan3A_85 = %scan3A_2 to %scan3A_4 step %scan3A_5 iter_args(%scan3A_86 = %scan3A) -> (i32)  : i32 {
      %scan3A_87 = arith.constant 0 : i32
      %scan3A_88 = arith.constant 0 : i32
      %scan3A_89 = arith.constant 8 : i32
      %scan3A_90 = arith.addi %scan3A_88, %scan3A_89 : i32
      %scan3A_91 = arith.constant 1 : i32
      %scan3A_92 = scf.for %scan3A_94 = %scan3A_88 to %scan3A_90 step %scan3A_91 iter_args(%scan3A_95 = %scan3A_87) -> (i32)  : i32 {
        %mul3A_96 = arith.constant 16 : i32
        %mul3A_97 = arith.muli %scan3A_94, %mul3A_96 : i32
        %swap3A = arith.index_cast %scan3A_85 : i32 to index
        %swap3A_98 = arith.index_cast %mul3A_97 : i32 to index
        %swap3A_99 = tpu.vector_load %arg10[%swap3A, %swap3A_98] {strides = array<i32>} : memref<128x128xf32, #tpu.memory_space<vmem>>, vector<1x16xf32>,
        %swap3A_100 = vector.shape_cast %swap3A_99 : vector<1x16xf32> to vector<16xf32>
        %swap3A_101 = vector.shape_cast %broadcast_in_dim3A_1 : vector<16xf32> to vector<1x16xf32>
        tpu.vector_store %arg10[%swap3A, %swap3A_98], %swap3A_101 {strides = array<i32>} : memref<128x128xf32, #tpu.memory_space<vmem>>, vector<1x16xf32>,
        %scan3A_102 = arith.constant 0 : i32
        scf.yield %scan3A_102 : i32
      }
      %scan3A_93 = arith.constant 8 : i32
      scf.yield %scan3A_92 : i32
    }
    %scan3A_7 = arith.constant 128 : i32
    %mul3A_8 = arith.constant 640 : i32
    %mul3A_9 = arith.muli %arg1, %mul3A_8 : i32
    %add3A_10 = arith.constant 0 : i32
    %add3A_11 = arith.addi %mul3A_9, %add3A_10 : i32
    "tpu.region"() ({
      %run_scoped3A_85 = tpu.sem_alloc : memref<!tpu.dma_semaphore, #tpu.memory_space<semaphore_mem>>
      %dma_start3A_86 = arith.constant 0 : i32
      %dma_start3A_87 = tpu.memref_slice %arg11[%add3A_11, %dma_start3A_86] : memref<10240x128xf32, #tpu.memory_space<vmem_shared>> -> memref<128x128xf32, #tpu.memory_space<vmem_shared>>
      %dma_start3A_88 = arith.constant 0 : i32
      %dma_start3A_89 = tpu.memref_slice %arg11[%add3A_11, %dma_start3A_88] : memref<10240x128xf32, #tpu.memory_space<vmem_shared>> -> memref<128x128xf32, #tpu.memory_space<vmem_shared>>
      tpu.enqueue_dma source(%arg10 : memref<128x128xf32, #tpu.memory_space<vmem>>) target(%dma_start3A_89 : memref<128x128xf32, #tpu.memory_space<vmem_shared>>) target_semaphore(%run_scoped3A_85 : memref<!tpu.dma_semaphore, #tpu.memory_space<semaphore_mem>>)
      %dma_wait3A_90 = arith.constant 0 : i32
      %dma_wait3A_91 = tpu.memref_slice %arg11[%add3A_11, %dma_wait3A_90] : memref<10240x128xf32, #tpu.memory_space<vmem_shared>> -> memref<128x128xf32, #tpu.memory_space<vmem_shared>>
      %dma_wait3A_92 = arith.constant 0 : i32
      %dma_wait3A_93 = tpu.memref_slice %arg11[%add3A_11, %dma_wait3A_92] : memref<10240x128xf32, #tpu.memory_space<vmem_shared>> -> memref<128x128xf32, #tpu.memory_space<vmem_shared>>
      tpu.wait_dma2 semaphore(%run_scoped3A_85 : memref<!tpu.dma_semaphore, #tpu.memory_space<semaphore_mem>>) src(%arg10 : memref<128x128xf32, #tpu.memory_space<vmem>>) dst(%dma_wait3A_93 : memref<128x128xf32, #tpu.memory_space<vmem_shared>>)
      tpu.yield
    }) : () -> ()
    %mul3A_12 = arith.constant 640 : i32
    %mul3A_13 = arith.muli %arg1, %mul3A_12 : i32
    %add3A_14 = arith.constant 128 : i32
    %add3A_15 = arith.addi %mul3A_13, %add3A_14 : i32
    "tpu.region"() ({
      %run_scoped3A_85 = tpu.sem_alloc : memref<!tpu.dma_semaphore, #tpu.memory_space<semaphore_mem>>
      %dma_start3A_86 = arith.constant 0 : i32
      %dma_start3A_87 = tpu.memref_slice %arg11[%add3A_15, %dma_start3A_86] : memref<10240x128xf32, #tpu.memory_space<vmem_shared>> -> memref<128x128xf32, #tpu.memory_space<vmem_shared>>
      %dma_start3A_88 = arith.constant 0 : i32
      %dma_start3A_89 = tpu.memref_slice %arg11[%add3A_15, %dma_start3A_88] : memref<10240x128xf32, #tpu.memory_space<vmem_shared>> -> memref<128x128xf32, #tpu.memory_space<vmem_shared>>
      tpu.enqueue_dma source(%arg10 : memref<128x128xf32, #tpu.memory_space<vmem>>) target(%dma_start3A_89 : memref<128x128xf32, #tpu.memory_space<vmem_shared>>) target_semaphore(%run_scoped3A_85 : memref<!tpu.dma_semaphore, #tpu.memory_space<semaphore_mem>>)
      %dma_wait3A_90 = arith.constant 0 : i32
      %dma_wait3A_91 = tpu.memref_slice %arg11[%add3A_15, %dma_wait3A_90] : memref<10240x128xf32, #tpu.memory_space<vmem_shared>> -> memref<128x128xf32, #tpu.memory_space<vmem_shared>>
      %dma_wait3A_92 = arith.constant 0 : i32
      %dma_wait3A_93 = tpu.memref_slice %arg11[%add3A_15, %dma_wait3A_92] : memref<10240x128xf32, #tpu.memory_space<vmem_shared>> -> memref<128x128xf32, #tpu.memory_space<vmem_shared>>
      tpu.wait_dma2 semaphore(%run_scoped3A_85 : memref<!tpu.dma_semaphore, #tpu.memory_space<semaphore_mem>>) src(%arg10 : memref<128x128xf32, #tpu.memory_space<vmem>>) dst(%dma_wait3A_93 : memref<128x128xf32, #tpu.memory_space<vmem_shared>>)
      tpu.yield
    }) : () -> ()
    %mul3A_16 = arith.constant 640 : i32
    %mul3A_17 = arith.muli %arg1, %mul3A_16 : i32
    %add3A_18 = arith.constant 256 : i32
    %add3A_19 = arith.addi %mul3A_17, %add3A_18 : i32
    "tpu.region"() ({
      %run_scoped3A_85 = tpu.sem_alloc : memref<!tpu.dma_semaphore, #tpu.memory_space<semaphore_mem>>
      %dma_start3A_86 = arith.constant 0 : i32
      %dma_start3A_87 = tpu.memref_slice %arg11[%add3A_19, %dma_start3A_86] : memref<10240x128xf32, #tpu.memory_space<vmem_shared>> -> memref<128x128xf32, #tpu.memory_space<vmem_shared>>
      %dma_start3A_88 = arith.constant 0 : i32
      %dma_start3A_89 = tpu.memref_slice %arg11[%add3A_19, %dma_start3A_88] : memref<10240x128xf32, #tpu.memory_space<vmem_shared>> -> memref<128x128xf32, #tpu.memory_space<vmem_shared>>
      tpu.enqueue_dma source(%arg10 : memref<128x128xf32, #tpu.memory_space<vmem>>) target(%dma_start3A_89 : memref<128x128xf32, #tpu.memory_space<vmem_shared>>) target_semaphore(%run_scoped3A_85 : memref<!tpu.dma_semaphore, #tpu.memory_space<semaphore_mem>>)
      %dma_wait3A_90 = arith.constant 0 : i32
      %dma_wait3A_91 = tpu.memref_slice %arg11[%add3A_19, %dma_wait3A_90] : memref<10240x128xf32, #tpu.memory_space<vmem_shared>> -> memref<128x128xf32, #tpu.memory_space<vmem_shared>>
      %dma_wait3A_92 = arith.constant 0 : i32
      %dma_wait3A_93 = tpu.memref_slice %arg11[%add3A_19, %dma_wait3A_92] : memref<10240x128xf32, #tpu.memory_space<vmem_shared>> -> memref<128x128xf32, #tpu.memory_space<vmem_shared>>
      tpu.wait_dma2 semaphore(%run_scoped3A_85 : memref<!tpu.dma_semaphore, #tpu.memory_space<semaphore_mem>>) src(%arg10 : memref<128x128xf32, #tpu.memory_space<vmem>>) dst(%dma_wait3A_93 : memref<128x128xf32, #tpu.memory_space<vmem_shared>>)
      tpu.yield
    }) : () -> ()
    %mul3A_20 = arith.constant 640 : i32
    %mul3A_21 = arith.muli %arg1, %mul3A_20 : i32
    %add3A_22 = arith.constant 384 : i32
    %add3A_23 = arith.addi %mul3A_21, %add3A_22 : i32
    "tpu.region"() ({
      %run_scoped3A_85 = tpu.sem_alloc : memref<!tpu.dma_semaphore, #tpu.memory_space<semaphore_mem>>
      %dma_start3A_86 = arith.constant 0 : i32
      %dma_start3A_87 = tpu.memref_slice %arg11[%add3A_23, %dma_start3A_86] : memref<10240x128xf32, #tpu.memory_space<vmem_shared>> -> memref<128x128xf32, #tpu.memory_space<vmem_shared>>
      %dma_start3A_88 = arith.constant 0 : i32
      %dma_start3A_89 = tpu.memref_slice %arg11[%add3A_23, %dma_start3A_88] : memref<10240x128xf32, #tpu.memory_space<vmem_shared>> -> memref<128x128xf32, #tpu.memory_space<vmem_shared>>
      tpu.enqueue_dma source(%arg10 : memref<128x128xf32, #tpu.memory_space<vmem>>) target(%dma_start3A_89 : memref<128x128xf32, #tpu.memory_space<vmem_shared>>) target_semaphore(%run_scoped3A_85 : memref<!tpu.dma_semaphore, #tpu.memory_space<semaphore_mem>>)
      %dma_wait3A_90 = arith.constant 0 : i32
      %dma_wait3A_91 = tpu.memref_slice %arg11[%add3A_23, %dma_wait3A_90] : memref<10240x128xf32, #tpu.memory_space<vmem_shared>> -> memref<128x128xf32, #tpu.memory_space<vmem_shared>>
      %dma_wait3A_92 = arith.constant 0 : i32
      %dma_wait3A_93 = tpu.memref_slice %arg11[%add3A_23, %dma_wait3A_92] : memref<10240x128xf32, #tpu.memory_space<vmem_shared>> -> memref<128x128xf32, #tpu.memory_space<vmem_shared>>
      tpu.wait_dma2 semaphore(%run_scoped3A_85 : memref<!tpu.dma_semaphore, #tpu.memory_space<semaphore_mem>>) src(%arg10 : memref<128x128xf32, #tpu.memory_space<vmem>>) dst(%dma_wait3A_93 : memref<128x128xf32, #tpu.memory_space<vmem_shared>>)
      tpu.yield
    }) : () -> ()
    %mul3A_24 = arith.constant 640 : i32
    %mul3A_25 = arith.muli %arg1, %mul3A_24 : i32
    %add3A_26 = arith.constant 512 : i32
    %add3A_27 = arith.addi %mul3A_25, %add3A_26 : i32
    "tpu.region"() ({
      %run_scoped3A_85 = tpu.sem_alloc : memref<!tpu.dma_semaphore, #tpu.memory_space<semaphore_mem>>
      %dma_start3A_86 = arith.constant 0 : i32
      %dma_start3A_87 = tpu.memref_slice %arg11[%add3A_27, %dma_start3A_86] : memref<10240x128xf32, #tpu.memory_space<vmem_shared>> -> memref<128x128xf32, #tpu.memory_space<vmem_shared>>
      %dma_start3A_88 = arith.constant 0 : i32
      %dma_start3A_89 = tpu.memref_slice %arg11[%add3A_27, %dma_start3A_88] : memref<10240x128xf32, #tpu.memory_space<vmem_shared>> -> memref<128x128xf32, #tpu.memory_space<vmem_shared>>
      tpu.enqueue_dma source(%arg10 : memref<128x128xf32, #tpu.memory_space<vmem>>) target(%dma_start3A_89 : memref<128x128xf32, #tpu.memory_space<vmem_shared>>) target_semaphore(%run_scoped3A_85 : memref<!tpu.dma_semaphore, #tpu.memory_space<semaphore_mem>>)
      %dma_wait3A_90 = arith.constant 0 : i32
      %dma_wait3A_91 = tpu.memref_slice %arg11[%add3A_27, %dma_wait3A_90] : memref<10240x128xf32, #tpu.memory_space<vmem_shared>> -> memref<128x128xf32, #tpu.memory_space<vmem_shared>>
      %dma_wait3A_92 = arith.constant 0 : i32
      %dma_wait3A_93 = tpu.memref_slice %arg11[%add3A_27, %dma_wait3A_92] : memref<10240x128xf32, #tpu.memory_space<vmem_shared>> -> memref<128x128xf32, #tpu.memory_space<vmem_shared>>
      tpu.wait_dma2 semaphore(%run_scoped3A_85 : memref<!tpu.dma_semaphore, #tpu.memory_space<semaphore_mem>>) src(%arg10 : memref<128x128xf32, #tpu.memory_space<vmem>>) dst(%dma_wait3A_93 : memref<128x128xf32, #tpu.memory_space<vmem_shared>>)
      tpu.yield
    }) : () -> ()
    %barrier3A = arith.constant 0 : index
    tpu.barrier barrier_id(%barrier3A)
    %run_scoped3A = arith.constant 0 : i32
    "tpu.region"() ({
      %run_scoped3A_85 = tpu.sem_alloc : memref<!tpu.dma_semaphore, #tpu.memory_space<semaphore_mem>>
      %dma_start3A_86 = arith.constant 0 : i32
      %dma_start3A_87 = arith.constant 0 : i32
      %dma_start3A_88 = tpu.memref_slice %arg3[%add3A, %run_scoped3A, %dma_start3A_86, %dma_start3A_87] : memref<32x84x2x128xi32, #tpu.memory_space<hbm>> -> memref<1x1x2x128xi32, #tpu.memory_space<hbm>>
      %dma_start3A_89 = tpu.memref_squeeze %dma_start3A_88 : memref<1x1x2x128xi32, #tpu.memory_space<hbm>> -> memref<2x128xi32, #tpu.memory_space<hbm>>
      %dma_start3A_90 = arith.constant 0 : i32
      %dma_start3A_91 = arith.constant 0 : i32
      %dma_start3A_92 = tpu.memref_slice %arg3[%add3A, %run_scoped3A, %dma_start3A_90, %dma_start3A_91] : memref<32x84x2x128xi32, #tpu.memory_space<hbm>> -> memref<1x1x2x128xi32, #tpu.memory_space<hbm>>
      %dma_start3A_93 = tpu.memref_squeeze %dma_start3A_92 : memref<1x1x2x128xi32, #tpu.memory_space<hbm>> -> memref<2x128xi32, #tpu.memory_space<hbm>>
      tpu.enqueue_dma source(%dma_start3A_93 : memref<2x128xi32, #tpu.memory_space<hbm>>) target(%arg5 : memref<2x128xi32, #tpu.memory_space<vmem>>) target_semaphore(%run_scoped3A_85 : memref<!tpu.dma_semaphore, #tpu.memory_space<semaphore_mem>>)
      %dma_wait3A_94 = arith.constant 0 : i32
      %dma_wait3A_95 = arith.constant 0 : i32
      %dma_wait3A_96 = tpu.memref_slice %arg3[%add3A, %run_scoped3A, %dma_wait3A_94, %dma_wait3A_95] : memref<32x84x2x128xi32, #tpu.memory_space<hbm>> -> memref<1x1x2x128xi32, #tpu.memory_space<hbm>>
      %dma_wait3A_97 = tpu.memref_squeeze %dma_wait3A_96 : memref<1x1x2x128xi32, #tpu.memory_space<hbm>> -> memref<2x128xi32, #tpu.memory_space<hbm>>
      %dma_wait3A_98 = arith.constant 0 : i32
      %dma_wait3A_99 = arith.constant 0 : i32
      %dma_wait3A_100 = tpu.memref_slice %arg3[%add3A, %run_scoped3A, %dma_wait3A_98, %dma_wait3A_99] : memref<32x84x2x128xi32, #tpu.memory_space<hbm>> -> memref<1x1x2x128xi32, #tpu.memory_space<hbm>>
      %dma_wait3A_101 = tpu.memref_squeeze %dma_wait3A_100 : memref<1x1x2x128xi32, #tpu.memory_space<hbm>> -> memref<2x128xi32, #tpu.memory_space<hbm>>
      tpu.wait_dma2 semaphore(%run_scoped3A_85 : memref<!tpu.dma_semaphore, #tpu.memory_space<semaphore_mem>>) src(%dma_wait3A_101 : memref<2x128xi32, #tpu.memory_space<hbm>>) dst(%arg5 : memref<2x128xi32, #tpu.memory_space<vmem>>)
      tpu.yield
    }) : () -> ()
    %dma_start3A = arith.constant 0 : i32
    %dma_start3A_28 = arith.constant 0 : i32
    %dma_start3A_29 = tpu.memref_slice %arg5[%dma_start3A, %dma_start3A_28] : memref<2x128xi32, #tpu.memory_space<vmem>> -> memref<1x128xi32, #tpu.memory_space<vmem>>
    %dma_start3A_30 = tpu.memref_squeeze %dma_start3A_29 : memref<1x128xi32, #tpu.memory_space<vmem>> -> memref<128xi32, #tpu.memory_space<vmem>>
    %dma_start3A_31 = arith.constant 0 : i32
    %dma_start3A_32 = arith.constant 0 : i32
    %dma_start3A_33 = tpu.memref_slice %arg2[%dma_start3A_31, %dma_start3A_32] : memref<10000x128xf32, #tpu.memory_space<hbm>> -> memref<10000x128xf32, #tpu.memory_space<hbm>>
    tpu.enqueue_indirect_dma source(%dma_start3A_33 : memref<10000x128xf32, #tpu.memory_space<hbm>>) target(%arg9 : memref<128x128xf32, #tpu.memory_space<vmem>>) offsets(%dma_start3A_30 : memref<128xi32, #tpu.memory_space<vmem>>) semaphore(%arg13 : memref<!tpu.dma_semaphore, #tpu.memory_space<semaphore_mem>>)
    %run_scoped3A_34 = arith.constant 1 : i32
    "tpu.region"() ({
      %run_scoped3A_85 = tpu.sem_alloc : memref<!tpu.dma_semaphore, #tpu.memory_space<semaphore_mem>>
      %dma_start3A_86 = arith.constant 0 : i32
      %dma_start3A_87 = arith.constant 0 : i32
      %dma_start3A_88 = tpu.memref_slice %arg3[%add3A, %run_scoped3A_34, %dma_start3A_86, %dma_start3A_87] : memref<32x84x2x128xi32, #tpu.memory_space<hbm>> -> memref<1x1x2x128xi32, #tpu.memory_space<hbm>>
      %dma_start3A_89 = tpu.memref_squeeze %dma_start3A_88 : memref<1x1x2x128xi32, #tpu.memory_space<hbm>> -> memref<2x128xi32, #tpu.memory_space<hbm>>
      %dma_start3A_90 = arith.constant 0 : i32
      %dma_start3A_91 = arith.constant 0 : i32
      %dma_start3A_92 = tpu.memref_slice %arg3[%add3A, %run_scoped3A_34, %dma_start3A_90, %dma_start3A_91] : memref<32x84x2x128xi32, #tpu.memory_space<hbm>> -> memref<1x1x2x128xi32, #tpu.memory_space<hbm>>
      %dma_start3A_93 = tpu.memref_squeeze %dma_start3A_92 : memref<1x1x2x128xi32, #tpu.memory_space<hbm>> -> memref<2x128xi32, #tpu.memory_space<hbm>>
      tpu.enqueue_dma source(%dma_start3A_93 : memref<2x128xi32, #tpu.memory_space<hbm>>) target(%arg6 : memref<2x128xi32, #tpu.memory_space<vmem>>) target_semaphore(%run_scoped3A_85 : memref<!tpu.dma_semaphore, #tpu.memory_space<semaphore_mem>>)
      %dma_wait3A_94 = arith.constant 0 : i32
      %dma_wait3A_95 = arith.constant 0 : i32
      %dma_wait3A_96 = tpu.memref_slice %arg3[%add3A, %run_scoped3A_34, %dma_wait3A_94, %dma_wait3A_95] : memref<32x84x2x128xi32, #tpu.memory_space<hbm>> -> memref<1x1x2x128xi32, #tpu.memory_space<hbm>>
      %dma_wait3A_97 = tpu.memref_squeeze %dma_wait3A_96 : memref<1x1x2x128xi32, #tpu.memory_space<hbm>> -> memref<2x128xi32, #tpu.memory_space<hbm>>
      %dma_wait3A_98 = arith.constant 0 : i32
      %dma_wait3A_99 = arith.constant 0 : i32
      %dma_wait3A_100 = tpu.memref_slice %arg3[%add3A, %run_scoped3A_34, %dma_wait3A_98, %dma_wait3A_99] : memref<32x84x2x128xi32, #tpu.memory_space<hbm>> -> memref<1x1x2x128xi32, #tpu.memory_space<hbm>>
      %dma_wait3A_101 = tpu.memref_squeeze %dma_wait3A_100 : memref<1x1x2x128xi32, #tpu.memory_space<hbm>> -> memref<2x128xi32, #tpu.memory_space<hbm>>
      tpu.wait_dma2 semaphore(%run_scoped3A_85 : memref<!tpu.dma_semaphore, #tpu.memory_space<semaphore_mem>>) src(%dma_wait3A_101 : memref<2x128xi32, #tpu.memory_space<hbm>>) dst(%arg6 : memref<2x128xi32, #tpu.memory_space<vmem>>)
      tpu.yield
    }) : () -> ()
    %dma_start3A_35 = arith.constant 2 : i32
    %dma_start3A_36 = arith.constant 0 : i32
    %dma_start3A_37 = arith.constant 0 : i32
    %dma_start3A_38 = tpu.memref_slice %arg3[%add3A, %dma_start3A_35, %dma_start3A_36, %dma_start3A_37] : memref<32x84x2x128xi32, #tpu.memory_space<hbm>> -> memref<1x1x2x128xi32, #tpu.memory_space<hbm>>
    %dma_start3A_39 = tpu.memref_squeeze %dma_start3A_38 : memref<1x1x2x128xi32, #tpu.memory_space<hbm>> -> memref<2x128xi32, #tpu.memory_space<hbm>>
    %dma_start3A_40 = arith.constant 0 : i32
    %dma_start3A_41 = arith.constant 0 : i32
    %dma_start3A_42 = tpu.memref_slice %arg3[%add3A, %dma_start3A_35, %dma_start3A_40, %dma_start3A_41] : memref<32x84x2x128xi32, #tpu.memory_space<hbm>> -> memref<1x1x2x128xi32, #tpu.memory_space<hbm>>
    %dma_start3A_43 = tpu.memref_squeeze %dma_start3A_42 : memref<1x1x2x128xi32, #tpu.memory_space<hbm>> -> memref<2x128xi32, #tpu.memory_space<hbm>>
    tpu.enqueue_dma source(%dma_start3A_43 : memref<2x128xi32, #tpu.memory_space<hbm>>) target(%arg7 : memref<2x128xi32, #tpu.memory_space<vmem>>) target_semaphore(%arg12 : memref<!tpu.dma_semaphore, #tpu.memory_space<semaphore_mem>>)
    %dma_start3A_44 = arith.constant 1 : i32
    %dma_start3A_45 = arith.constant 0 : i32
    %dma_start3A_46 = tpu.memref_slice %arg5[%dma_start3A_44, %dma_start3A_45] : memref<2x128xi32, #tpu.memory_space<vmem>> -> memref<1x128xi32, #tpu.memory_space<vmem>>
    %dma_start3A_47 = tpu.memref_squeeze %dma_start3A_46 : memref<1x128xi32, #tpu.memory_space<vmem>> -> memref<128xi32, #tpu.memory_space<vmem>>
    %dma_start3A_48 = arith.constant 0 : i32
    %dma_start3A_49 = arith.constant 0 : i32
    %dma_start3A_50 = tpu.memref_slice %arg11[%dma_start3A_48, %dma_start3A_49] : memref<10240x128xf32, #tpu.memory_space<vmem_shared>> -> memref<10240x128xf32, #tpu.memory_space<vmem_shared>>
    tpu.enqueue_indirect_dma source(%arg10 : memref<128x128xf32, #tpu.memory_space<vmem>>) target(%dma_start3A_50 : memref<10240x128xf32, #tpu.memory_space<vmem_shared>>) offsets(%dma_start3A_47 : memref<128xi32, #tpu.memory_space<vmem>>) semaphore(%arg14 : memref<!tpu.dma_semaphore, #tpu.memory_space<semaphore_mem>>) {add = true}
    %scan3A_51 = arith.constant 0 : i32
    %scan3A_52 = arith.constant 0 : i32
    %scan3A_53 = arith.constant 20 : i32
    %scan3A_54 = arith.addi %scan3A_52, %scan3A_53 : i32
    %scan3A_55 = arith.constant 1 : i32
    %scan3A_56 = scf.for %scan3A_85 = %scan3A_52 to %scan3A_54 step %scan3A_55 iter_args(%scan3A_86 = %scan3A_51) -> (i32)  : i32 {
      %mul3A_87 = arith.constant 4 : i32
      %mul3A_88 = arith.muli %scan3A_85, %mul3A_87 : i32
      %dma_wait3A_89 = arith.constant 1 : i32
      %dma_wait3A_90 = arith.constant 0 : i32
      %dma_wait3A_91 = tpu.memref_slice %arg5[%dma_wait3A_89, %dma_wait3A_90] : memref<2x128xi32, #tpu.memory_space<vmem>> -> memref<1x128xi32, #tpu.memory_space<vmem>>
      %dma_wait3A_92 = tpu.memref_squeeze %dma_wait3A_91 : memref<1x128xi32, #tpu.memory_space<vmem>> -> memref<128xi32, #tpu.memory_space<vmem>>
      %dma_wait3A_93 = arith.constant 0 : i32
      %dma_wait3A_94 = arith.constant 0 : i32
      %dma_wait3A_95 = tpu.memref_slice %arg11[%dma_wait3A_93, %dma_wait3A_94] : memref<10240x128xf32, #tpu.memory_space<vmem_shared>> -> memref<10240x128xf32, #tpu.memory_space<vmem_shared>>
      tpu.wait_indirect_dma semaphore(%arg14 : memref<!tpu.dma_semaphore, #tpu.memory_space<semaphore_mem>>) src(%arg10 : memref<128x128xf32, #tpu.memory_space<vmem>>) dst(%dma_wait3A_95 : memref<10240x128xf32, #tpu.memory_space<vmem_shared>>)
      %dma_start3A_96 = arith.constant 0 : i32
      %dma_start3A_97 = arith.constant 0 : i32
      %dma_start3A_98 = tpu.memref_slice %arg6[%dma_start3A_96, %dma_start3A_97] : memref<2x128xi32, #tpu.memory_space<vmem>> -> memref<1x128xi32, #tpu.memory_space<vmem>>
      %dma_start3A_99 = tpu.memref_squeeze %dma_start3A_98 : memref<1x128xi32, #tpu.memory_space<vmem>> -> memref<128xi32, #tpu.memory_space<vmem>>
      %dma_start3A_100 = arith.constant 0 : i32
      %dma_start3A_101 = arith.constant 0 : i32
      %dma_start3A_102 = tpu.memref_slice %arg2[%dma_start3A_100, %dma_start3A_101] : memref<10000x128xf32, #tpu.memory_space<hbm>> -> memref<10000x128xf32, #tpu.memory_space<hbm>>
      tpu.enqueue_indirect_dma source(%dma_start3A_102 : memref<10000x128xf32, #tpu.memory_space<hbm>>) target(%arg10 : memref<128x128xf32, #tpu.memory_space<vmem>>) offsets(%dma_start3A_99 : memref<128xi32, #tpu.memory_space<vmem>>) semaphore(%arg13 : memref<!tpu.dma_semaphore, #tpu.memory_space<semaphore_mem>>)
      %add3A_103 = arith.constant 0 : i32
      %add3A_104 = arith.addi %mul3A_88, %add3A_103 : i32
      %add3A_105 = arith.constant 3 : i32
      %add3A_106 = arith.addi %add3A_104, %add3A_105 : i32
      %dma_start3A_107 = arith.constant 0 : i32
      %dma_start3A_108 = arith.constant 0 : i32
      %dma_start3A_109 = tpu.memref_slice %arg3[%add3A, %add3A_106, %dma_start3A_107, %dma_start3A_108] : memref<32x84x2x128xi32, #tpu.memory_space<hbm>> -> memref<1x1x2x128xi32, #tpu.memory_space<hbm>>
      %dma_start3A_110 = tpu.memref_squeeze %dma_start3A_109 : memref<1x1x2x128xi32, #tpu.memory_space<hbm>> -> memref<2x128xi32, #tpu.memory_space<hbm>>
      %dma_start3A_111 = arith.constant 0 : i32
      %dma_start3A_112 = arith.constant 0 : i32
      %dma_start3A_113 = tpu.memref_slice %arg3[%add3A, %add3A_106, %dma_start3A_111, %dma_start3A_112] : memref<32x84x2x128xi32, #tpu.memory_space<hbm>> -> memref<1x1x2x128xi32, #tpu.memory_space<hbm>>
      %dma_start3A_114 = tpu.memref_squeeze %dma_start3A_113 : memref<1x1x2x128xi32, #tpu.memory_space<hbm>> -> memref<2x128xi32, #tpu.memory_space<hbm>>
      tpu.enqueue_dma source(%dma_start3A_114 : memref<2x128xi32, #tpu.memory_space<hbm>>) target(%arg8 : memref<2x128xi32, #tpu.memory_space<vmem>>) target_semaphore(%arg12 : memref<!tpu.dma_semaphore, #tpu.memory_space<semaphore_mem>>)
      %dma_wait3A_115 = arith.constant 0 : i32
      %dma_wait3A_116 = arith.constant 0 : i32
      %dma_wait3A_117 = tpu.memref_slice %arg5[%dma_wait3A_115, %dma_wait3A_116] : memref<2x128xi32, #tpu.memory_space<vmem>> -> memref<1x128xi32, #tpu.memory_space<vmem>>
      %dma_wait3A_118 = tpu.memref_squeeze %dma_wait3A_117 : memref<1x128xi32, #tpu.memory_space<vmem>> -> memref<128xi32, #tpu.memory_space<vmem>>
      %dma_wait3A_119 = arith.constant 0 : i32
      %dma_wait3A_120 = arith.constant 0 : i32
      %dma_wait3A_121 = tpu.memref_slice %arg2[%dma_wait3A_119, %dma_wait3A_120] : memref<10000x128xf32, #tpu.memory_space<hbm>> -> memref<10000x128xf32, #tpu.memory_space<hbm>>
      tpu.wait_indirect_dma semaphore(%arg13 : memref<!tpu.dma_semaphore, #tpu.memory_space<semaphore_mem>>) src(%dma_wait3A_121 : memref<10000x128xf32, #tpu.memory_space<hbm>>) dst(%arg9 : memref<128x128xf32, #tpu.memory_space<vmem>>)
      %dma_wait3A_122 = arith.constant 0 : i32
      %dma_wait3A_123 = arith.constant 0 : i32
      %dma_wait3A_124 = arith.constant 0 : i32
      %dma_wait3A_125 = tpu.memref_slice %arg3[%add3A, %dma_wait3A_122, %dma_wait3A_123, %dma_wait3A_124] : memref<32x84x2x128xi32, #tpu.memory_space<hbm>> -> memref<1x1x2x128xi32, #tpu.memory_space<hbm>>
      %dma_wait3A_126 = tpu.memref_squeeze %dma_wait3A_125 : memref<1x1x2x128xi32, #tpu.memory_space<hbm>> -> memref<2x128xi32, #tpu.memory_space<hbm>>
      %dma_wait3A_127 = arith.constant 0 : i32
      %dma_wait3A_128 = arith.constant 0 : i32
      %dma_wait3A_129 = tpu.memref_slice %arg3[%add3A, %dma_wait3A_122, %dma_wait3A_127, %dma_wait3A_128] : memref<32x84x2x128xi32, #tpu.memory_space<hbm>> -> memref<1x1x2x128xi32, #tpu.memory_space<hbm>>
      %dma_wait3A_130 = tpu.memref_squeeze %dma_wait3A_129 : memref<1x1x2x128xi32, #tpu.memory_space<hbm>> -> memref<2x128xi32, #tpu.memory_space<hbm>>
      tpu.wait_dma2 semaphore(%arg12 : memref<!tpu.dma_semaphore, #tpu.memory_space<semaphore_mem>>) src(%dma_wait3A_130 : memref<2x128xi32, #tpu.memory_space<hbm>>) dst(%arg7 : memref<2x128xi32, #tpu.memory_space<vmem>>)
      %dma_start3A_131 = arith.constant 1 : i32
      %dma_start3A_132 = arith.constant 0 : i32
      %dma_start3A_133 = tpu.memref_slice %arg5[%dma_start3A_131, %dma_start3A_132] : memref<2x128xi32, #tpu.memory_space<vmem>> -> memref<1x128xi32, #tpu.memory_space<vmem>>
      %dma_start3A_134 = tpu.memref_squeeze %dma_start3A_133 : memref<1x128xi32, #tpu.memory_space<vmem>> -> memref<128xi32, #tpu.memory_space<vmem>>
      %dma_start3A_135 = arith.constant 0 : i32
      %dma_start3A_136 = arith.constant 0 : i32
      %dma_start3A_137 = tpu.memref_slice %arg11[%dma_start3A_135, %dma_start3A_136] : memref<10240x128xf32, #tpu.memory_space<vmem_shared>> -> memref<10240x128xf32, #tpu.memory_space<vmem_shared>>
      tpu.enqueue_indirect_dma source(%arg9 : memref<128x128xf32, #tpu.memory_space<vmem>>) target(%dma_start3A_137 : memref<10240x128xf32, #tpu.memory_space<vmem_shared>>) offsets(%dma_start3A_134 : memref<128xi32, #tpu.memory_space<vmem>>) semaphore(%arg14 : memref<!tpu.dma_semaphore, #tpu.memory_space<semaphore_mem>>) {add = true}
      %dma_wait3A_138 = arith.constant 1 : i32
      %dma_wait3A_139 = arith.constant 0 : i32
      %dma_wait3A_140 = tpu.memref_slice %arg5[%dma_wait3A_138, %dma_wait3A_139] : memref<2x128xi32, #tpu.memory_space<vmem>> -> memref<1x128xi32, #tpu.memory_space<vmem>>
      %dma_wait3A_141 = tpu.memref_squeeze %dma_wait3A_140 : memref<1x128xi32, #tpu.memory_space<vmem>> -> memref<128xi32, #tpu.memory_space<vmem>>
      %dma_wait3A_142 = arith.constant 0 : i32
      %dma_wait3A_143 = arith.constant 0 : i32
      %dma_wait3A_144 = tpu.memref_slice %arg11[%dma_wait3A_142, %dma_wait3A_143] : memref<10240x128xf32, #tpu.memory_space<vmem_shared>> -> memref<10240x128xf32, #tpu.memory_space<vmem_shared>>
      tpu.wait_indirect_dma semaphore(%arg14 : memref<!tpu.dma_semaphore, #tpu.memory_space<semaphore_mem>>) src(%arg9 : memref<128x128xf32, #tpu.memory_space<vmem>>) dst(%dma_wait3A_144 : memref<10240x128xf32, #tpu.memory_space<vmem_shared>>)
      %dma_start3A_145 = arith.constant 0 : i32
      %dma_start3A_146 = arith.constant 0 : i32
      %dma_start3A_147 = tpu.memref_slice %arg7[%dma_start3A_145, %dma_start3A_146] : memref<2x128xi32, #tpu.memory_space<vmem>> -> memref<1x128xi32, #tpu.memory_space<vmem>>
      %dma_start3A_148 = tpu.memref_squeeze %dma_start3A_147 : memref<1x128xi32, #tpu.memory_space<vmem>> -> memref<128xi32, #tpu.memory_space<vmem>>
      %dma_start3A_149 = arith.constant 0 : i32
      %dma_start3A_150 = arith.constant 0 : i32
      %dma_start3A_151 = tpu.memref_slice %arg2[%dma_start3A_149, %dma_start3A_150] : memref<10000x128xf32, #tpu.memory_space<hbm>> -> memref<10000x128xf32, #tpu.memory_space<hbm>>
      tpu.enqueue_indirect_dma source(%dma_start3A_151 : memref<10000x128xf32, #tpu.memory_space<hbm>>) target(%arg9 : memref<128x128xf32, #tpu.memory_space<vmem>>) offsets(%dma_start3A_148 : memref<128xi32, #tpu.memory_space<vmem>>) semaphore(%arg13 : memref<!tpu.dma_semaphore, #tpu.memory_space<semaphore_mem>>)
      %add3A_152 = arith.constant 1 : i32
      %add3A_153 = arith.addi %mul3A_88, %add3A_152 : i32
      %add3A_154 = arith.constant 3 : i32
      %add3A_155 = arith.addi %add3A_153, %add3A_154 : i32
      %dma_start3A_156 = arith.constant 0 : i32
      %dma_start3A_157 = arith.constant 0 : i32
      %dma_start3A_158 = tpu.memref_slice %arg3[%add3A, %add3A_155, %dma_start3A_156, %dma_start3A_157] : memref<32x84x2x128xi32, #tpu.memory_space<hbm>> -> memref<1x1x2x128xi32, #tpu.memory_space<hbm>>
      %dma_start3A_159 = tpu.memref_squeeze %dma_start3A_158 : memref<1x1x2x128xi32, #tpu.memory_space<hbm>> -> memref<2x128xi32, #tpu.memory_space<hbm>>
      %dma_start3A_160 = arith.constant 0 : i32
      %dma_start3A_161 = arith.constant 0 : i32
      %dma_start3A_162 = tpu.memref_slice %arg3[%add3A, %add3A_155, %dma_start3A_160, %dma_start3A_161] : memref<32x84x2x128xi32, #tpu.memory_space<hbm>> -> memref<1x1x2x128xi32, #tpu.memory_space<hbm>>
      %dma_start3A_163 = tpu.memref_squeeze %dma_start3A_162 : memref<1x1x2x128xi32, #tpu.memory_space<hbm>> -> memref<2x128xi32, #tpu.memory_space<hbm>>
      tpu.enqueue_dma source(%dma_start3A_163 : memref<2x128xi32, #tpu.memory_space<hbm>>) target(%arg5 : memref<2x128xi32, #tpu.memory_space<vmem>>) target_semaphore(%arg12 : memref<!tpu.dma_semaphore, #tpu.memory_space<semaphore_mem>>)
      %dma_wait3A_164 = arith.constant 0 : i32
      %dma_wait3A_165 = arith.constant 0 : i32
      %dma_wait3A_166 = tpu.memref_slice %arg5[%dma_wait3A_164, %dma_wait3A_165] : memref<2x128xi32, #tpu.memory_space<vmem>> -> memref<1x128xi32, #tpu.memory_space<vmem>>
      %dma_wait3A_167 = tpu.memref_squeeze %dma_wait3A_166 : memref<1x128xi32, #tpu.memory_space<vmem>> -> memref<128xi32, #tpu.memory_space<vmem>>
      %dma_wait3A_168 = arith.constant 0 : i32
      %dma_wait3A_169 = arith.constant 0 : i32
      %dma_wait3A_170 = tpu.memref_slice %arg2[%dma_wait3A_168, %dma_wait3A_169] : memref<10000x128xf32, #tpu.memory_space<hbm>> -> memref<10000x128xf32, #tpu.memory_space<hbm>>
      tpu.wait_indirect_dma semaphore(%arg13 : memref<!tpu.dma_semaphore, #tpu.memory_space<semaphore_mem>>) src(%dma_wait3A_170 : memref<10000x128xf32, #tpu.memory_space<hbm>>) dst(%arg10 : memref<128x128xf32, #tpu.memory_space<vmem>>)
      %dma_wait3A_171 = arith.constant 0 : i32
      %dma_wait3A_172 = arith.constant 0 : i32
      %dma_wait3A_173 = arith.constant 0 : i32
      %dma_wait3A_174 = tpu.memref_slice %arg3[%add3A, %dma_wait3A_171, %dma_wait3A_172, %dma_wait3A_173] : memref<32x84x2x128xi32, #tpu.memory_space<hbm>> -> memref<1x1x2x128xi32, #tpu.memory_space<hbm>>
      %dma_wait3A_175 = tpu.memref_squeeze %dma_wait3A_174 : memref<1x1x2x128xi32, #tpu.memory_space<hbm>> -> memref<2x128xi32, #tpu.memory_space<hbm>>
      %dma_wait3A_176 = arith.constant 0 : i32
      %dma_wait3A_177 = arith.constant 0 : i32
      %dma_wait3A_178 = tpu.memref_slice %arg3[%add3A, %dma_wait3A_171, %dma_wait3A_176, %dma_wait3A_177] : memref<32x84x2x128xi32, #tpu.memory_space<hbm>> -> memref<1x1x2x128xi32, #tpu.memory_space<hbm>>
      %dma_wait3A_179 = tpu.memref_squeeze %dma_wait3A_178 : memref<1x1x2x128xi32, #tpu.memory_space<hbm>> -> memref<2x128xi32, #tpu.memory_space<hbm>>
      tpu.wait_dma2 semaphore(%arg12 : memref<!tpu.dma_semaphore, #tpu.memory_space<semaphore_mem>>) src(%dma_wait3A_179 : memref<2x128xi32, #tpu.memory_space<hbm>>) dst(%arg8 : memref<2x128xi32, #tpu.memory_space<vmem>>)
      %dma_start3A_180 = arith.constant 1 : i32
      %dma_start3A_181 = arith.constant 0 : i32
      %dma_start3A_182 = tpu.memref_slice %arg6[%dma_start3A_180, %dma_start3A_181] : memref<2x128xi32, #tpu.memory_space<vmem>> -> memref<1x128xi32, #tpu.memory_space<vmem>>
      %dma_start3A_183 = tpu.memref_squeeze %dma_start3A_182 : memref<1x128xi32, #tpu.memory_space<vmem>> -> memref<128xi32, #tpu.memory_space<vmem>>
      %dma_start3A_184 = arith.constant 0 : i32
      %dma_start3A_185 = arith.constant 0 : i32
      %dma_start3A_186 = tpu.memref_slice %arg11[%dma_start3A_184, %dma_start3A_185] : memref<10240x128xf32, #tpu.memory_space<vmem_shared>> -> memref<10240x128xf32, #tpu.memory_space<vmem_shared>>
      tpu.enqueue_indirect_dma source(%arg10 : memref<128x128xf32, #tpu.memory_space<vmem>>) target(%dma_start3A_186 : memref<10240x128xf32, #tpu.memory_space<vmem_shared>>) offsets(%dma_start3A_183 : memref<128xi32, #tpu.memory_space<vmem>>) semaphore(%arg14 : memref<!tpu.dma_semaphore, #tpu.memory_space<semaphore_mem>>) {add = true}
      %dma_wait3A_187 = arith.constant 1 : i32
      %dma_wait3A_188 = arith.constant 0 : i32
      %dma_wait3A_189 = tpu.memref_slice %arg5[%dma_wait3A_187, %dma_wait3A_188] : memref<2x128xi32, #tpu.memory_space<vmem>> -> memref<1x128xi32, #tpu.memory_space<vmem>>
      %dma_wait3A_190 = tpu.memref_squeeze %dma_wait3A_189 : memref<1x128xi32, #tpu.memory_space<vmem>> -> memref<128xi32, #tpu.memory_space<vmem>>
      %dma_wait3A_191 = arith.constant 0 : i32
      %dma_wait3A_192 = arith.constant 0 : i32
      %dma_wait3A_193 = tpu.memref_slice %arg11[%dma_wait3A_191, %dma_wait3A_192] : memref<10240x128xf32, #tpu.memory_space<vmem_shared>> -> memref<10240x128xf32, #tpu.memory_space<vmem_shared>>
      tpu.wait_indirect_dma semaphore(%arg14 : memref<!tpu.dma_semaphore, #tpu.memory_space<semaphore_mem>>) src(%arg10 : memref<128x128xf32, #tpu.memory_space<vmem>>) dst(%dma_wait3A_193 : memref<10240x128xf32, #tpu.memory_space<vmem_shared>>)
      %dma_start3A_194 = arith.constant 0 : i32
      %dma_start3A_195 = arith.constant 0 : i32
      %dma_start3A_196 = tpu.memref_slice %arg8[%dma_start3A_194, %dma_start3A_195] : memref<2x128xi32, #tpu.memory_space<vmem>> -> memref<1x128xi32, #tpu.memory_space<vmem>>
      %dma_start3A_197 = tpu.memref_squeeze %dma_start3A_196 : memref<1x128xi32, #tpu.memory_space<vmem>> -> memref<128xi32, #tpu.memory_space<vmem>>
      %dma_start3A_198 = arith.constant 0 : i32
      %dma_start3A_199 = arith.constant 0 : i32
      %dma_start3A_200 = tpu.memref_slice %arg2[%dma_start3A_198, %dma_start3A_199] : memref<10000x128xf32, #tpu.memory_space<hbm>> -> memref<10000x128xf32, #tpu.memory_space<hbm>>
      tpu.enqueue_indirect_dma source(%dma_start3A_200 : memref<10000x128xf32, #tpu.memory_space<hbm>>) target(%arg10 : memref<128x128xf32, #tpu.memory_space<vmem>>) offsets(%dma_start3A_197 : memref<128xi32, #tpu.memory_space<vmem>>) semaphore(%arg13 : memref<!tpu.dma_semaphore, #tpu.memory_space<semaphore_mem>>)
      %add3A_201 = arith.constant 2 : i32
      %add3A_202 = arith.addi %mul3A_88, %add3A_201 : i32
      %add3A_203 = arith.constant 3 : i32
      %add3A_204 = arith.addi %add3A_202, %add3A_203 : i32
      %dma_start3A_205 = arith.constant 0 : i32
      %dma_start3A_206 = arith.constant 0 : i32
      %dma_start3A_207 = tpu.memref_slice %arg3[%add3A, %add3A_204, %dma_start3A_205, %dma_start3A_206] : memref<32x84x2x128xi32, #tpu.memory_space<hbm>> -> memref<1x1x2x128xi32, #tpu.memory_space<hbm>>
      %dma_start3A_208 = tpu.memref_squeeze %dma_start3A_207 : memref<1x1x2x128xi32, #tpu.memory_space<hbm>> -> memref<2x128xi32, #tpu.memory_space<hbm>>
      %dma_start3A_209 = arith.constant 0 : i32
      %dma_start3A_210 = arith.constant 0 : i32
      %dma_start3A_211 = tpu.memref_slice %arg3[%add3A, %add3A_204, %dma_start3A_209, %dma_start3A_210] : memref<32x84x2x128xi32, #tpu.memory_space<hbm>> -> memref<1x1x2x128xi32, #tpu.memory_space<hbm>>
      %dma_start3A_212 = tpu.memref_squeeze %dma_start3A_211 : memref<1x1x2x128xi32, #tpu.memory_space<hbm>> -> memref<2x128xi32, #tpu.memory_space<hbm>>
      tpu.enqueue_dma source(%dma_start3A_212 : memref<2x128xi32, #tpu.memory_space<hbm>>) target(%arg6 : memref<2x128xi32, #tpu.memory_space<vmem>>) target_semaphore(%arg12 : memref<!tpu.dma_semaphore, #tpu.memory_space<semaphore_mem>>)
      %dma_wait3A_213 = arith.constant 0 : i32
      %dma_wait3A_214 = arith.constant 0 : i32
      %dma_wait3A_215 = tpu.memref_slice %arg5[%dma_wait3A_213, %dma_wait3A_214] : memref<2x128xi32, #tpu.memory_space<vmem>> -> memref<1x128xi32, #tpu.memory_space<vmem>>
      %dma_wait3A_216 = tpu.memref_squeeze %dma_wait3A_215 : memref<1x128xi32, #tpu.memory_space<vmem>> -> memref<128xi32, #tpu.memory_space<vmem>>
      %dma_wait3A_217 = arith.constant 0 : i32
      %dma_wait3A_218 = arith.constant 0 : i32
      %dma_wait3A_219 = tpu.memref_slice %arg2[%dma_wait3A_217, %dma_wait3A_218] : memref<10000x128xf32, #tpu.memory_space<hbm>> -> memref<10000x128xf32, #tpu.memory_space<hbm>>
      tpu.wait_indirect_dma semaphore(%arg13 : memref<!tpu.dma_semaphore, #tpu.memory_space<semaphore_mem>>) src(%dma_wait3A_219 : memref<10000x128xf32, #tpu.memory_space<hbm>>) dst(%arg9 : memref<128x128xf32, #tpu.memory_space<vmem>>)
      %dma_wait3A_220 = arith.constant 0 : i32
      %dma_wait3A_221 = arith.constant 0 : i32
      %dma_wait3A_222 = arith.constant 0 : i32
      %dma_wait3A_223 = tpu.memref_slice %arg3[%add3A, %dma_wait3A_220, %dma_wait3A_221, %dma_wait3A_222] : memref<32x84x2x128xi32, #tpu.memory_space<hbm>> -> memref<1x1x2x128xi32, #tpu.memory_space<hbm>>
      %dma_wait3A_224 = tpu.memref_squeeze %dma_wait3A_223 : memref<1x1x2x128xi32, #tpu.memory_space<hbm>> -> memref<2x128xi32, #tpu.memory_space<hbm>>
      %dma_wait3A_225 = arith.constant 0 : i32
      %dma_wait3A_226 = arith.constant 0 : i32
      %dma_wait3A_227 = tpu.memref_slice %arg3[%add3A, %dma_wait3A_220, %dma_wait3A_225, %dma_wait3A_226] : memref<32x84x2x128xi32, #tpu.memory_space<hbm>> -> memref<1x1x2x128xi32, #tpu.memory_space<hbm>>
      %dma_wait3A_228 = tpu.memref_squeeze %dma_wait3A_227 : memref<1x1x2x128xi32, #tpu.memory_space<hbm>> -> memref<2x128xi32, #tpu.memory_space<hbm>>
      tpu.wait_dma2 semaphore(%arg12 : memref<!tpu.dma_semaphore, #tpu.memory_space<semaphore_mem>>) src(%dma_wait3A_228 : memref<2x128xi32, #tpu.memory_space<hbm>>) dst(%arg5 : memref<2x128xi32, #tpu.memory_space<vmem>>)
      %dma_start3A_229 = arith.constant 1 : i32
      %dma_start3A_230 = arith.constant 0 : i32
      %dma_start3A_231 = tpu.memref_slice %arg7[%dma_start3A_229, %dma_start3A_230] : memref<2x128xi32, #tpu.memory_space<vmem>> -> memref<1x128xi32, #tpu.memory_space<vmem>>
      %dma_start3A_232 = tpu.memref_squeeze %dma_start3A_231 : memref<1x128xi32, #tpu.memory_space<vmem>> -> memref<128xi32, #tpu.memory_space<vmem>>
      %dma_start3A_233 = arith.constant 0 : i32
      %dma_start3A_234 = arith.constant 0 : i32
      %dma_start3A_235 = tpu.memref_slice %arg11[%dma_start3A_233, %dma_start3A_234] : memref<10240x128xf32, #tpu.memory_space<vmem_shared>> -> memref<10240x128xf32, #tpu.memory_space<vmem_shared>>
      tpu.enqueue_indirect_dma source(%arg9 : memref<128x128xf32, #tpu.memory_space<vmem>>) target(%dma_start3A_235 : memref<10240x128xf32, #tpu.memory_space<vmem_shared>>) offsets(%dma_start3A_232 : memref<128xi32, #tpu.memory_space<vmem>>) semaphore(%arg14 : memref<!tpu.dma_semaphore, #tpu.memory_space<semaphore_mem>>) {add = true}
      %dma_wait3A_236 = arith.constant 1 : i32
      %dma_wait3A_237 = arith.constant 0 : i32
      %dma_wait3A_238 = tpu.memref_slice %arg5[%dma_wait3A_236, %dma_wait3A_237] : memref<2x128xi32, #tpu.memory_space<vmem>> -> memref<1x128xi32, #tpu.memory_space<vmem>>
      %dma_wait3A_239 = tpu.memref_squeeze %dma_wait3A_238 : memref<1x128xi32, #tpu.memory_space<vmem>> -> memref<128xi32, #tpu.memory_space<vmem>>
      %dma_wait3A_240 = arith.constant 0 : i32
      %dma_wait3A_241 = arith.constant 0 : i32
      %dma_wait3A_242 = tpu.memref_slice %arg11[%dma_wait3A_240, %dma_wait3A_241] : memref<10240x128xf32, #tpu.memory_space<vmem_shared>> -> memref<10240x128xf32, #tpu.memory_space<vmem_shared>>
      tpu.wait_indirect_dma semaphore(%arg14 : memref<!tpu.dma_semaphore, #tpu.memory_space<semaphore_mem>>) src(%arg9 : memref<128x128xf32, #tpu.memory_space<vmem>>) dst(%dma_wait3A_242 : memref<10240x128xf32, #tpu.memory_space<vmem_shared>>)
      %dma_start3A_243 = arith.constant 0 : i32
      %dma_start3A_244 = arith.constant 0 : i32
      %dma_start3A_245 = tpu.memref_slice %arg5[%dma_start3A_243, %dma_start3A_244] : memref<2x128xi32, #tpu.memory_space<vmem>> -> memref<1x128xi32, #tpu.memory_space<vmem>>
      %dma_start3A_246 = tpu.memref_squeeze %dma_start3A_245 : memref<1x128xi32, #tpu.memory_space<vmem>> -> memref<128xi32, #tpu.memory_space<vmem>>
      %dma_start3A_247 = arith.constant 0 : i32
      %dma_start3A_248 = arith.constant 0 : i32
      %dma_start3A_249 = tpu.memref_slice %arg2[%dma_start3A_247, %dma_start3A_248] : memref<10000x128xf32, #tpu.memory_space<hbm>> -> memref<10000x128xf32, #tpu.memory_space<hbm>>
      tpu.enqueue_indirect_dma source(%dma_start3A_249 : memref<10000x128xf32, #tpu.memory_space<hbm>>) target(%arg9 : memref<128x128xf32, #tpu.memory_space<vmem>>) offsets(%dma_start3A_246 : memref<128xi32, #tpu.memory_space<vmem>>) semaphore(%arg13 : memref<!tpu.dma_semaphore, #tpu.memory_space<semaphore_mem>>)
      %add3A_250 = arith.constant 3 : i32
      %add3A_251 = arith.addi %mul3A_88, %add3A_250 : i32
      %add3A_252 = arith.constant 3 : i32
      %add3A_253 = arith.addi %add3A_251, %add3A_252 : i32
      %dma_start3A_254 = arith.constant 0 : i32
      %dma_start3A_255 = arith.constant 0 : i32
      %dma_start3A_256 = tpu.memref_slice %arg3[%add3A, %add3A_253, %dma_start3A_254, %dma_start3A_255] : memref<32x84x2x128xi32, #tpu.memory_space<hbm>> -> memref<1x1x2x128xi32, #tpu.memory_space<hbm>>
      %dma_start3A_257 = tpu.memref_squeeze %dma_start3A_256 : memref<1x1x2x128xi32, #tpu.memory_space<hbm>> -> memref<2x128xi32, #tpu.memory_space<hbm>>
      %dma_start3A_258 = arith.constant 0 : i32
      %dma_start3A_259 = arith.constant 0 : i32
      %dma_start3A_260 = tpu.memref_slice %arg3[%add3A, %add3A_253, %dma_start3A_258, %dma_start3A_259] : memref<32x84x2x128xi32, #tpu.memory_space<hbm>> -> memref<1x1x2x128xi32, #tpu.memory_space<hbm>>
      %dma_start3A_261 = tpu.memref_squeeze %dma_start3A_260 : memref<1x1x2x128xi32, #tpu.memory_space<hbm>> -> memref<2x128xi32, #tpu.memory_space<hbm>>
      tpu.enqueue_dma source(%dma_start3A_261 : memref<2x128xi32, #tpu.memory_space<hbm>>) target(%arg7 : memref<2x128xi32, #tpu.memory_space<vmem>>) target_semaphore(%arg12 : memref<!tpu.dma_semaphore, #tpu.memory_space<semaphore_mem>>)
      %dma_wait3A_262 = arith.constant 0 : i32
      %dma_wait3A_263 = arith.constant 0 : i32
      %dma_wait3A_264 = tpu.memref_slice %arg5[%dma_wait3A_262, %dma_wait3A_263] : memref<2x128xi32, #tpu.memory_space<vmem>> -> memref<1x128xi32, #tpu.memory_space<vmem>>
      %dma_wait3A_265 = tpu.memref_squeeze %dma_wait3A_264 : memref<1x128xi32, #tpu.memory_space<vmem>> -> memref<128xi32, #tpu.memory_space<vmem>>
      %dma_wait3A_266 = arith.constant 0 : i32
      %dma_wait3A_267 = arith.constant 0 : i32
      %dma_wait3A_268 = tpu.memref_slice %arg2[%dma_wait3A_266, %dma_wait3A_267] : memref<10000x128xf32, #tpu.memory_space<hbm>> -> memref<10000x128xf32, #tpu.memory_space<hbm>>
      tpu.wait_indirect_dma semaphore(%arg13 : memref<!tpu.dma_semaphore, #tpu.memory_space<semaphore_mem>>) src(%dma_wait3A_268 : memref<10000x128xf32, #tpu.memory_space<hbm>>) dst(%arg10 : memref<128x128xf32, #tpu.memory_space<vmem>>)
      %dma_wait3A_269 = arith.constant 0 : i32
      %dma_wait3A_270 = arith.constant 0 : i32
      %dma_wait3A_271 = arith.constant 0 : i32
      %dma_wait3A_272 = tpu.memref_slice %arg3[%add3A, %dma_wait3A_269, %dma_wait3A_270, %dma_wait3A_271] : memref<32x84x2x128xi32, #tpu.memory_space<hbm>> -> memref<1x1x2x128xi32, #tpu.memory_space<hbm>>
      %dma_wait3A_273 = tpu.memref_squeeze %dma_wait3A_272 : memref<1x1x2x128xi32, #tpu.memory_space<hbm>> -> memref<2x128xi32, #tpu.memory_space<hbm>>
      %dma_wait3A_274 = arith.constant 0 : i32
      %dma_wait3A_275 = arith.constant 0 : i32
      %dma_wait3A_276 = tpu.memref_slice %arg3[%add3A, %dma_wait3A_269, %dma_wait3A_274, %dma_wait3A_275] : memref<32x84x2x128xi32, #tpu.memory_space<hbm>> -> memref<1x1x2x128xi32, #tpu.memory_space<hbm>>
      %dma_wait3A_277 = tpu.memref_squeeze %dma_wait3A_276 : memref<1x1x2x128xi32, #tpu.memory_space<hbm>> -> memref<2x128xi32, #tpu.memory_space<hbm>>
      tpu.wait_dma2 semaphore(%arg12 : memref<!tpu.dma_semaphore, #tpu.memory_space<semaphore_mem>>) src(%dma_wait3A_277 : memref<2x128xi32, #tpu.memory_space<hbm>>) dst(%arg6 : memref<2x128xi32, #tpu.memory_space<vmem>>)
      %dma_start3A_278 = arith.constant 1 : i32
      %dma_start3A_279 = arith.constant 0 : i32
      %dma_start3A_280 = tpu.memref_slice %arg8[%dma_start3A_278, %dma_start3A_279] : memref<2x128xi32, #tpu.memory_space<vmem>> -> memref<1x128xi32, #tpu.memory_space<vmem>>
      %dma_start3A_281 = tpu.memref_squeeze %dma_start3A_280 : memref<1x128xi32, #tpu.memory_space<vmem>> -> memref<128xi32, #tpu.memory_space<vmem>>
      %dma_start3A_282 = arith.constant 0 : i32
      %dma_start3A_283 = arith.constant 0 : i32
      %dma_start3A_284 = tpu.memref_slice %arg11[%dma_start3A_282, %dma_start3A_283] : memref<10240x128xf32, #tpu.memory_space<vmem_shared>> -> memref<10240x128xf32, #tpu.memory_space<vmem_shared>>
      tpu.enqueue_indirect_dma source(%arg10 : memref<128x128xf32, #tpu.memory_space<vmem>>) target(%dma_start3A_284 : memref<10240x128xf32, #tpu.memory_space<vmem_shared>>) offsets(%dma_start3A_281 : memref<128xi32, #tpu.memory_space<vmem>>) semaphore(%arg14 : memref<!tpu.dma_semaphore, #tpu.memory_space<semaphore_mem>>) {add = true}
      %scan3A_285 = arith.constant 0 : i32
      scf.yield %scan3A_285 : i32
    }
    %scan3A_57 = arith.constant 20 : i32
    %dma_wait3A = arith.constant 0 : i32
    %dma_wait3A_58 = arith.constant 0 : i32
    %dma_wait3A_59 = tpu.memref_slice %arg5[%dma_wait3A, %dma_wait3A_58] : memref<2x128xi32, #tpu.memory_space<vmem>> -> memref<1x128xi32, #tpu.memory_space<vmem>>
    %dma_wait3A_60 = tpu.memref_squeeze %dma_wait3A_59 : memref<1x128xi32, #tpu.memory_space<vmem>> -> memref<128xi32, #tpu.memory_space<vmem>>
    %dma_wait3A_61 = arith.constant 0 : i32
    %dma_wait3A_62 = arith.constant 0 : i32
    %dma_wait3A_63 = tpu.memref_slice %arg2[%dma_wait3A_61, %dma_wait3A_62] : memref<10000x128xf32, #tpu.memory_space<hbm>> -> memref<10000x128xf32, #tpu.memory_space<hbm>>
    tpu.wait_indirect_dma semaphore(%arg13 : memref<!tpu.dma_semaphore, #tpu.memory_space<semaphore_mem>>) src(%dma_wait3A_63 : memref<10000x128xf32, #tpu.memory_space<hbm>>) dst(%arg9 : memref<128x128xf32, #tpu.memory_space<vmem>>)
    %dma_wait3A_64 = arith.constant 0 : i32
    %dma_wait3A_65 = arith.constant 0 : i32
    %dma_wait3A_66 = arith.constant 0 : i32
    %dma_wait3A_67 = tpu.memref_slice %arg3[%add3A, %dma_wait3A_64, %dma_wait3A_65, %dma_wait3A_66] : memref<32x84x2x128xi32, #tpu.memory_space<hbm>> -> memref<1x1x2x128xi32, #tpu.memory_space<hbm>>
    %dma_wait3A_68 = tpu.memref_squeeze %dma_wait3A_67 : memref<1x1x2x128xi32, #tpu.memory_space<hbm>> -> memref<2x128xi32, #tpu.memory_space<hbm>>
    %dma_wait3A_69 = arith.constant 0 : i32
    %dma_wait3A_70 = arith.constant 0 : i32
    %dma_wait3A_71 = tpu.memref_slice %arg3[%add3A, %dma_wait3A_64, %dma_wait3A_69, %dma_wait3A_70] : memref<32x84x2x128xi32, #tpu.memory_space<hbm>> -> memref<1x1x2x128xi32, #tpu.memory_space<hbm>>
    %dma_wait3A_72 = tpu.memref_squeeze %dma_wait3A_71 : memref<1x1x2x128xi32, #tpu.memory_space<hbm>> -> memref<2x128xi32, #tpu.memory_space<hbm>>
    tpu.wait_dma2 semaphore(%arg12 : memref<!tpu.dma_semaphore, #tpu.memory_space<semaphore_mem>>) src(%dma_wait3A_72 : memref<2x128xi32, #tpu.memory_space<hbm>>) dst(%arg5 : memref<2x128xi32, #tpu.memory_space<vmem>>)
    %dma_wait3A_73 = arith.constant 1 : i32
    %dma_wait3A_74 = arith.constant 0 : i32
    %dma_wait3A_75 = tpu.memref_slice %arg5[%dma_wait3A_73, %dma_wait3A_74] : memref<2x128xi32, #tpu.memory_space<vmem>> -> memref<1x128xi32, #tpu.memory_space<vmem>>
    %dma_wait3A_76 = tpu.memref_squeeze %dma_wait3A_75 : memref<1x128xi32, #tpu.memory_space<vmem>> -> memref<128xi32, #tpu.memory_space<vmem>>
    %dma_wait3A_77 = arith.constant 0 : i32
    %dma_wait3A_78 = arith.constant 0 : i32
    %dma_wait3A_79 = tpu.memref_slice %arg11[%dma_wait3A_77, %dma_wait3A_78] : memref<10240x128xf32, #tpu.memory_space<vmem_shared>> -> memref<10240x128xf32, #tpu.memory_space<vmem_shared>>
    tpu.wait_indirect_dma semaphore(%arg14 : memref<!tpu.dma_semaphore, #tpu.memory_space<semaphore_mem>>) src(%arg9 : memref<128x128xf32, #tpu.memory_space<vmem>>) dst(%dma_wait3A_79 : memref<10240x128xf32, #tpu.memory_space<vmem_shared>>)
    %barrier3A_80 = arith.constant 0 : index
    tpu.barrier barrier_id(%barrier3A_80)
    %mul3A_81 = arith.constant 640 : i32
    %mul3A_82 = arith.muli %arg1, %mul3A_81 : i32
    %mul3A_83 = arith.constant 640 : i32
    %mul3A_84 = arith.muli %arg1, %mul3A_83 : i32
    "tpu.region"() ({
      %run_scoped3A_85 = tpu.sem_alloc : memref<!tpu.dma_semaphore, #tpu.memory_space<semaphore_mem>>
      %dma_start3A_86 = arith.constant 0 : i32
      %dma_start3A_87 = tpu.memref_slice %arg4[%arg0, %mul3A_84, %dma_start3A_86] : memref<2x10240x128xf32, #tpu.memory_space<hbm>> -> memref<1x640x128xf32, #tpu.memory_space<hbm>>
      %dma_start3A_88 = tpu.memref_squeeze %dma_start3A_87 : memref<1x640x128xf32, #tpu.memory_space<hbm>> -> memref<640x128xf32, #tpu.memory_space<hbm>>
      %dma_start3A_89 = arith.constant 0 : i32
      %dma_start3A_90 = tpu.memref_slice %arg11[%mul3A_82, %dma_start3A_89] : memref<10240x128xf32, #tpu.memory_space<vmem_shared>> -> memref<640x128xf32, #tpu.memory_space<vmem_shared>>
      tpu.enqueue_dma source(%dma_start3A_90 : memref<640x128xf32, #tpu.memory_space<vmem_shared>>) target(%dma_start3A_88 : memref<640x128xf32, #tpu.memory_space<hbm>>) target_semaphore(%run_scoped3A_85 : memref<!tpu.dma_semaphore, #tpu.memory_space<semaphore_mem>>)
      %dma_wait3A_91 = arith.constant 0 : i32
      %dma_wait3A_92 = tpu.memref_slice %arg4[%arg0, %mul3A_84, %dma_wait3A_91] : memref<2x10240x128xf32, #tpu.memory_space<hbm>> -> memref<1x640x128xf32, #tpu.memory_space<hbm>>
      %dma_wait3A_93 = tpu.memref_squeeze %dma_wait3A_92 : memref<1x640x128xf32, #tpu.memory_space<hbm>> -> memref<640x128xf32, #tpu.memory_space<hbm>>
      %dma_wait3A_94 = arith.constant 0 : i32
      %dma_wait3A_95 = tpu.memref_slice %arg11[%mul3A_82, %dma_wait3A_94] : memref<10240x128xf32, #tpu.memory_space<vmem_shared>> -> memref<640x128xf32, #tpu.memory_space<vmem_shared>>
      tpu.wait_dma2 semaphore(%run_scoped3A_85 : memref<!tpu.dma_semaphore, #tpu.memory_space<semaphore_mem>>) src(%dma_wait3A_95 : memref<640x128xf32, #tpu.memory_space<vmem_shared>>) dst(%dma_wait3A_93 : memref<640x128xf32, #tpu.memory_space<hbm>>)
      tpu.yield
    }) : () -> ()
    return
  }
}

module attributes {stable_mosaic.version = 14 : i64} {
  func.func @_tc_layer1_body(%arg0: i32, %arg1: memref<2000x128xf32, #tpu.memory_space<vmem>>, %arg2: memref<2x2000x128xf32, #tpu.memory_space<vmem>>, %arg3: memref<2x2000x1xf32, #tpu.memory_space<vmem>>, %arg4: memref<128x128xf32, #tpu.memory_space<vmem>>, %arg5: memref<128xf32, #tpu.memory_space<vmem>>, %arg6: memref<128x128xf32, #tpu.memory_space<vmem>>, %arg7: memref<2000x128xf32, #tpu.memory_space<vmem>>) attributes {dimension_semantics = [#tpu.dimension_semantics<arbitrary>], iteration_bounds = array<i64: 5>, scalar_prefetch = 0 : i64, scratch_operands = 0 : i64, tpu.core_type = #tpu.core_type<tc>, window_params = [{transform_indices = @transform_0, window_bounds = array<i64: 2000, 128>}, {transform_indices = @transform_1, window_bounds = array<i64: 2, 2000, 128>}, {transform_indices = @transform_2, window_bounds = array<i64: 2, 2000, 1>}, {pipeline_mode = #tpu.pipeline_mode<synchronous>, transform_indices = @transform_3, window_bounds = array<i64: 128, 128>}, {pipeline_mode = #tpu.pipeline_mode<synchronous>, transform_indices = @transform_4, window_bounds = array<i64: 128>}, {pipeline_mode = #tpu.pipeline_mode<synchronous>, transform_indices = @transform_5, window_bounds = array<i64: 128, 128>}, {transform_indices = @transform_6, window_bounds = array<i64: 2000, 128>}]} {
    %get3A = arith.constant 0 : index
    %get3A_0 = arith.constant 0 : index
    %get3A_1 = arith.constant 0 : index
    %get3A_2 = vector.load %arg3[%get3A, %get3A_0, %get3A_1] : memref<2x2000x1xf32, #tpu.memory_space<vmem>>, vector<1x2000x1xf32>
    %get3A_3 = vector.shape_cast %get3A_2 : vector<1x2000x1xf32> to vector<2000x1xf32>
    %get3A_4 = arith.constant 1 : index
    %get3A_5 = arith.constant 0 : index
    %get3A_6 = arith.constant 0 : index
    %get3A_7 = vector.load %arg3[%get3A_4, %get3A_5, %get3A_6] : memref<2x2000x1xf32, #tpu.memory_space<vmem>>, vector<1x2000x1xf32>
    %get3A_8 = vector.shape_cast %get3A_7 : vector<1x2000x1xf32> to vector<2000x1xf32>
    %add3A = arith.addf %get3A_3, %get3A_8 : vector<2000x1xf32>
    %get3A_9 = arith.constant 0 : index
    %get3A_10 = arith.constant 0 : index
    %get3A_11 = arith.constant 0 : index
    %get3A_12 = vector.load %arg2[%get3A_9, %get3A_10, %get3A_11] : memref<2x2000x128xf32, #tpu.memory_space<vmem>>, vector<1x2000x128xf32>
    %get3A_13 = vector.shape_cast %get3A_12 : vector<1x2000x128xf32> to vector<2000x128xf32>
    %get3A_14 = arith.constant 1 : index
    %get3A_15 = arith.constant 0 : index
    %get3A_16 = arith.constant 0 : index
    %get3A_17 = vector.load %arg2[%get3A_14, %get3A_15, %get3A_16] : memref<2x2000x128xf32, #tpu.memory_space<vmem>>, vector<1x2000x128xf32>
    %get3A_18 = vector.shape_cast %get3A_17 : vector<1x2000x128xf32> to vector<2000x128xf32>
    %add3A_19 = arith.addf %get3A_13, %get3A_18 : vector<2000x128xf32>
    %max3A = arith.constant 1.000000e+00 : f32
    %max3A_20 = vector.broadcast %max3A : f32 to vector<2000x1xf32>
    %max3A_21 = arith.maximumf %add3A, %max3A_20 : vector<2000x1xf32>
    %div3A = vector.broadcast %max3A_21 : vector<2000x1xf32> to vector<2000x128xf32>
    %div3A_22 = arith.divf %add3A_19, %div3A : vector<2000x128xf32>
    %get3A_23 = arith.constant 0 : index
    %get3A_24 = arith.constant 0 : index
    %get3A_25 = vector.load %arg1[%get3A_23, %get3A_24] : memref<2000x128xf32, #tpu.memory_space<vmem>>, vector<2000x128xf32>
    %get3A_26 = arith.constant 0 : index
    %get3A_27 = arith.constant 0 : index
    %get3A_28 = vector.load %arg4[%get3A_26, %get3A_27] : memref<128x128xf32, #tpu.memory_space<vmem>>, vector<128x128xf32>
    %dot_general3A = arith.constant dense<0.000000e+00> : vector<2000x128xf32>
    %dot_general3A_29 = tpu.matmul %get3A_25, %get3A_28, %dot_general3A {dimension_numbers = #tpu.dot_dimension_numbers<[1], [1], [0], [0], [0, 0, 1, 0], [], []>, transpose_lhs_hint = false} : vector<2000x128xf32>, vector<128x128xf32>, vector<2000x128xf32> -> vector<2000x128xf32>
    %get3A_30 = arith.constant 0 : index
    %get3A_31 = vector.load %arg5[%get3A_30] : memref<128xf32, #tpu.memory_space<vmem>>, vector<128xf32>
    %broadcast_in_dim3A = vector.shape_cast %get3A_31 : vector<128xf32> to vector<1x128xf32>
    %add3A_32 = vector.broadcast %broadcast_in_dim3A : vector<1x128xf32> to vector<2000x128xf32>
    %add3A_33 = arith.addf %dot_general3A_29, %add3A_32 : vector<2000x128xf32>
    %get3A_34 = arith.constant 0 : index
    %get3A_35 = arith.constant 0 : index
    %get3A_36 = vector.load %arg6[%get3A_34, %get3A_35] : memref<128x128xf32, #tpu.memory_space<vmem>>, vector<128x128xf32>
    %dot_general3A_37 = arith.constant dense<0.000000e+00> : vector<2000x128xf32>
    %dot_general3A_38 = tpu.matmul %div3A_22, %get3A_36, %dot_general3A_37 {dimension_numbers = #tpu.dot_dimension_numbers<[1], [1], [0], [0], [0, 0, 1, 0], [], []>, transpose_lhs_hint = false} : vector<2000x128xf32>, vector<128x128xf32>, vector<2000x128xf32> -> vector<2000x128xf32>
    %add3A_39 = arith.addf %add3A_33, %dot_general3A_38 : vector<2000x128xf32>
    %max3A_40 = arith.constant 0.000000e+00 : f32
    %max3A_41 = vector.broadcast %max3A_40 : f32 to vector<2000x128xf32>
    %max3A_42 = arith.maximumf %add3A_39, %max3A_41 : vector<2000x128xf32>
    %swap3A = arith.constant 0 : index
    %swap3A_43 = arith.constant 0 : index
    %swap3A_44 = vector.load %arg7[%swap3A, %swap3A_43] : memref<2000x128xf32, #tpu.memory_space<vmem>>, vector<2000x128xf32>
    tpu.vector_store %arg7[%swap3A, %swap3A_43], %max3A_42 {strides = array<i32>} : memref<2000x128xf32, #tpu.memory_space<vmem>>, vector<2000x128xf32>,
    return
  }
  func.func @transform_0(%arg0: i32) -> (i32, i32) {
    %c0_i32 = arith.constant 0 : i32
    %c0_i32_0 = arith.constant 0 : i32
    return %arg0, %c0_i32 : i32, i32
  }
  func.func @transform_1(%arg0: i32) -> (i32, i32, i32) {
    %c0_i32 = arith.constant 0 : i32
    %c0_i32_0 = arith.constant 0 : i32
    %c0_i32_1 = arith.constant 0 : i32
    return %c0_i32, %arg0, %c0_i32_0 : i32, i32, i32
  }
  func.func @transform_2(%arg0: i32) -> (i32, i32, i32) {
    %c0_i32 = arith.constant 0 : i32
    %c0_i32_0 = arith.constant 0 : i32
    %c0_i32_1 = arith.constant 0 : i32
    return %c0_i32, %arg0, %c0_i32_0 : i32, i32, i32
  }
  func.func @transform_3(%arg0: i32) -> (i32, i32) {
    %c0_i32 = arith.constant 0 : i32
    %c0_i32_0 = arith.constant 0 : i32
    %c0_i32_1 = arith.constant 0 : i32
    return %c0_i32, %c0_i32_0 : i32, i32
  }
  func.func @transform_4(%arg0: i32) -> i32 {
    %c0_i32 = arith.constant 0 : i32
    %c0_i32_0 = arith.constant 0 : i32
    return %c0_i32 : i32
  }
  func.func @transform_5(%arg0: i32) -> (i32, i32) {
    %c0_i32 = arith.constant 0 : i32
    %c0_i32_0 = arith.constant 0 : i32
    %c0_i32_1 = arith.constant 0 : i32
    return %c0_i32, %c0_i32_0 : i32, i32
  }
  func.func @transform_6(%arg0: i32) -> (i32, i32) {
    %c0_i32 = arith.constant 0 : i32
    %c0_i32_0 = arith.constant 0 : i32
    return %arg0, %c0_i32 : i32, i32
  }
}

module attributes {stable_mosaic.version = 14 : i64} {
  func.func @_tc_layer2_body(%arg0: i32, %arg1: memref<2000x128xf32, #tpu.memory_space<vmem>>, %arg2: memref<2x2000x128xf32, #tpu.memory_space<vmem>>, %arg3: memref<2x2000x1xf32, #tpu.memory_space<vmem>>, %arg4: memref<128x128xf32, #tpu.memory_space<vmem>>, %arg5: memref<128xf32, #tpu.memory_space<vmem>>, %arg6: memref<128x128xf32, #tpu.memory_space<vmem>>, %arg7: memref<128x128xf32, #tpu.memory_space<vmem>>, %arg8: memref<128xf32, #tpu.memory_space<vmem>>, %arg9: memref<2000x128xf32, #tpu.memory_space<vmem>>) attributes {dimension_semantics = [#tpu.dimension_semantics<arbitrary>], iteration_bounds = array<i64: 5>, scalar_prefetch = 0 : i64, scratch_operands = 0 : i64, tpu.core_type = #tpu.core_type<tc>, window_params = [{transform_indices = @transform_0, window_bounds = array<i64: 2000, 128>}, {transform_indices = @transform_1, window_bounds = array<i64: 2, 2000, 128>}, {transform_indices = @transform_2, window_bounds = array<i64: 2, 2000, 1>}, {pipeline_mode = #tpu.pipeline_mode<synchronous>, transform_indices = @transform_3, window_bounds = array<i64: 128, 128>}, {pipeline_mode = #tpu.pipeline_mode<synchronous>, transform_indices = @transform_4, window_bounds = array<i64: 128>}, {pipeline_mode = #tpu.pipeline_mode<synchronous>, transform_indices = @transform_5, window_bounds = array<i64: 128, 128>}, {pipeline_mode = #tpu.pipeline_mode<synchronous>, transform_indices = @transform_6, window_bounds = array<i64: 128, 128>}, {pipeline_mode = #tpu.pipeline_mode<synchronous>, transform_indices = @transform_7, window_bounds = array<i64: 128>}, {transform_indices = @transform_8, window_bounds = array<i64: 2000, 128>}]} {
    %get3A = arith.constant 0 : index
    %get3A_0 = arith.constant 0 : index
    %get3A_1 = arith.constant 0 : index
    %get3A_2 = vector.load %arg3[%get3A, %get3A_0, %get3A_1] : memref<2x2000x1xf32, #tpu.memory_space<vmem>>, vector<1x2000x1xf32>
    %get3A_3 = vector.shape_cast %get3A_2 : vector<1x2000x1xf32> to vector<2000x1xf32>
    %get3A_4 = arith.constant 1 : index
    %get3A_5 = arith.constant 0 : index
    %get3A_6 = arith.constant 0 : index
    %get3A_7 = vector.load %arg3[%get3A_4, %get3A_5, %get3A_6] : memref<2x2000x1xf32, #tpu.memory_space<vmem>>, vector<1x2000x1xf32>
    %get3A_8 = vector.shape_cast %get3A_7 : vector<1x2000x1xf32> to vector<2000x1xf32>
    %add3A = arith.addf %get3A_3, %get3A_8 : vector<2000x1xf32>
    %get3A_9 = arith.constant 0 : index
    %get3A_10 = arith.constant 0 : index
    %get3A_11 = arith.constant 0 : index
    %get3A_12 = vector.load %arg2[%get3A_9, %get3A_10, %get3A_11] : memref<2x2000x128xf32, #tpu.memory_space<vmem>>, vector<1x2000x128xf32>
    %get3A_13 = vector.shape_cast %get3A_12 : vector<1x2000x128xf32> to vector<2000x128xf32>
    %get3A_14 = arith.constant 1 : index
    %get3A_15 = arith.constant 0 : index
    %get3A_16 = arith.constant 0 : index
    %get3A_17 = vector.load %arg2[%get3A_14, %get3A_15, %get3A_16] : memref<2x2000x128xf32, #tpu.memory_space<vmem>>, vector<1x2000x128xf32>
    %get3A_18 = vector.shape_cast %get3A_17 : vector<1x2000x128xf32> to vector<2000x128xf32>
    %add3A_19 = arith.addf %get3A_13, %get3A_18 : vector<2000x128xf32>
    %max3A = arith.constant 1.000000e+00 : f32
    %max3A_20 = vector.broadcast %max3A : f32 to vector<2000x1xf32>
    %max3A_21 = arith.maximumf %add3A, %max3A_20 : vector<2000x1xf32>
    %div3A = vector.broadcast %max3A_21 : vector<2000x1xf32> to vector<2000x128xf32>
    %div3A_22 = arith.divf %add3A_19, %div3A : vector<2000x128xf32>
    %get3A_23 = arith.constant 0 : index
    %get3A_24 = arith.constant 0 : index
    %get3A_25 = vector.load %arg1[%get3A_23, %get3A_24] : memref<2000x128xf32, #tpu.memory_space<vmem>>, vector<2000x128xf32>
    %get3A_26 = arith.constant 0 : index
    %get3A_27 = arith.constant 0 : index
    %get3A_28 = vector.load %arg4[%get3A_26, %get3A_27] : memref<128x128xf32, #tpu.memory_space<vmem>>, vector<128x128xf32>
    %dot_general3A = arith.constant dense<0.000000e+00> : vector<2000x128xf32>
    %dot_general3A_29 = tpu.matmul %get3A_25, %get3A_28, %dot_general3A {dimension_numbers = #tpu.dot_dimension_numbers<[1], [1], [0], [0], [0, 0, 1, 0], [], []>, transpose_lhs_hint = false} : vector<2000x128xf32>, vector<128x128xf32>, vector<2000x128xf32> -> vector<2000x128xf32>
    %get3A_30 = arith.constant 0 : index
    %get3A_31 = vector.load %arg5[%get3A_30] : memref<128xf32, #tpu.memory_space<vmem>>, vector<128xf32>
    %broadcast_in_dim3A = vector.shape_cast %get3A_31 : vector<128xf32> to vector<1x128xf32>
    %add3A_32 = vector.broadcast %broadcast_in_dim3A : vector<1x128xf32> to vector<2000x128xf32>
    %add3A_33 = arith.addf %dot_general3A_29, %add3A_32 : vector<2000x128xf32>
    %get3A_34 = arith.constant 0 : index
    %get3A_35 = arith.constant 0 : index
    %get3A_36 = vector.load %arg6[%get3A_34, %get3A_35] : memref<128x128xf32, #tpu.memory_space<vmem>>, vector<128x128xf32>
    %dot_general3A_37 = arith.constant dense<0.000000e+00> : vector<2000x128xf32>
    %dot_general3A_38 = tpu.matmul %div3A_22, %get3A_36, %dot_general3A_37 {dimension_numbers = #tpu.dot_dimension_numbers<[1], [1], [0], [0], [0, 0, 1, 0], [], []>, transpose_lhs_hint = false} : vector<2000x128xf32>, vector<128x128xf32>, vector<2000x128xf32> -> vector<2000x128xf32>
    %add3A_39 = arith.addf %add3A_33, %dot_general3A_38 : vector<2000x128xf32>
    %max3A_40 = arith.constant 0.000000e+00 : f32
    %max3A_41 = vector.broadcast %max3A_40 : f32 to vector<2000x128xf32>
    %max3A_42 = arith.maximumf %add3A_39, %max3A_41 : vector<2000x128xf32>
    %get3A_43 = arith.constant 0 : index
    %get3A_44 = arith.constant 0 : index
    %get3A_45 = vector.load %arg7[%get3A_43, %get3A_44] : memref<128x128xf32, #tpu.memory_space<vmem>>, vector<128x128xf32>
    %dot_general3A_46 = arith.constant dense<0.000000e+00> : vector<2000x128xf32>
    %dot_general3A_47 = tpu.matmul %max3A_42, %get3A_45, %dot_general3A_46 {dimension_numbers = #tpu.dot_dimension_numbers<[1], [1], [0], [0], [0, 0, 1, 0], [], []>, transpose_lhs_hint = false} : vector<2000x128xf32>, vector<128x128xf32>, vector<2000x128xf32> -> vector<2000x128xf32>
    %get3A_48 = arith.constant 0 : index
    %get3A_49 = vector.load %arg8[%get3A_48] : memref<128xf32, #tpu.memory_space<vmem>>, vector<128xf32>
    %broadcast_in_dim3A_50 = vector.shape_cast %get3A_49 : vector<128xf32> to vector<1x128xf32>
    %add3A_51 = vector.broadcast %broadcast_in_dim3A_50 : vector<1x128xf32> to vector<2000x128xf32>
    %add3A_52 = arith.addf %dot_general3A_47, %add3A_51 : vector<2000x128xf32>
    %swap3A = arith.constant 0 : index
    %swap3A_53 = arith.constant 0 : index
    %swap3A_54 = vector.load %arg9[%swap3A, %swap3A_53] : memref<2000x128xf32, #tpu.memory_space<vmem>>, vector<2000x128xf32>
    tpu.vector_store %arg9[%swap3A, %swap3A_53], %add3A_52 {strides = array<i32>} : memref<2000x128xf32, #tpu.memory_space<vmem>>, vector<2000x128xf32>,
    return
  }
  func.func @transform_0(%arg0: i32) -> (i32, i32) {
    %c0_i32 = arith.constant 0 : i32
    %c0_i32_0 = arith.constant 0 : i32
    return %arg0, %c0_i32 : i32, i32
  }
  func.func @transform_1(%arg0: i32) -> (i32, i32, i32) {
    %c0_i32 = arith.constant 0 : i32
    %c0_i32_0 = arith.constant 0 : i32
    %c0_i32_1 = arith.constant 0 : i32
    return %c0_i32, %arg0, %c0_i32_0 : i32, i32, i32
  }
  func.func @transform_2(%arg0: i32) -> (i32, i32, i32) {
    %c0_i32 = arith.constant 0 : i32
    %c0_i32_0 = arith.constant 0 : i32
    %c0_i32_1 = arith.constant 0 : i32
    return %c0_i32, %arg0, %c0_i32_0 : i32, i32, i32
  }
  func.func @transform_3(%arg0: i32) -> (i32, i32) {
    %c0_i32 = arith.constant 0 : i32
    %c0_i32_0 = arith.constant 0 : i32
    %c0_i32_1 = arith.constant 0 : i32
    return %c0_i32, %c0_i32_0 : i32, i32
  }
  func.func @transform_4(%arg0: i32) -> i32 {
    %c0_i32 = arith.constant 0 : i32
    %c0_i32_0 = arith.constant 0 : i32
    return %c0_i32 : i32
  }
  func.func @transform_5(%arg0: i32) -> (i32, i32) {
    %c0_i32 = arith.constant 0 : i32
    %c0_i32_0 = arith.constant 0 : i32
    %c0_i32_1 = arith.constant 0 : i32
    return %c0_i32, %c0_i32_0 : i32, i32
  }
  func.func @transform_6(%arg0: i32) -> (i32, i32) {
    %c0_i32 = arith.constant 0 : i32
    %c0_i32_0 = arith.constant 0 : i32
    %c0_i32_1 = arith.constant 0 : i32
    return %c0_i32, %c0_i32_0 : i32, i32
  }
  func.func @transform_7(%arg0: i32) -> i32 {
    %c0_i32 = arith.constant 0 : i32
    %c0_i32_0 = arith.constant 0 : i32
    return %c0_i32 : i32
  }
  func.func @transform_8(%arg0: i32) -> (i32, i32) {
    %c0_i32 = arith.constant 0 : i32
    %c0_i32_0 = arith.constant 0 : i32
    return %arg0, %c0_i32 : i32, i32
  }
}

</mosaic_0001>

<sc_bundles>
// kernel: kernel.10.cloned.1.call-start
scs
__scs_entry_jumppad:
0x0: {  	(pc) =	sbr.rel $0x88, $3  }
0x1: {  	(tag) =	ssettag $0x0;
	lr =	simm.s32 $0x1  }
0x2: {  	[smem:$0x3F97] =	sst lr;
	_ =	strace $0xD0000000  }
0x3: {  	_ = 	snop  }
0x4: {  	_ = 	snop  }
0x5: {  	_ = 	snop  }
0x6: {  	_ = 	snop  }
0x7: {  	_ = 	snop  }
__scs_overlays_trampoline_lowered:
0x8: {  	[smem:$0x3FA6] =	sst s0  }
0x9: {  	[smem:$0x3FA7] =	sst s1  }
0xa: {  	[smem:$0x3FA8] =	sst s2  }
0xb: {  	[smem:$0x3FA9] =	sst s3  }
0xc: {  	[smem:$0x3FAA] =	sst s4  }
0xd: {  	[smem:$0x3FAB] =	sst s5  }
0xe: {  	[smem:$0x3FAC] =	sst s6  }
0xf: {  	[smem:$0x3FAD] =	sst s7  }
0x10: {  	[smem:$0x3FAE] =	sst s8  }
0x11: {  	[smem:$0x3FAF] =	sst s9;
	s0 =	simm.s32 @!p0 $0x0  }
0x12: {  	s1 =	sld [smem:$0x3F95];
	s0 =	simm.s32 @p0 $0x1  }
0x13: {  	[smem:$0x3FB0] =	sst s0;
	s0 =	simm.s32 @!p1 $0x0  }
0x14: {  	s2 =	sld [smem:$0x3F94];
	s0 =	simm.s32 @p1 $0x1  }
0x15: {  	[smem:$0x3FB1] =	sst s0;
	s0 =	simm.s32 @!p2 $0x0  }
0x16: {  	s3 =	sld [smem:$0x3FDB];
	s0 =	simm.s32 @p2 $0x1  }
0x17: {  	s4 =	simm.s32 $0x1BF5;
	[smem:$0x3FB3] =	sst s0  }
0x18: {  	s0 =	sld [smem:$0x3F96];
	_ =	swait.ge [sflag:s4], $0x0  }
0x19: {  	s7 =	sld [smem:$0x3F97]  }
0x1a: {  	s8 =	sadd.s32 $0xFFFFE003, lr  }
0x1b: {  	s9 =	sadd.s32 $0xFFFFFEF7, lr;
	s5 =	simm.s32 $0xFFFFFFFF;
	p2 =	slt.u32 s8, $0xFFFFF086  }
0x1c: {  	p1 =	slt.u32 s9, $0xF7A;
	s5 =	simm.s32 @!p2 $0x0  }
0x1d: {  	s5 =	simm.s32 @p1 $0x1;
	p0 =	seq.s32 s7, s2  }
0x1e: {  	s7 =	smul.u32 @!p0 $0xF7A, s2;
	p2 =	seq.s32 @!p0 s5, $0x0  }
0x1f: {  	s9 =	smul.u32 $0xF7A, s1;
	s8 =	simm.s32 @!p0 $0x1BF5;
	p2 =	por !p2, p0  }
0x20: {  	[sflag:s8] =	ssyncset.s32 @!p0 $0xFFFFF086;
	s6 =	sadd.s32 @!p0 s3, s7;
	s7 =	simm.s32 @!p0 $0x108  }
0x21: {  	s3 =	sadd.s32 s3, s9;
	s6 =	sadd.s32 @!p0 $0x88, s6;
	s7 =	simm.s32 @p2 $0x1082  }
0x22: {  	[simem:s7], [sflag:s8] =	dma.local @!p0 [hbm:s6], $0xF7A  }
0x23: {  	s9 =	sor.u32 $0xD0000000, s2;
	s6 =	simm.s32 $0x108;
	_ =	swait.ge @!p0 [sflag:s8], $0x0  }
0x24: {  	s3 =	sadd.s32 $0x88, s3;
	s6 =	simm.s32 @!p1 $0x1082;
	[sflag:s4] =	ssyncset.s32 $0xFFFFF086  }
0x25: {  	[simem:s6], [sflag:s4] =	dma.local [hbm:s3], $0xF7A  }
0x26: {  	[smem:$0x3F97] =	sst s1;
	(tag) =	ssettag s2;
	_ =	strace s9  }
0x27: {  	s1 =	sld [smem:$0x3FA7]  }
0x28: {  	s2 =	sld [smem:$0x3FA8]  }
0x29: {  	s4 =	sld [smem:$0x3FAA]  }
0x2a: {  	p0 =	seq.s32 s5, $0x0;
	s5 =	sld [smem:$0x3FAB]  }
0x2b: {  	s6 =	sld [smem:$0x3FAC]  }
0x2c: {  	s7 =	sld [smem:$0x3FAD]  }
0x2d: {  	s3 =	simm.s32 $0x108;
	s8 =	sld [smem:$0x3FAE]  }
0x2e: {  	s3 =	simm.s32 @!p0 $0x1082;
	s9 =	sld [smem:$0x3FAF]  }
0x2f: {  	lr =	sadd.s32 s0, s3;
	s0 =	sld [smem:$0x3FA6]  }
0x30: {  	s3 =	sld [smem:$0x3FA9]  }
0x31: {  	[smem:$0x3FB2] =	sst s10  }
0x32: {  	s10 =	sld [smem:$0x3FB0];
	_ =	sdelay $0x3  }
0x33: {  	p0 =	seq.s32 s10, $0x1;
	s10 =	sld [smem:$0x3FB2];
	_ =	sdelay $0x3  }
0x34: {  	[smem:$0x3FB2] =	sst s10  }
0x35: {  	s10 =	sld [smem:$0x3FB1];
	_ =	sdelay $0x3  }
0x36: {  	p1 =	seq.s32 s10, $0x1;
	s10 =	sld [smem:$0x3FB2];
	_ =	sdelay $0x3  }
0x37: {  	[smem:$0x3FB2] =	sst s10  }
0x38: {  	s10 =	sld [smem:$0x3FB3]  }
0x39: {  	_ = 	snop;
	(pc) =	sbr.ind lr, $3  }
0x3a: {  	_ = 	snop  }
0x3b: {  	_ = 	snop  }
0x3c: {  	p2 =	seq.s32 s10, $0x1;
	s10 =	sld [smem:$0x3FB2]  }
0x3d: {  	_ =	shalt  }
0x3e: {  	_ =	shalt  }
0x3f: {  	_ =	shalt  }
0x40: {  	_ =	shalt  }
0x41: {  	_ =	shalt  }
0x42: {  	_ =	shalt  }
0x43: {  	_ =	shalt  }
0x44: {  	_ =	shalt  }
0x45: {  	_ =	shalt  }
0x46: {  	_ =	shalt  }
0x47: {  	_ =	shalt  }
0x48: {  	_ =	shalt  }
0x49: {  	_ =	shalt  }
0x4a: {  	_ =	shalt  }
0x4b: {  	_ =	shalt  }
0x4c: {  	_ =	shalt  }
0x4d: {  	_ =	shalt  }
0x4e: {  	_ =	shalt  }
0x4f: {  	_ =	shalt  }
0x50: {  	_ =	shalt  }
0x51: {  	_ =	shalt  }
0x52: {  	_ =	shalt  }
0x53: {  	_ =	shalt  }
0x54: {  	_ =	shalt  }
0x55: {  	_ =	shalt  }
0x56: {  	_ =	shalt  }
0x57: {  	_ =	shalt  }
0x58: {  	_ =	shalt  }
0x59: {  	_ =	shalt  }
0x5a: {  	_ =	shalt  }
0x5b: {  	_ =	shalt  }
0x5c: {  	_ =	shalt  }
0x5d: {  	_ =	shalt  }
0x5e: {  	_ =	shalt  }
0x5f: {  	_ =	shalt  }
0x60: {  	_ =	shalt  }
0x61: {  	_ =	shalt  }
0x62: {  	_ =	shalt  }
0x63: {  	_ =	shalt  }
0x64: {  	_ =	shalt  }
0x65: {  	_ =	shalt  }
0x66: {  	_ =	shalt  }
0x67: {  	_ =	shalt  }
0x68: {  	_ =	shalt  }
0x69: {  	_ =	shalt  }
0x6a: {  	_ =	shalt  }
0x6b: {  	_ =	shalt  }
0x6c: {  	_ =	shalt  }
0x6d: {  	_ =	shalt  }
0x6e: {  	_ =	shalt  }
0x6f: {  	_ =	shalt  }
0x70: {  	_ =	shalt  }
0x71: {  	_ =	shalt  }
0x72: {  	_ =	shalt  }
0x73: {  	_ =	shalt  }
0x74: {  	_ =	shalt  }
0x75: {  	_ =	shalt  }
0x76: {  	_ =	shalt  }
0x77: {  	_ =	shalt  }
0x78: {  	_ =	shalt  }
0x79: {  	_ =	shalt  }
0x7a: {  	_ =	shalt  }
0x7b: {  	_ =	shalt  }
0x7c: {  	_ =	shalt  }
0x7d: {  	_ =	shalt  }
0x7e: {  	_ =	shalt  }
0x7f: {  	_ =	shalt  }
0x80: {  	_ =	shalt  }
0x81: {  	_ =	shalt  }
0x82: {  	_ =	shalt  }
0x83: {  	_ =	shalt  }
0x84: {  	_ =	shalt  }
0x85: {  	_ =	shalt  }
0x86: {  	_ =	shalt  }
0x87: {  	_ =	shalt  }
.Lfunc_end0:
.L_simem_size_0:
called_computation.1_lowered:
.L_overlay_start_0:
0x88: {  	s2 =	sld [smem:$0x3FD9]  }
0x89: {  	s3 =	sld [smem:$0x3FFE];
	_ =	sdelay $0x1  }
0x8a: {  	s1 =	srdreg.scid  }
0x8b: {  	s0 =	sand.u32 $0x1, s1  }
0x8c: {  	s17 =	sshll.u32 s0, $0xA;
	s2 =	sadd.s32 s3, s2  }
0x8d: {  	s2 =	sadd.s32 s2, s17  }
0x8e: {  	[smem:$0x3FBE] =	sst s2  }
0x8f: {  	_ = 	snop  }
0x90: {  	s18 =	sld [smem:$0x3FC9];
	(tm) =	ssettm $0x1  }
0x91: {  	s19 =	sld [smem:$0x3FFB];
	_ =	sdelay $0x3  }
0x92: {  	_ =	strace s19  }
0x93: {  	s2 =	sld [smem:$0x3FFC];
	_ =	sdelay $0x3  }
0x94: {  	_ =	strace s2  }
0x95: {  	s2 =	sld [smem:$0x3FFD];
	_ =	sdelay $0x3  }
0x96: {  	_ =	strace s2  }
0x97: {  	_ =	strace $0x8FFFFFFF  }
0x98: {  	s20 =	sld [smem:$0x3FDB];
	_ =	sdelay $0x1  }
0x99: {  	s4 =	simm.s32 $_scs_section_size  }
0x9a: {  	s5 =	simm.s32 $_size__tile_overlayer_lowered;
	s6 =	simm.s32 $_tile_overlayer_lowered  }
0x9b: {  	s7 =	simm.s32 $0x1BFF;
	s21 =	sshll.u32 s6, $0x1;
	s4 =	sadd.s32 s4, s20  }
0x9c: {  	s22 =	simm.s32 $0x0;
	s5 =	sshll.u32 s5, $0x1;
	s6 =	sadd.s32 s21, s4  }
0x9d: {  	[timem:s22], [sflag:s7] =	dma.local [hbm:s6], s5  }
0x9e: {  	_ =	swait.ge [sflag:s7], s5  }
0x9f: {  	s5 =	ssub.s32 $0x0, s5;
	[sflag:s7] =	ssyncset.done $0x0  }
0xa0: {  	[sflag:s7] =	ssyncadd.s32 s5;
	_ =	sdelay $0x1  }
0xa1: {  	s23 =	simm.s32 $0x1B8B  }
0xa2: {  	_ =	swait.ge [sflag:s23], $0x1  }
0xa3: {  	[sflag:s23] =	ssyncset.done $0x0  }
0xa4: {  	[sflag:s23] =	ssyncadd.s32 $0xFFFFFFFF  }
0xa5: {  	s5 =	sld [smem:$0x0]  }
0xa6: {  	s6 =	sand.u32 $0xFFFFFFFE, s1  }
0xa7: {  	p0 =	sne.s32 s1, s6  }
0xa8: {  	s6 =	sshll.u32 @p0 s6, $0xE  }
0xa9: {  	s6 =	sadd.s32 @p0 $0x11B8D, s6;
	s7 =	sshll.u32 @p0 s5, $0x11  }
0xaa: {  	s6 =	sor.u32 @p0 s7, s6  }
0xab: {  	[sflag:s6] =	ssyncadd.remote.s32 @p0 $0x1;
	_ =	sdelay $0x1  }
0xac: {  	s6 =	simm.s32 @p0 $0x1B8D  }
0xad: {  	_ =	swait.eq @p0 [sflag:s6], $0x1  }
0xae: {  	[sflag:s6] =	ssyncadd.s32 @p0 $0xFFFFFFFF  }
0xaf: {  	s7 =	sshll.u32 @!p0 s1, $0xE  }
0xb0: {  	s7 =	sor.u32 @!p0 $0x4000, s7;
	s6 =	simm.s32 @!p0 $0x1B8D  }
0xb1: {  	s5 =	sshll.u32 @!p0 s5, $0x11;
	s7 =	sadd.s32 @!p0 $0x11B8D, s7;
	_ =	swait.eq @!p0 [sflag:s6], $0x1  }
0xb2: {  	s5 =	sor.u32 @!p0 s5, s7;
	[sflag:s6] =	ssyncadd.s32 @!p0 $0xFFFFFFFF  }
0xb3: {  	s25 =	simm.s32 $0x1B8E;
	s24 =	sld [smem:$0x3FFE];
	[sflag:s5] =	ssyncadd.remote.s32 @!p0 $0x1  }
0xb4: {  	s26 =	simm.s32 $execute0_lowered;
	[smem:$0x3FD2] =	sst s25  }
0xb5: {  	s6 =	sshll.u32 s26, $0x1;
	_ =	strace $0x80000049;
	[dreg:$0x1] =	wrdreg $0xFFFFFFFF  }
0xb6: {  	s28 =	simm.s32 $_size_execute0_lowered;
	s4 =	sadd.s32 s4, s6;
	[dreg:$0x0] =	wrdreg $0x0  }
0xb7: {  	s6 =	sshll.u32 s28, $0x1;
	[dreg:$0x2] =	wrdreg s4  }
0xb8: {  	[dreg:$0x3] =	wrdreg s6  }
0xb9: {  	[dreg:$0x4] =	wrdreg $0xC0  }
0xba: {  	_ =	task [dreg:s22], $0x5FFFF  }
0xbb: {  	[dreg:$0x1] =	wrdreg $0xFFFFFFFF  }
0xbc: {  	[dreg:$0x0] =	wrdreg $0x60  }
0xbd: {  	[dreg:$0x2] =	wrdreg s18  }
0xbe: {  	[dreg:$0x3] =	wrdreg s24  }
0xbf: {  	[dreg:$0x4] =	wrdreg $0x84000  }
0xc0: {  	[dreg:$0x5] =	wrdreg $0xA  }
0xc1: {  	_ =	task.clear_ibuf [dreg:s22], $0x6FFFF;
	_ =	strace $0x90000049  }
0xc2: {  	s29 =	simm.s32 $0xA;
	_ =	strace $0x8000004B  }
0xc3: {  	_ =	swait.ge [sflag:s29], $0x1  }
0xc4: {  	[sflag:s29] =	ssyncadd.s32 $0xFFFFFFFF  }
0xc5: {  	_ =	strace $0x9000004B  }
0xc6: {  	_ =	sfence  }
0xc7: {  	s30 =	sld [smem:$0x0];
	_ =	sdelay $0x2  }
0xc8: {  	s31 =	sshll.u32 s1, $0xD;
	s1 =	sshrl.u32 s1, $0x2  }
0xc9: {  	s4 =	sand.u32 $0x4000, s31;
	s1 =	sadd.s32 s1, s30  }
0xca: {  	s0 =	sor.u32 s4, s0;
	s1 =	sshll.u32 s1, $0x11  }
0xcb: {  	s0 =	sor.u32 s1, s0  }
0xcc: {  	s0 =	sadd.s32 $0x8F2B, s0  }
0xcd: {  	[sflag:s0] =	ssyncadd.remote.s32 $0x1  }
0xce: {  	_ =	sfence.sel $0xFFFF  }
0xcf: {  	[dreg:$0x0] =	wrdreg $0xFFFFFFFF;
	(pc) =	sbr.abs _section_cstart, $3  }
0xd0: {  	[dreg:$0x1] =	wrdreg $0xFFFFFFFF  }
0xd1: {  	_ =	task.clear_ibuf [dreg:s22], $0x2FFFF;
	_ =	strace $0x9FFFFFFF  }
0xd2: {  	(tm) =	ssettm $0x7FFFFFFF  }
0xd3: {  	_ =	shalt  }
tec
execute0_lowered:
.L_overlay_start_1:
0x0: {  	(tag) =	ssettag $0x1  }
0x1: {  	s0 =	rddreg [dreg:$0x0]  }
0x2: {  	s1 =	rddreg [dreg:$0x1];
	s2 =	srdreg.scid  }
0x3: {  	s3 =	rddreg [dreg:$0x2];
	s10 =	stileid.u32;
	s4 =	simm.s32 $0x0  }
0x4: {  	s28 =	simm.s32 $0x300;
	s29 =	simm.s32 $0x2;
	s30 =	simm.s32 $0x1  }
0x5: {  	s31 =	simm.s32 $0x180;
	s2 =	sand.u32 $0x1, s2;
	s7 =	smul.u32 $0x14000, s10  }
0x6: {  	[smem:$0x7FF] =	sst s4;
	s5 =	sadd.s32 $0x2E00, s1;
	s8 =	smul.u32 $0x50000, s10  }
0x7: {  	s14 =	sshll.u32 s10, $0x1;
	s6 =	smul.u32 $0x140000, s2;
	s15 =	ssub.s32 $0x2, s2  }
0x8: {  	s16 =	smul.u32 $0xA800, s10;
	_ =	strace $0x8000004A;
	s9 =	sshrl.u32 s15, $0x1  }
0x9: {  	s8 =	sshrl.u32 s8, $0x2;
	s6 =	sadd.s32 s7, s6;
	s7 =	sor.u32 s2, s14  }
0xa: {  	s9 =	ssub.s32 s15, s9;
	s2 =	smul.u32 $0x5400, s2;
	s6 =	sshrl.u32 s6, $0x3  }
0xb: {  	s7 =	smul.u32 $0x5400, s7;
	s1 =	sadd.s32 s6, s1;
	s6 =	sadd.s32 s8, s3  }
0xc: {  	s15 =	smax.u32 s9, $0x1;
	s2 =	sadd.s32 s2, s16;
	s17 =	sadd.s32 $0x4000, s6  }
0xd: {  	s7 =	sshrl.u32 s7, $0x3;
	s18 =	sadd.s32 $0x8000, s6;
	s19 =	sadd.s32 $0xC000, s6  }
0xe: {  	s20 =	sadd.s32 $0x10000, s6;
	s14 =	sadd.s32 $0x17E00, s1;
	[dreg:$0x4] =	wrdreg s17  }
0xf: {  	s22 =	sadd.s32 $0x600, s2;
	s23 =	sadd.s32 $0x500, s2;
	[dreg:$0x5] =	wrdreg s18  }
0x10: {  	s25 =	sor.u32 $0x300, s2;
	[dreg:$0x6] =	wrdreg s19;
	s10 =	sadd.s32 s5, s7  }
0x11: {  	[dreg:$0x7] =	wrdreg s20;
	s1 =	sshrl.u32 s22, $0x3;
	s24 =	sshrl.u32 s23, $0x3  }
0x12: {  	s18 =	sadd.s32 $0x400, s2;
	s26 =	sshrl.u32 s25, $0x3;
	s20 =	simm.s32 $0x4400  }
0x13: {  	s22 =	simm.s32 $0x80;
	s23 =	simm.s32 $0x400;
	s25 =	simm.s32 $0x200  }
0x14: {  	s2 =	simm.s32 $0x380;
	s7 =	simm.s32 $0x0;
	s21 =	sadd.s32 $0x20, s10  }
0x15: {  	s13 =	sadd.s32 $0x40, s10;
	s16 =	sadd.s32 s1, s5;
	s17 =	sadd.s32 s24, s5  }
0x16: {  	s19 =	sadd.s32 s26, s5;
	s24 =	simm.s32 $0x100;
	s26 =	simm.s32 $0x3  }
0x17: {  	v0 =	vimm.f32 $0.0e+00;
	s1 =	simm.s32 $0x280;
	[dreg:$0x8] =	wrdreg s21;
	s21 =	simm.s32 $0x4  }
.LBB2_1:
0x18: {  	s8 =	simm.s32 $0x0;
	s9 =	simm.s32 $0x200  }
.LBB2_2:
0x19: {  	p0 =	sne.s32 s9, $0xFE00;
	[tilespmem:s8+$0x4470] =	vst v0  }
0x1a: {  	[tilespmem:s8+$0x4400] =	vst v0  }
0x1b: {  	[tilespmem:s8+$0x4410] =	vst v0  }
.Ltmp0:
0x1c: {  	[tilespmem:s8+$0x4420] =	vst v0;
	(pc) =	sbr.rel @p0 .LBB2_2-.Ltmp0, $4  }
0x1d: {  	[tilespmem:s8+$0x4430] =	vst v0  }
0x1e: {  	[tilespmem:s8+$0x4440] =	vst v0  }
0x1f: {  	[tilespmem:s8+$0x4450] =	vst v0  }
0x20: {  	[tilespmem:s8+$0x4460] =	vst v0;
	s8 =	sshra.s32 s9, $0x2;
	s9 =	sadd.s32 $0x200, s9  }
0x21: {  	[tilespmem:s8+$0x4470] =	vst v0  }
0x22: {  	[tilespmem:s8+$0x4400] =	vst v0  }
0x23: {  	[tilespmem:s8+$0x4410] =	vst v0  }
0x24: {  	[tilespmem:s8+$0x4420] =	vst v0  }
0x25: {  	[tilespmem:s8+$0x4430] =	vst v0  }
0x26: {  	[tilespmem:s8+$0x4440] =	vst v0  }
0x27: {  	[tilespmem:s8+$0x4450] =	vst v0  }
0x28: {  	[tilespmem:s8+$0x4460] =	vst v0  }
0x29: {  	[spmem:s6] =	stream.linear.scatter [tilespmem:s20], [sflag:$0x4], $0x4000, $0x38;
	[tilespmem:$0x1C400] =	vst v63  }
0x2a: {  	_ =	swait.ge [sflag:s21], $0x4000  }
0x2b: {  	[sflag:s21] =	ssyncset.done $0x0  }
0x2c: {  	s9 =	rddreg [dreg:$0x4];
	[sflag:s21] =	ssyncadd.s32 $0xFFFFC000  }
0x2d: {  	[spmem:s9] =	stream.linear.scatter [tilespmem:s20], [sflag:$0x4], $0x4000, $0x38;
	[tilespmem:$0x1C400] =	vst v63  }
0x2e: {  	_ =	swait.ge [sflag:s21], $0x4000  }
0x2f: {  	[sflag:s21] =	ssyncset.done $0x0  }
0x30: {  	s11 =	rddreg [dreg:$0x5];
	[sflag:s21] =	ssyncadd.s32 $0xFFFFC000  }
0x31: {  	[spmem:s11] =	stream.linear.scatter [tilespmem:s20], [sflag:$0x4], $0x4000, $0x38;
	[tilespmem:$0x1C400] =	vst v63  }
0x32: {  	_ =	swait.ge [sflag:s21], $0x4000  }
0x33: {  	[sflag:s21] =	ssyncset.done $0x0  }
0x34: {  	s12 =	rddreg [dreg:$0x6];
	[sflag:s21] =	ssyncadd.s32 $0xFFFFC000  }
0x35: {  	[spmem:s12] =	stream.linear.scatter [tilespmem:s20], [sflag:$0x4], $0x4000, $0x38;
	[tilespmem:$0x1C400] =	vst v63  }
0x36: {  	_ =	swait.ge [sflag:s21], $0x4000  }
0x37: {  	[sflag:s21] =	ssyncset.done $0x0  }
0x38: {  	s9 =	rddreg [dreg:$0x7];
	[sflag:s21] =	ssyncadd.s32 $0xFFFFC000  }
0x39: {  	[spmem:s9] =	stream.linear.scatter [tilespmem:s20], [sflag:$0x4], $0x4000, $0x38;
	[tilespmem:$0x1C400] =	vst v63  }
0x3a: {  	_ =	swait.ge [sflag:s21], $0x4000  }
0x3b: {  	[sflag:s21] =	ssyncset.done $0x0  }
0x3c: {  	[sflag:s21] =	ssyncadd.s32 $0xFFFFC000  }
0x3d: {  	s11 =	simm.s32 $0x0;
	[bflag:$0x0] =	sbarrier.arrive $0xFFFF  }
0x3e: {  	[tilespmem:s11], [sflag:$0x4] =	stream.linear.gather [hbm4b:s10+s11], $0x100, $0x38;
	[tilespmem:$0x1C400] =	vst v63  }
0x3f: {  	_ =	swait.ge [sflag:s21], $0x100  }
0x40: {  	[sflag:s21] =	ssyncset.done $0x0  }
0x41: {  	[sflag:s21] =	ssyncadd.s32 $0xFFFFFF00  }
0x42: {  	[tilespmem:s23], [sflag:$0x2] =	stream.indirect.gather [hbm4b:s0+s22], $0x80, s11, s22, $0xb8;
	[tilespmem:$0x1C400] =	vst v63  }
0x43: {  	s9 =	rddreg [dreg:$0x8]  }
0x44: {  	[tilespmem:s24], [sflag:$0x4] =	stream.linear.gather [hbm4b:s9+s11], $0x100, $0x38;
	[tilespmem:$0x1C400] =	vst v63  }
0x45: {  	_ =	swait.ge [sflag:s21], $0x100  }
0x46: {  	[sflag:s21] =	ssyncset.done $0x0  }
0x47: {  	[sflag:s21] =	ssyncadd.s32 $0xFFFFFF00  }
0x48: {  	[tilespmem:s25], [sflag:$0x1] =	stream.linear.gather [hbm4b:s13+s11], $0x100, $0x38;
	[tilespmem:$0x1C400] =	vst v63  }
0x49: {  	_ = 	snop  }
0x4a: {  	[spmem:s3] =	stream.indirect.scatter.add.f32 [tilespmem:s20], [sflag:$0x3], $0x80, s22, s22, $0xb8;
	[tilespmem:$0x1C400] =	vst v63  }
0x4b: {  	_ =	swait.ge [sflag:s26], $0x4000  }
0x4c: {  	[sflag:s26] =	ssyncset.done $0x0  }
0x4d: {  	[sflag:s26] =	ssyncadd.s32 $0xFFFFC000  }
0x4e: {  	[tilespmem:s20], [sflag:$0x2] =	stream.indirect.gather [hbm4b:s0+s22], $0x80, s24, s22, $0xb8;
	[tilespmem:$0x1C400] =	vst v63  }
0x4f: {  	s12 =	sadd.s32 $0x0, s19  }
0x50: {  	[tilespmem:s28], [sflag:$0x1] =	stream.linear.gather [hbm4b:s12+s4], $0x100, $0x38;
	[tilespmem:$0x1C400] =	vst v63  }
0x51: {  	_ =	swait.ge [sflag:s29], $0x4000  }
0x52: {  	[sflag:s29] =	ssyncset.done $0x0  }
0x53: {  	[sflag:s29] =	ssyncadd.s32 $0xFFFFC000  }
0x54: {  	_ =	swait.ge [sflag:s30], $0x100  }
0x55: {  	[sflag:s30] =	ssyncset.done $0x0  }
0x56: {  	[sflag:s30] =	ssyncadd.s32 $0xFFFFFF00  }
0x57: {  	[spmem:s3] =	stream.indirect.scatter.add.f32 [tilespmem:s23], [sflag:$0x3], $0x80, s22, s22, $0xb8;
	[tilespmem:$0x1C400] =	vst v63  }
0x58: {  	_ =	swait.ge [sflag:s26], $0x4000  }
0x59: {  	[sflag:s26] =	ssyncset.done $0x0  }
0x5a: {  	s9 =	sshrl.u32 s18, $0x3;
	[sflag:s26] =	ssyncadd.s32 $0xFFFFC000  }
0x5b: {  	[tilespmem:s23], [sflag:$0x2] =	stream.indirect.gather [hbm4b:s0+s22], $0x80, s25, s22, $0xb8;
	[tilespmem:$0x1C400] =	vst v63  }
0x5c: {  	s8 =	sadd.s32 s5, s9  }
0x5d: {  	[tilespmem:s4], [sflag:$0x1] =	stream.linear.gather [hbm4b:s8+s4], $0x100, $0x38;
	[tilespmem:$0x1C400] =	vst v63  }
0x5e: {  	_ =	swait.ge [sflag:s29], $0x4000  }
0x5f: {  	[sflag:s29] =	ssyncset.done $0x0  }
0x60: {  	[sflag:s29] =	ssyncadd.s32 $0xFFFFC000  }
0x61: {  	_ =	swait.ge [sflag:s30], $0x100  }
0x62: {  	[sflag:s30] =	ssyncset.done $0x0  }
0x63: {  	[sflag:s30] =	ssyncadd.s32 $0xFFFFFF00  }
0x64: {  	[spmem:s3] =	stream.indirect.scatter.add.f32 [tilespmem:s20], [sflag:$0x3], $0x80, s31, s22, $0xb8;
	[tilespmem:$0x1C400] =	vst v63  }
0x65: {  	_ =	swait.ge [sflag:s26], $0x4000  }
0x66: {  	[sflag:s26] =	ssyncset.done $0x0  }
0x67: {  	[sflag:s26] =	ssyncadd.s32 $0xFFFFC000  }
0x68: {  	[tilespmem:s20], [sflag:$0x2] =	stream.indirect.gather [hbm4b:s0+s22], $0x80, s28, s22, $0xb8;
	[tilespmem:$0x1C400] =	vst v63  }
0x69: {  	s11 =	sadd.s32 $0x0, s17  }
0x6a: {  	[tilespmem:s24], [sflag:$0x1] =	stream.linear.gather [hbm4b:s11+s4], $0x100, $0x38;
	[tilespmem:$0x1C400] =	vst v63  }
0x6b: {  	_ =	swait.ge [sflag:s29], $0x4000  }
0x6c: {  	[sflag:s29] =	ssyncset.done $0x0  }
0x6d: {  	[sflag:s29] =	ssyncadd.s32 $0xFFFFC000  }
0x6e: {  	_ =	swait.ge [sflag:s30], $0x100  }
0x6f: {  	[sflag:s30] =	ssyncset.done $0x0  }
0x70: {  	[sflag:s30] =	ssyncadd.s32 $0xFFFFFF00  }
0x71: {  	[spmem:s3] =	stream.indirect.scatter.add.f32 [tilespmem:s23], [sflag:$0x3], $0x80, s1, s22, $0xb8;
	[tilespmem:$0x1C400] =	vst v63  }
0x72: {  	_ =	swait.ge [sflag:s26], $0x4000  }
0x73: {  	[sflag:s26] =	ssyncset.done $0x0  }
0x74: {  	[sflag:s26] =	ssyncadd.s32 $0xFFFFC000  }
0x75: {  	[tilespmem:s23], [sflag:$0x2] =	stream.indirect.gather [hbm4b:s0+s22], $0x80, s4, s22, $0xb8;
	[tilespmem:$0x1C400] =	vst v63  }
0x76: {  	s12 =	sadd.s32 $0x0, s16  }
0x77: {  	[tilespmem:s25], [sflag:$0x1] =	stream.linear.gather [hbm4b:s12+s4], $0x100, $0x38;
	[tilespmem:$0x1C400] =	vst v63  }
0x78: {  	_ =	swait.ge [sflag:s29], $0x4000  }
0x79: {  	[sflag:s29] =	ssyncset.done $0x0  }
0x7a: {  	[sflag:s29] =	ssyncadd.s32 $0xFFFFC000  }
0x7b: {  	_ =	swait.ge [sflag:s30], $0x100  }
0x7c: {  	[sflag:s30] =	ssyncset.done $0x0  }
0x7d: {  	s9 =	sadd.s32 $0x400, s18;
	s8 =	simm.s32 $0x80;
	[sflag:s30] =	ssyncadd.s32 $0xFFFFFF00  }
.LBB2_4:
0x7e: {  	[spmem:s3] =	stream.indirect.scatter.add.f32 [tilespmem:s20], [sflag:$0x3], $0x80, s2, s22, $0xb8;
	[tilespmem:$0x1C400] =	vst v63  }
0x7f: {  	s11 =	smov.u32 s8  }
0x80: {  	p0 =	sne.s32 s8, $0x980;
	s8 =	sadd.s32 $0x80, s8;
	_ =	swait.ge [sflag:s26], $0x4000  }
0x81: {  	[sflag:s26] =	ssyncset.done $0x0  }
0x82: {  	[sflag:s26] =	ssyncadd.s32 $0xFFFFC000  }
0x83: {  	[tilespmem:s20], [sflag:$0x2] =	stream.indirect.gather [hbm4b:s0+s22], $0x80, s24, s22, $0xb8;
	[tilespmem:$0x1C400] =	vst v63  }
0x84: {  	s12 =	sadd.s32 s11, s19  }
0x85: {  	[tilespmem:s28], [sflag:$0x1] =	stream.linear.gather [hbm4b:s12+s4], $0x100, $0x38;
	[tilespmem:$0x1C400] =	vst v63  }
0x86: {  	_ =	swait.ge [sflag:s29], $0x4000  }
0x87: {  	[sflag:s29] =	ssyncset.done $0x0  }
0x88: {  	[sflag:s29] =	ssyncadd.s32 $0xFFFFC000  }
0x89: {  	_ =	swait.ge [sflag:s30], $0x100  }
0x8a: {  	[sflag:s30] =	ssyncset.done $0x0  }
0x8b: {  	[sflag:s30] =	ssyncadd.s32 $0xFFFFFF00  }
0x8c: {  	[spmem:s3] =	stream.indirect.scatter.add.f32 [tilespmem:s23], [sflag:$0x3], $0x80, s22, s22, $0xb8;
	[tilespmem:$0x1C400] =	vst v63  }
0x8d: {  	_ =	swait.ge [sflag:s26], $0x4000  }
0x8e: {  	[sflag:s26] =	ssyncset.done $0x0  }
0x8f: {  	s12 =	sshrl.u32 s9, $0x3;
	[sflag:s26] =	ssyncadd.s32 $0xFFFFC000  }
0x90: {  	[tilespmem:s23], [sflag:$0x2] =	stream.indirect.gather [hbm4b:s0+s22], $0x80, s25, s22, $0xb8;
	[tilespmem:$0x1C400] =	vst v63  }
0x91: {  	s12 =	sadd.s32 s5, s12  }
0x92: {  	[tilespmem:s4], [sflag:$0x1] =	stream.linear.gather [hbm4b:s12+s4], $0x100, $0x38;
	[tilespmem:$0x1C400] =	vst v63  }
0x93: {  	_ =	swait.ge [sflag:s29], $0x4000  }
0x94: {  	[sflag:s29] =	ssyncset.done $0x0  }
0x95: {  	[sflag:s29] =	ssyncadd.s32 $0xFFFFC000  }
0x96: {  	_ =	swait.ge [sflag:s30], $0x100  }
0x97: {  	[sflag:s30] =	ssyncset.done $0x0  }
0x98: {  	[sflag:s30] =	ssyncadd.s32 $0xFFFFFF00  }
0x99: {  	[spmem:s3] =	stream.indirect.scatter.add.f32 [tilespmem:s20], [sflag:$0x3], $0x80, s31, s22, $0xb8;
	[tilespmem:$0x1C400] =	vst v63  }
0x9a: {  	_ =	swait.ge [sflag:s26], $0x4000  }
0x9b: {  	[sflag:s26] =	ssyncset.done $0x0  }
0x9c: {  	[sflag:s26] =	ssyncadd.s32 $0xFFFFC000  }
0x9d: {  	[tilespmem:s20], [sflag:$0x2] =	stream.indirect.gather [hbm4b:s0+s22], $0x80, s28, s22, $0xb8;
	[tilespmem:$0x1C400] =	vst v63  }
0x9e: {  	s12 =	sadd.s32 s11, s17  }
0x9f: {  	[tilespmem:s24], [sflag:$0x1] =	stream.linear.gather [hbm4b:s12+s4], $0x100, $0x38;
	[tilespmem:$0x1C400] =	vst v63  }
0xa0: {  	_ =	swait.ge [sflag:s29], $0x4000  }
0xa1: {  	[sflag:s29] =	ssyncset.done $0x0  }
0xa2: {  	[sflag:s29] =	ssyncadd.s32 $0xFFFFC000  }
0xa3: {  	_ =	swait.ge [sflag:s30], $0x100  }
0xa4: {  	[sflag:s30] =	ssyncset.done $0x0  }
0xa5: {  	[sflag:s30] =	ssyncadd.s32 $0xFFFFFF00  }
0xa6: {  	[spmem:s3] =	stream.indirect.scatter.add.f32 [tilespmem:s23], [sflag:$0x3], $0x80, s1, s22, $0xb8;
	[tilespmem:$0x1C400] =	vst v63  }
0xa7: {  	_ =	swait.ge [sflag:s26], $0x4000  }
0xa8: {  	[sflag:s26] =	ssyncset.done $0x0  }
0xa9: {  	[sflag:s26] =	ssyncadd.s32 $0xFFFFC000  }
0xaa: {  	[tilespmem:s23], [sflag:$0x2] =	stream.indirect.gather [hbm4b:s0+s22], $0x80, s4, s22, $0xb8;
	[tilespmem:$0x1C400] =	vst v63  }
0xab: {  	s11 =	sadd.s32 s11, s16  }
0xac: {  	[tilespmem:s25], [sflag:$0x1] =	stream.linear.gather [hbm4b:s11+s4], $0x100, $0x38;
	[tilespmem:$0x1C400] =	vst v63  }
0xad: {  	_ =	swait.ge [sflag:s29], $0x4000  }
.Ltmp1:
0xae: {  	[sflag:s29] =	ssyncset.done $0x0;
	(pc) =	sbr.rel @p0 .LBB2_4-.Ltmp1, $4  }
0xaf: {  	[sflag:s29] =	ssyncadd.s32 $0xFFFFC000  }
0xb0: {  	_ =	swait.ge [sflag:s30], $0x100  }
0xb1: {  	[sflag:s30] =	ssyncset.done $0x0  }
0xb2: {  	s9 =	sadd.s32 $0x400, s9;
	[sflag:s30] =	ssyncadd.s32 $0xFFFFFF00  }
0xb3: {  	[spmem:s3] =	stream.indirect.scatter.add.f32 [tilespmem:s20], [sflag:$0x3], $0x80, s2, s22, $0xb8;
	[tilespmem:$0x1C400] =	vst v63  }
0xb4: {  	_ =	swait.ge [sflag:s29], $0x4000  }
0xb5: {  	[sflag:s29] =	ssyncset.done $0x0  }
0xb6: {  	[sflag:s29] =	ssyncadd.s32 $0xFFFFC000  }
0xb7: {  	_ =	swait.ge [sflag:s30], $0x100  }
0xb8: {  	[sflag:s30] =	ssyncset.done $0x0  }
0xb9: {  	[sflag:s30] =	ssyncadd.s32 $0xFFFFFF00  }
0xba: {  	s8 =	stileid.u32;
	_ =	swait.ge [sflag:s26], $0x4000  }
0xbb: {  	s9 =	sshrl.u32 s6, $0x3;
	s7 =	sadd.s32 $0x1, s7;
	[sflag:s26] =	ssyncset.done $0x0  }
0xbc: {  	s8 =	sshll.u32 s8, $0x6;
	p0 =	sne.s32 s7, s15;
	[sflag:s26] =	ssyncadd.s32 $0xFFFFC000  }
.Ltmp2:
0xbd: {  	s8 =	sor.u32 $0x1C04, s8;
	[bflag:$0x0] =	sbarrier.arrive $0xFFFF;
	(pc) =	sbr.rel @p0 .LBB2_1-.Ltmp2, $4  }
0xbe: {  	[hbm:s14], [sflag:s8] =	dma.local [spmem:s9], $0x2800  }
0xbf: {  	_ =	swait.ge [sflag:s21], $0x2800  }
0xc0: {  	[sflag:s21] =	ssyncset.done $0x0  }
0xc1: {  	[sflag:s21] =	ssyncadd.s32 $0xFFFFD800  }
0xc2: {  	_ =	sfence.sel $0x180000  }
0xc3: {  	[bflag:$0x0] =	sbarrier.arrive $0xFFFF  }
0xc4: {  	_ =	strace $0x9000004A  }
0xc5: {  	s0 =	stileid.u32;
	[bflag:$0x2] =	sbarrier.arrive $0xFFFF  }
0xc6: {  	p0 =	sne.s32 s0, $0x0;
	s0 =	rddreg [dreg:$0x3]  }
0xc7: {  	s0 =	sadd.s32 @!p0 $0x100000, s0  }
0xc8: {  	[sflag:s0] =	ssyncadd.tile.s32 @!p0 $0x1;
	_ =	shalt  }
.Lfunc_end2:
_tile_overlayer_lowered:
.L_overlay_start_2:
0xc9: {  	(tag) =	ssettag $0x2  }
0xca: {  	s0 =	rddreg [dreg:$0x0];
	s2 =	stileid.u32  }
0xcb: {  	s1 =	rddreg [dreg:$0x1];
	p0 =	sne.s32 s2, $0x0  }
0xcc: {  	s3 =	rddreg [dreg:$0x2];
	[bflag:$0x3] =	sbarrier.arrive $0xFFFF;
	s2 =	simm.s32 @!p0 $0x1C04  }
0xcd: {  	[timem:s3], [sflag:s2] =	dma.local @!p0 [hbm:s0], s1  }
0xce: {  	s0 =	simm.s32 @!p0 $0x4  }
0xcf: {  	_ =	swait.ge @!p0 [sflag:s0], s1  }
0xd0: {  	s1 =	ssub.s32 @!p0 $0x0, s1;
	[sflag:s0] =	ssyncset.done @!p0 $0x0  }
0xd1: {  	[sflag:s0] =	ssyncadd.s32 @!p0 s1  }
0xd2: {  	[bflag:$0x3] =	sbarrier.arrive $0xFFFF  }
0xd3: {  	_ =	shalt  }

// kernel: kernel.13.cloned.1.call-start
scs
__scs_entry_jumppad:
0x0: {  	(pc) =	sbr.rel $0x88, $3  }
0x1: {  	(tag) =	ssettag $0x0;
	lr =	simm.s32 $0x1  }
0x2: {  	[smem:$0x3F97] =	sst lr;
	_ =	strace $0xD0000000  }
0x3: {  	_ = 	snop  }
0x4: {  	_ = 	snop  }
0x5: {  	_ = 	snop  }
0x6: {  	_ = 	snop  }
0x7: {  	_ = 	snop  }
__scs_overlays_trampoline_lowered:
0x8: {  	[smem:$0x3FA6] =	sst s0  }
0x9: {  	[smem:$0x3FA7] =	sst s1  }
0xa: {  	[smem:$0x3FA8] =	sst s2  }
0xb: {  	[smem:$0x3FA9] =	sst s3  }
0xc: {  	[smem:$0x3FAA] =	sst s4  }
0xd: {  	[smem:$0x3FAB] =	sst s5  }
0xe: {  	[smem:$0x3FAC] =	sst s6  }
0xf: {  	[smem:$0x3FAD] =	sst s7  }
0x10: {  	[smem:$0x3FAE] =	sst s8  }
0x11: {  	[smem:$0x3FAF] =	sst s9;
	s0 =	simm.s32 @!p0 $0x0  }
0x12: {  	s1 =	sld [smem:$0x3F95];
	s0 =	simm.s32 @p0 $0x1  }
0x13: {  	[smem:$0x3FB0] =	sst s0;
	s0 =	simm.s32 @!p1 $0x0  }
0x14: {  	s2 =	sld [smem:$0x3F94];
	s0 =	simm.s32 @p1 $0x1  }
0x15: {  	[smem:$0x3FB1] =	sst s0;
	s0 =	simm.s32 @!p2 $0x0  }
0x16: {  	s3 =	sld [smem:$0x3FDB];
	s0 =	simm.s32 @p2 $0x1  }
0x17: {  	s4 =	simm.s32 $0x1BF5;
	[smem:$0x3FB3] =	sst s0  }
0x18: {  	s0 =	sld [smem:$0x3F96];
	_ =	swait.ge [sflag:s4], $0x0  }
0x19: {  	s7 =	sld [smem:$0x3F97]  }
0x1a: {  	s8 =	sadd.s32 $0xFFFFE003, lr  }
0x1b: {  	s9 =	sadd.s32 $0xFFFFFEF7, lr;
	s5 =	simm.s32 $0xFFFFFFFF;
	p2 =	slt.u32 s8, $0xFFFFF086  }
0x1c: {  	p1 =	slt.u32 s9, $0xF7A;
	s5 =	simm.s32 @!p2 $0x0  }
0x1d: {  	s5 =	simm.s32 @p1 $0x1;
	p0 =	seq.s32 s7, s2  }
0x1e: {  	s7 =	smul.u32 @!p0 $0xF7A, s2;
	p2 =	seq.s32 @!p0 s5, $0x0  }
0x1f: {  	s9 =	smul.u32 $0xF7A, s1;
	s8 =	simm.s32 @!p0 $0x1BF5;
	p2 =	por !p2, p0  }
0x20: {  	[sflag:s8] =	ssyncset.s32 @!p0 $0xFFFFF086;
	s6 =	sadd.s32 @!p0 s3, s7;
	s7 =	simm.s32 @!p0 $0x108  }
0x21: {  	s3 =	sadd.s32 s3, s9;
	s6 =	sadd.s32 @!p0 $0x88, s6;
	s7 =	simm.s32 @p2 $0x1082  }
0x22: {  	[simem:s7], [sflag:s8] =	dma.local @!p0 [hbm:s6], $0xF7A  }
0x23: {  	s9 =	sor.u32 $0xD0000000, s2;
	s6 =	simm.s32 $0x108;
	_ =	swait.ge @!p0 [sflag:s8], $0x0  }
0x24: {  	s3 =	sadd.s32 $0x88, s3;
	s6 =	simm.s32 @!p1 $0x1082;
	[sflag:s4] =	ssyncset.s32 $0xFFFFF086  }
0x25: {  	[simem:s6], [sflag:s4] =	dma.local [hbm:s3], $0xF7A  }
0x26: {  	[smem:$0x3F97] =	sst s1;
	(tag) =	ssettag s2;
	_ =	strace s9  }
0x27: {  	s1 =	sld [smem:$0x3FA7]  }
0x28: {  	s2 =	sld [smem:$0x3FA8]  }
0x29: {  	s4 =	sld [smem:$0x3FAA]  }
0x2a: {  	p0 =	seq.s32 s5, $0x0;
	s5 =	sld [smem:$0x3FAB]  }
0x2b: {  	s6 =	sld [smem:$0x3FAC]  }
0x2c: {  	s7 =	sld [smem:$0x3FAD]  }
0x2d: {  	s3 =	simm.s32 $0x108;
	s8 =	sld [smem:$0x3FAE]  }
0x2e: {  	s3 =	simm.s32 @!p0 $0x1082;
	s9 =	sld [smem:$0x3FAF]  }
0x2f: {  	lr =	sadd.s32 s0, s3;
	s0 =	sld [smem:$0x3FA6]  }
0x30: {  	s3 =	sld [smem:$0x3FA9]  }
0x31: {  	[smem:$0x3FB2] =	sst s10  }
0x32: {  	s10 =	sld [smem:$0x3FB0];
	_ =	sdelay $0x3  }
0x33: {  	p0 =	seq.s32 s10, $0x1;
	s10 =	sld [smem:$0x3FB2];
	_ =	sdelay $0x3  }
0x34: {  	[smem:$0x3FB2] =	sst s10  }
0x35: {  	s10 =	sld [smem:$0x3FB1];
	_ =	sdelay $0x3  }
0x36: {  	p1 =	seq.s32 s10, $0x1;
	s10 =	sld [smem:$0x3FB2];
	_ =	sdelay $0x3  }
0x37: {  	[smem:$0x3FB2] =	sst s10  }
0x38: {  	s10 =	sld [smem:$0x3FB3]  }
0x39: {  	_ = 	snop;
	(pc) =	sbr.ind lr, $3  }
0x3a: {  	_ = 	snop  }
0x3b: {  	_ = 	snop  }
0x3c: {  	p2 =	seq.s32 s10, $0x1;
	s10 =	sld [smem:$0x3FB2]  }
0x3d: {  	_ =	shalt  }
0x3e: {  	_ =	shalt  }
0x3f: {  	_ =	shalt  }
0x40: {  	_ =	shalt  }
0x41: {  	_ =	shalt  }
0x42: {  	_ =	shalt  }
0x43: {  	_ =	shalt  }
0x44: {  	_ =	shalt  }
0x45: {  	_ =	shalt  }
0x46: {  	_ =	shalt  }
0x47: {  	_ =	shalt  }
0x48: {  	_ =	shalt  }
0x49: {  	_ =	shalt  }
0x4a: {  	_ =	shalt  }
0x4b: {  	_ =	shalt  }
0x4c: {  	_ =	shalt  }
0x4d: {  	_ =	shalt  }
0x4e: {  	_ =	shalt  }
0x4f: {  	_ =	shalt  }
0x50: {  	_ =	shalt  }
0x51: {  	_ =	shalt  }
0x52: {  	_ =	shalt  }
0x53: {  	_ =	shalt  }
0x54: {  	_ =	shalt  }
0x55: {  	_ =	shalt  }
0x56: {  	_ =	shalt  }
0x57: {  	_ =	shalt  }
0x58: {  	_ =	shalt  }
0x59: {  	_ =	shalt  }
0x5a: {  	_ =	shalt  }
0x5b: {  	_ =	shalt  }
0x5c: {  	_ =	shalt  }
0x5d: {  	_ =	shalt  }
0x5e: {  	_ =	shalt  }
0x5f: {  	_ =	shalt  }
0x60: {  	_ =	shalt  }
0x61: {  	_ =	shalt  }
0x62: {  	_ =	shalt  }
0x63: {  	_ =	shalt  }
0x64: {  	_ =	shalt  }
0x65: {  	_ =	shalt  }
0x66: {  	_ =	shalt  }
0x67: {  	_ =	shalt  }
0x68: {  	_ =	shalt  }
0x69: {  	_ =	shalt  }
0x6a: {  	_ =	shalt  }
0x6b: {  	_ =	shalt  }
0x6c: {  	_ =	shalt  }
0x6d: {  	_ =	shalt  }
0x6e: {  	_ =	shalt  }
0x6f: {  	_ =	shalt  }
0x70: {  	_ =	shalt  }
0x71: {  	_ =	shalt  }
0x72: {  	_ =	shalt  }
0x73: {  	_ =	shalt  }
0x74: {  	_ =	shalt  }
0x75: {  	_ =	shalt  }
0x76: {  	_ =	shalt  }
0x77: {  	_ =	shalt  }
0x78: {  	_ =	shalt  }
0x79: {  	_ =	shalt  }
0x7a: {  	_ =	shalt  }
0x7b: {  	_ =	shalt  }
0x7c: {  	_ =	shalt  }
0x7d: {  	_ =	shalt  }
0x7e: {  	_ =	shalt  }
0x7f: {  	_ =	shalt  }
0x80: {  	_ =	shalt  }
0x81: {  	_ =	shalt  }
0x82: {  	_ =	shalt  }
0x83: {  	_ =	shalt  }
0x84: {  	_ =	shalt  }
0x85: {  	_ =	shalt  }
0x86: {  	_ =	shalt  }
0x87: {  	_ =	shalt  }
.Lfunc_end0:
.L_simem_size_0:
called_computation.2_lowered:
.L_overlay_start_0:
0x88: {  	s2 =	sld [smem:$0x3FD9]  }
0x89: {  	s3 =	sld [smem:$0x3FFE];
	_ =	sdelay $0x1  }
0x8a: {  	s1 =	srdreg.scid  }
0x8b: {  	s0 =	sand.u32 $0x1, s1  }
0x8c: {  	s17 =	sshll.u32 s0, $0xA;
	s2 =	sadd.s32 s3, s2  }
0x8d: {  	s2 =	sadd.s32 s2, s17  }
0x8e: {  	[smem:$0x3FBE] =	sst s2  }
0x8f: {  	_ = 	snop  }
0x90: {  	s2 =	sld [smem:$0x3FD0];
	(tm) =	ssettm $0x1  }
0x91: {  	s18 =	sld [smem:$0x3FFB];
	_ =	sdelay $0x3  }
0x92: {  	_ =	strace s18  }
0x93: {  	s3 =	sld [smem:$0x3FFC];
	_ =	sdelay $0x3  }
0x94: {  	_ =	strace s3  }
0x95: {  	s3 =	sld [smem:$0x3FFD];
	_ =	sdelay $0x3  }
0x96: {  	_ =	strace s3  }
0x97: {  	_ =	strace $0x8FFFFFFF  }
0x98: {  	s19 =	sld [smem:$0x3FDB];
	_ =	sdelay $0x1  }
0x99: {  	s4 =	simm.s32 $_scs_section_size  }
0x9a: {  	s5 =	simm.s32 $_size__tile_overlayer_lowered;
	s6 =	simm.s32 $_tile_overlayer_lowered  }
0x9b: {  	s22 =	simm.s32 $0x1BFF;
	s21 =	sshll.u32 s6, $0x1;
	s3 =	sadd.s32 s4, s19  }
0x9c: {  	s7 =	simm.s32 $0x0;
	s20 =	sshll.u32 s5, $0x1;
	s5 =	sadd.s32 s21, s3  }
0x9d: {  	[timem:s7], [sflag:s22] =	dma.local [hbm:s5], s20  }
0x9e: {  	_ =	swait.ge [sflag:s22], s20  }
0x9f: {  	s4 =	ssub.s32 $0x0, s20;
	[sflag:s22] =	ssyncset.done $0x0  }
0xa0: {  	[sflag:s22] =	ssyncadd.s32 s4;
	_ =	sdelay $0x1  }
0xa1: {  	s23 =	simm.s32 $0x1B8B  }
0xa2: {  	_ =	swait.ge [sflag:s23], $0x1  }
0xa3: {  	[sflag:s23] =	ssyncset.done $0x0  }
0xa4: {  	s25 =	simm.s32 $0x1B8E;
	s24 =	sld [smem:$0x3FFE];
	[sflag:s23] =	ssyncadd.s32 $0xFFFFFFFF  }
0xa5: {  	s26 =	simm.s32 $execute0_lowered;
	[smem:$0x3FD2] =	sst s25  }
0xa6: {  	s5 =	sshll.u32 s26, $0x1;
	_ =	strace $0x8000004C;
	[dreg:$0x1] =	wrdreg $0xFFFFFFFF  }
0xa7: {  	s28 =	simm.s32 $_size_execute0_lowered;
	s3 =	sadd.s32 s3, s5;
	[dreg:$0x0] =	wrdreg $0x0  }
0xa8: {  	s5 =	sshll.u32 s28, $0x1;
	[dreg:$0x2] =	wrdreg s3  }
0xa9: {  	[dreg:$0x3] =	wrdreg s5  }
0xaa: {  	[dreg:$0x4] =	wrdreg $0xC0  }
0xab: {  	_ =	task [dreg:s7], $0x5FFFF  }
0xac: {  	[dreg:$0x1] =	wrdreg $0xFFFFFFFF  }
0xad: {  	[dreg:$0x0] =	wrdreg $0x60  }
0xae: {  	[dreg:$0x2] =	wrdreg s2  }
0xaf: {  	[dreg:$0x3] =	wrdreg s24  }
0xb0: {  	[dreg:$0x4] =	wrdreg $0x84000  }
0xb1: {  	[dreg:$0x5] =	wrdreg $0x9  }
0xb2: {  	_ =	task.clear_ibuf [dreg:s7], $0x6FFFF;
	_ =	strace $0x9000004C  }
0xb3: {  	s29 =	simm.s32 $0x9;
	_ =	strace $0x8000004E  }
0xb4: {  	_ =	swait.ge [sflag:s29], $0x1  }
0xb5: {  	[sflag:s29] =	ssyncadd.s32 $0xFFFFFFFF  }
0xb6: {  	_ =	strace $0x9000004E  }
0xb7: {  	_ =	sfence  }
0xb8: {  	s30 =	sld [smem:$0x0];
	_ =	sdelay $0x2  }
0xb9: {  	s31 =	sshll.u32 s1, $0xD;
	s1 =	sshrl.u32 s1, $0x2  }
0xba: {  	s3 =	sand.u32 $0x4000, s31;
	s1 =	sadd.s32 s1, s30  }
0xbb: {  	s0 =	sor.u32 s3, s0;
	s1 =	sshll.u32 s1, $0x11  }
0xbc: {  	s0 =	sor.u32 s1, s0  }
0xbd: {  	s0 =	sadd.s32 $0x8F2B, s0  }
0xbe: {  	[sflag:s0] =	ssyncadd.remote.s32 $0x1  }
0xbf: {  	_ =	sfence.sel $0xFFFF  }
0xc0: {  	[dreg:$0x0] =	wrdreg $0xFFFFFFFF;
	(pc) =	sbr.abs _section_cstart, $3  }
0xc1: {  	[dreg:$0x1] =	wrdreg $0xFFFFFFFF  }
0xc2: {  	_ =	task.clear_ibuf [dreg:s7], $0x2FFFF;
	_ =	strace $0x9FFFFFFF  }
0xc3: {  	(tm) =	ssettm $0x7FFFFFFF  }
tec
execute0_lowered:
.L_overlay_start_1:
0x0: {  	(tag) =	ssettag $0x1  }
0x1: {  	s0 =	rddreg [dreg:$0x0]  }
0x2: {  	s1 =	rddreg [dreg:$0x1];
	s2 =	srdreg.scid  }
0x3: {  	s3 =	rddreg [dreg:$0x2];
	s10 =	stileid.u32;
	s4 =	simm.s32 $0x0  }
0x4: {  	s28 =	simm.s32 $0x300;
	s29 =	simm.s32 $0x2;
	s30 =	simm.s32 $0x1  }
0x5: {  	s31 =	simm.s32 $0x180;
	s2 =	sand.u32 $0x1, s2;
	s7 =	smul.u32 $0x14000, s10  }
0x6: {  	[smem:$0x7FF] =	sst s4;
	s5 =	sadd.s32 $0x2E00, s1;
	s8 =	smul.u32 $0x50000, s10  }
0x7: {  	s14 =	sshll.u32 s10, $0x1;
	s6 =	smul.u32 $0x140000, s2;
	s15 =	ssub.s32 $0x2, s2  }
0x8: {  	s16 =	smul.u32 $0xA800, s10;
	_ =	strace $0x8000004D;
	s9 =	sshrl.u32 s15, $0x1  }
0x9: {  	s8 =	sshrl.u32 s8, $0x2;
	s6 =	sadd.s32 s7, s6;
	s7 =	sor.u32 s2, s14  }
0xa: {  	s9 =	ssub.s32 s15, s9;
	s2 =	smul.u32 $0x5400, s2;
	s6 =	sshrl.u32 s6, $0x3  }
0xb: {  	s7 =	smul.u32 $0x5400, s7;
	s1 =	sadd.s32 s6, s1;
	s6 =	sadd.s32 s8, s3  }
0xc: {  	s15 =	smax.u32 s9, $0x1;
	s2 =	sadd.s32 s2, s16;
	s17 =	sadd.s32 $0x4000, s6  }
0xd: {  	s7 =	sshrl.u32 s7, $0x3;
	s18 =	sadd.s32 $0x8000, s6;
	s19 =	sadd.s32 $0xC000, s6  }
0xe: {  	s20 =	sadd.s32 $0x10000, s6;
	s14 =	sadd.s32 $0x17E00, s1;
	[dreg:$0x4] =	wrdreg s17  }
0xf: {  	s22 =	sadd.s32 $0x600, s2;
	s23 =	sadd.s32 $0x500, s2;
	[dreg:$0x5] =	wrdreg s18  }
0x10: {  	s25 =	sor.u32 $0x300, s2;
	[dreg:$0x6] =	wrdreg s19;
	s10 =	sadd.s32 s5, s7  }
0x11: {  	[dreg:$0x7] =	wrdreg s20;
	s1 =	sshrl.u32 s22, $0x3;
	s24 =	sshrl.u32 s23, $0x3  }
0x12: {  	s18 =	sadd.s32 $0x400, s2;
	s26 =	sshrl.u32 s25, $0x3;
	s20 =	simm.s32 $0x4400  }
0x13: {  	s22 =	simm.s32 $0x80;
	s23 =	simm.s32 $0x400;
	s25 =	simm.s32 $0x200  }
0x14: {  	s2 =	simm.s32 $0x380;
	s7 =	simm.s32 $0x0;
	s21 =	sadd.s32 $0x20, s10  }
0x15: {  	s13 =	sadd.s32 $0x40, s10;
	s16 =	sadd.s32 s1, s5;
	s17 =	sadd.s32 s24, s5  }
0x16: {  	s19 =	sadd.s32 s26, s5;
	s24 =	simm.s32 $0x100;
	s26 =	simm.s32 $0x3  }
0x17: {  	v0 =	vimm.f32 $0.0e+00;
	s1 =	simm.s32 $0x280;
	[dreg:$0x8] =	wrdreg s21;
	s21 =	simm.s32 $0x4  }
.LBB2_1:
0x18: {  	s8 =	simm.s32 $0x0;
	s9 =	simm.s32 $0x200  }
.LBB2_2:
0x19: {  	p0 =	sne.s32 s9, $0xFE00;
	[tilespmem:s8+$0x4470] =	vst v0  }
0x1a: {  	[tilespmem:s8+$0x4400] =	vst v0  }
0x1b: {  	[tilespmem:s8+$0x4410] =	vst v0  }
.Ltmp0:
0x1c: {  	[tilespmem:s8+$0x4420] =	vst v0;
	(pc) =	sbr.rel @p0 .LBB2_2-.Ltmp0, $4  }
0x1d: {  	[tilespmem:s8+$0x4430] =	vst v0  }
0x1e: {  	[tilespmem:s8+$0x4440] =	vst v0  }
0x1f: {  	[tilespmem:s8+$0x4450] =	vst v0  }
0x20: {  	[tilespmem:s8+$0x4460] =	vst v0;
	s8 =	sshra.s32 s9, $0x2;
	s9 =	sadd.s32 $0x200, s9  }
0x21: {  	[tilespmem:s8+$0x4470] =	vst v0  }
0x22: {  	[tilespmem:s8+$0x4400] =	vst v0  }
0x23: {  	[tilespmem:s8+$0x4410] =	vst v0  }
0x24: {  	[tilespmem:s8+$0x4420] =	vst v0  }
0x25: {  	[tilespmem:s8+$0x4430] =	vst v0  }
0x26: {  	[tilespmem:s8+$0x4440] =	vst v0  }
0x27: {  	[tilespmem:s8+$0x4450] =	vst v0  }
0x28: {  	[tilespmem:s8+$0x4460] =	vst v0  }
0x29: {  	[spmem:s6] =	stream.linear.scatter [tilespmem:s20], [sflag:$0x4], $0x4000, $0x38;
	[tilespmem:$0x1C400] =	vst v63  }
0x2a: {  	_ =	swait.ge [sflag:s21], $0x4000  }
0x2b: {  	[sflag:s21] =	ssyncset.done $0x0  }
0x2c: {  	s9 =	rddreg [dreg:$0x4];
	[sflag:s21] =	ssyncadd.s32 $0xFFFFC000  }
0x2d: {  	[spmem:s9] =	stream.linear.scatter [tilespmem:s20], [sflag:$0x4], $0x4000, $0x38;
	[tilespmem:$0x1C400] =	vst v63  }
0x2e: {  	_ =	swait.ge [sflag:s21], $0x4000  }
0x2f: {  	[sflag:s21] =	ssyncset.done $0x0  }
0x30: {  	s11 =	rddreg [dreg:$0x5];
	[sflag:s21] =	ssyncadd.s32 $0xFFFFC000  }
0x31: {  	[spmem:s11] =	stream.linear.scatter [tilespmem:s20], [sflag:$0x4], $0x4000, $0x38;
	[tilespmem:$0x1C400] =	vst v63  }
0x32: {  	_ =	swait.ge [sflag:s21], $0x4000  }
0x33: {  	[sflag:s21] =	ssyncset.done $0x0  }
0x34: {  	s12 =	rddreg [dreg:$0x6];
	[sflag:s21] =	ssyncadd.s32 $0xFFFFC000  }
0x35: {  	[spmem:s12] =	stream.linear.scatter [tilespmem:s20], [sflag:$0x4], $0x4000, $0x38;
	[tilespmem:$0x1C400] =	vst v63  }
0x36: {  	_ =	swait.ge [sflag:s21], $0x4000  }
0x37: {  	[sflag:s21] =	ssyncset.done $0x0  }
0x38: {  	s9 =	rddreg [dreg:$0x7];
	[sflag:s21] =	ssyncadd.s32 $0xFFFFC000  }
0x39: {  	[spmem:s9] =	stream.linear.scatter [tilespmem:s20], [sflag:$0x4], $0x4000, $0x38;
	[tilespmem:$0x1C400] =	vst v63  }
0x3a: {  	_ =	swait.ge [sflag:s21], $0x4000  }
0x3b: {  	[sflag:s21] =	ssyncset.done $0x0  }
0x3c: {  	[sflag:s21] =	ssyncadd.s32 $0xFFFFC000  }
0x3d: {  	s11 =	simm.s32 $0x0;
	[bflag:$0x0] =	sbarrier.arrive $0xFFFF  }
0x3e: {  	[tilespmem:s11], [sflag:$0x4] =	stream.linear.gather [hbm4b:s10+s11], $0x100, $0x38;
	[tilespmem:$0x1C400] =	vst v63  }
0x3f: {  	_ =	swait.ge [sflag:s21], $0x100  }
0x40: {  	[sflag:s21] =	ssyncset.done $0x0  }
0x41: {  	[sflag:s21] =	ssyncadd.s32 $0xFFFFFF00  }
0x42: {  	[tilespmem:s23], [sflag:$0x2] =	stream.indirect.gather [hbm4b:s0+s22], $0x80, s11, s22, $0xb8;
	[tilespmem:$0x1C400] =	vst v63  }
0x43: {  	s9 =	rddreg [dreg:$0x8]  }
0x44: {  	[tilespmem:s24], [sflag:$0x4] =	stream.linear.gather [hbm4b:s9+s11], $0x100, $0x38;
	[tilespmem:$0x1C400] =	vst v63  }
0x45: {  	_ =	swait.ge [sflag:s21], $0x100  }
0x46: {  	[sflag:s21] =	ssyncset.done $0x0  }
0x47: {  	[sflag:s21] =	ssyncadd.s32 $0xFFFFFF00  }
0x48: {  	[tilespmem:s25], [sflag:$0x1] =	stream.linear.gather [hbm4b:s13+s11], $0x100, $0x38;
	[tilespmem:$0x1C400] =	vst v63  }
0x49: {  	_ = 	snop  }
0x4a: {  	[spmem:s3] =	stream.indirect.scatter.add.f32 [tilespmem:s20], [sflag:$0x3], $0x80, s22, s22, $0xb8;
	[tilespmem:$0x1C400] =	vst v63  }
0x4b: {  	_ =	swait.ge [sflag:s26], $0x4000  }
0x4c: {  	[sflag:s26] =	ssyncset.done $0x0  }
0x4d: {  	[sflag:s26] =	ssyncadd.s32 $0xFFFFC000  }
0x4e: {  	[tilespmem:s20], [sflag:$0x2] =	stream.indirect.gather [hbm4b:s0+s22], $0x80, s24, s22, $0xb8;
	[tilespmem:$0x1C400] =	vst v63  }
0x4f: {  	s12 =	sadd.s32 $0x0, s19  }
0x50: {  	[tilespmem:s28], [sflag:$0x1] =	stream.linear.gather [hbm4b:s12+s4], $0x100, $0x38;
	[tilespmem:$0x1C400] =	vst v63  }
0x51: {  	_ =	swait.ge [sflag:s29], $0x4000  }
0x52: {  	[sflag:s29] =	ssyncset.done $0x0  }
0x53: {  	[sflag:s29] =	ssyncadd.s32 $0xFFFFC000  }
0x54: {  	_ =	swait.ge [sflag:s30], $0x100  }
0x55: {  	[sflag:s30] =	ssyncset.done $0x0  }
0x56: {  	[sflag:s30] =	ssyncadd.s32 $0xFFFFFF00  }
0x57: {  	[spmem:s3] =	stream.indirect.scatter.add.f32 [tilespmem:s23], [sflag:$0x3], $0x80, s22, s22, $0xb8;
	[tilespmem:$0x1C400] =	vst v63  }
0x58: {  	_ =	swait.ge [sflag:s26], $0x4000  }
0x59: {  	[sflag:s26] =	ssyncset.done $0x0  }
0x5a: {  	s9 =	sshrl.u32 s18, $0x3;
	[sflag:s26] =	ssyncadd.s32 $0xFFFFC000  }
0x5b: {  	[tilespmem:s23], [sflag:$0x2] =	stream.indirect.gather [hbm4b:s0+s22], $0x80, s25, s22, $0xb8;
	[tilespmem:$0x1C400] =	vst v63  }
0x5c: {  	s8 =	sadd.s32 s5, s9  }
0x5d: {  	[tilespmem:s4], [sflag:$0x1] =	stream.linear.gather [hbm4b:s8+s4], $0x100, $0x38;
	[tilespmem:$0x1C400] =	vst v63  }
0x5e: {  	_ =	swait.ge [sflag:s29], $0x4000  }
0x5f: {  	[sflag:s29] =	ssyncset.done $0x0  }
0x60: {  	[sflag:s29] =	ssyncadd.s32 $0xFFFFC000  }
0x61: {  	_ =	swait.ge [sflag:s30], $0x100  }
0x62: {  	[sflag:s30] =	ssyncset.done $0x0  }
0x63: {  	[sflag:s30] =	ssyncadd.s32 $0xFFFFFF00  }
0x64: {  	[spmem:s3] =	stream.indirect.scatter.add.f32 [tilespmem:s20], [sflag:$0x3], $0x80, s31, s22, $0xb8;
	[tilespmem:$0x1C400] =	vst v63  }
0x65: {  	_ =	swait.ge [sflag:s26], $0x4000  }
0x66: {  	[sflag:s26] =	ssyncset.done $0x0  }
0x67: {  	[sflag:s26] =	ssyncadd.s32 $0xFFFFC000  }
0x68: {  	[tilespmem:s20], [sflag:$0x2] =	stream.indirect.gather [hbm4b:s0+s22], $0x80, s28, s22, $0xb8;
	[tilespmem:$0x1C400] =	vst v63  }
0x69: {  	s11 =	sadd.s32 $0x0, s17  }
0x6a: {  	[tilespmem:s24], [sflag:$0x1] =	stream.linear.gather [hbm4b:s11+s4], $0x100, $0x38;
	[tilespmem:$0x1C400] =	vst v63  }
0x6b: {  	_ =	swait.ge [sflag:s29], $0x4000  }
0x6c: {  	[sflag:s29] =	ssyncset.done $0x0  }
0x6d: {  	[sflag:s29] =	ssyncadd.s32 $0xFFFFC000  }
0x6e: {  	_ =	swait.ge [sflag:s30], $0x100  }
0x6f: {  	[sflag:s30] =	ssyncset.done $0x0  }
0x70: {  	[sflag:s30] =	ssyncadd.s32 $0xFFFFFF00  }
0x71: {  	[spmem:s3] =	stream.indirect.scatter.add.f32 [tilespmem:s23], [sflag:$0x3], $0x80, s1, s22, $0xb8;
	[tilespmem:$0x1C400] =	vst v63  }
0x72: {  	_ =	swait.ge [sflag:s26], $0x4000  }
0x73: {  	[sflag:s26] =	ssyncset.done $0x0  }
0x74: {  	[sflag:s26] =	ssyncadd.s32 $0xFFFFC000  }
0x75: {  	[tilespmem:s23], [sflag:$0x2] =	stream.indirect.gather [hbm4b:s0+s22], $0x80, s4, s22, $0xb8;
	[tilespmem:$0x1C400] =	vst v63  }
0x76: {  	s12 =	sadd.s32 $0x0, s16  }
0x77: {  	[tilespmem:s25], [sflag:$0x1] =	stream.linear.gather [hbm4b:s12+s4], $0x100, $0x38;
	[tilespmem:$0x1C400] =	vst v63  }
0x78: {  	_ =	swait.ge [sflag:s29], $0x4000  }
0x79: {  	[sflag:s29] =	ssyncset.done $0x0  }
0x7a: {  	[sflag:s29] =	ssyncadd.s32 $0xFFFFC000  }
0x7b: {  	_ =	swait.ge [sflag:s30], $0x100  }
0x7c: {  	[sflag:s30] =	ssyncset.done $0x0  }
0x7d: {  	s9 =	sadd.s32 $0x400, s18;
	s8 =	simm.s32 $0x80;
	[sflag:s30] =	ssyncadd.s32 $0xFFFFFF00  }
.LBB2_4:
0x7e: {  	[spmem:s3] =	stream.indirect.scatter.add.f32 [tilespmem:s20], [sflag:$0x3], $0x80, s2, s22, $0xb8;
	[tilespmem:$0x1C400] =	vst v63  }
0x7f: {  	s11 =	smov.u32 s8  }
0x80: {  	p0 =	sne.s32 s8, $0x980;
	s8 =	sadd.s32 $0x80, s8;
	_ =	swait.ge [sflag:s26], $0x4000  }
0x81: {  	[sflag:s26] =	ssyncset.done $0x0  }
0x82: {  	[sflag:s26] =	ssyncadd.s32 $0xFFFFC000  }
0x83: {  	[tilespmem:s20], [sflag:$0x2] =	stream.indirect.gather [hbm4b:s0+s22], $0x80, s24, s22, $0xb8;
	[tilespmem:$0x1C400] =	vst v63  }
0x84: {  	s12 =	sadd.s32 s11, s19  }
0x85: {  	[tilespmem:s28], [sflag:$0x1] =	stream.linear.gather [hbm4b:s12+s4], $0x100, $0x38;
	[tilespmem:$0x1C400] =	vst v63  }
0x86: {  	_ =	swait.ge [sflag:s29], $0x4000  }
0x87: {  	[sflag:s29] =	ssyncset.done $0x0  }
0x88: {  	[sflag:s29] =	ssyncadd.s32 $0xFFFFC000  }
0x89: {  	_ =	swait.ge [sflag:s30], $0x100  }
0x8a: {  	[sflag:s30] =	ssyncset.done $0x0  }
0x8b: {  	[sflag:s30] =	ssyncadd.s32 $0xFFFFFF00  }
0x8c: {  	[spmem:s3] =	stream.indirect.scatter.add.f32 [tilespmem:s23], [sflag:$0x3], $0x80, s22, s22, $0xb8;
	[tilespmem:$0x1C400] =	vst v63  }
0x8d: {  	_ =	swait.ge [sflag:s26], $0x4000  }
0x8e: {  	[sflag:s26] =	ssyncset.done $0x0  }
0x8f: {  	s12 =	sshrl.u32 s9, $0x3;
	[sflag:s26] =	ssyncadd.s32 $0xFFFFC000  }
0x90: {  	[tilespmem:s23], [sflag:$0x2] =	stream.indirect.gather [hbm4b:s0+s22], $0x80, s25, s22, $0xb8;
	[tilespmem:$0x1C400] =	vst v63  }
0x91: {  	s12 =	sadd.s32 s5, s12  }
0x92: {  	[tilespmem:s4], [sflag:$0x1] =	stream.linear.gather [hbm4b:s12+s4], $0x100, $0x38;
	[tilespmem:$0x1C400] =	vst v63  }
0x93: {  	_ =	swait.ge [sflag:s29], $0x4000  }
0x94: {  	[sflag:s29] =	ssyncset.done $0x0  }
0x95: {  	[sflag:s29] =	ssyncadd.s32 $0xFFFFC000  }
0x96: {  	_ =	swait.ge [sflag:s30], $0x100  }
0x97: {  	[sflag:s30] =	ssyncset.done $0x0  }
0x98: {  	[sflag:s30] =	ssyncadd.s32 $0xFFFFFF00  }
0x99: {  	[spmem:s3] =	stream.indirect.scatter.add.f32 [tilespmem:s20], [sflag:$0x3], $0x80, s31, s22, $0xb8;
	[tilespmem:$0x1C400] =	vst v63  }
0x9a: {  	_ =	swait.ge [sflag:s26], $0x4000  }
0x9b: {  	[sflag:s26] =	ssyncset.done $0x0  }
0x9c: {  	[sflag:s26] =	ssyncadd.s32 $0xFFFFC000  }
0x9d: {  	[tilespmem:s20], [sflag:$0x2] =	stream.indirect.gather [hbm4b:s0+s22], $0x80, s28, s22, $0xb8;
	[tilespmem:$0x1C400] =	vst v63  }
0x9e: {  	s12 =	sadd.s32 s11, s17  }
0x9f: {  	[tilespmem:s24], [sflag:$0x1] =	stream.linear.gather [hbm4b:s12+s4], $0x100, $0x38;
	[tilespmem:$0x1C400] =	vst v63  }
0xa0: {  	_ =	swait.ge [sflag:s29], $0x4000  }
0xa1: {  	[sflag:s29] =	ssyncset.done $0x0  }
0xa2: {  	[sflag:s29] =	ssyncadd.s32 $0xFFFFC000  }
0xa3: {  	_ =	swait.ge [sflag:s30], $0x100  }
0xa4: {  	[sflag:s30] =	ssyncset.done $0x0  }
0xa5: {  	[sflag:s30] =	ssyncadd.s32 $0xFFFFFF00  }
0xa6: {  	[spmem:s3] =	stream.indirect.scatter.add.f32 [tilespmem:s23], [sflag:$0x3], $0x80, s1, s22, $0xb8;
	[tilespmem:$0x1C400] =	vst v63  }
0xa7: {  	_ =	swait.ge [sflag:s26], $0x4000  }
0xa8: {  	[sflag:s26] =	ssyncset.done $0x0  }
0xa9: {  	[sflag:s26] =	ssyncadd.s32 $0xFFFFC000  }
0xaa: {  	[tilespmem:s23], [sflag:$0x2] =	stream.indirect.gather [hbm4b:s0+s22], $0x80, s4, s22, $0xb8;
	[tilespmem:$0x1C400] =	vst v63  }
0xab: {  	s11 =	sadd.s32 s11, s16  }
0xac: {  	[tilespmem:s25], [sflag:$0x1] =	stream.linear.gather [hbm4b:s11+s4], $0x100, $0x38;
	[tilespmem:$0x1C400] =	vst v63  }
0xad: {  	_ =	swait.ge [sflag:s29], $0x4000  }
.Ltmp1:
0xae: {  	[sflag:s29] =	ssyncset.done $0x0;
	(pc) =	sbr.rel @p0 .LBB2_4-.Ltmp1, $4  }
0xaf: {  	[sflag:s29] =	ssyncadd.s32 $0xFFFFC000  }
0xb0: {  	_ =	swait.ge [sflag:s30], $0x100  }
0xb1: {  	[sflag:s30] =	ssyncset.done $0x0  }
0xb2: {  	s9 =	sadd.s32 $0x400, s9;
	[sflag:s30] =	ssyncadd.s32 $0xFFFFFF00  }
0xb3: {  	[spmem:s3] =	stream.indirect.scatter.add.f32 [tilespmem:s20], [sflag:$0x3], $0x80, s2, s22, $0xb8;
	[tilespmem:$0x1C400] =	vst v63  }
0xb4: {  	_ =	swait.ge [sflag:s29], $0x4000  }
0xb5: {  	[sflag:s29] =	ssyncset.done $0x0  }
0xb6: {  	[sflag:s29] =	ssyncadd.s32 $0xFFFFC000  }
0xb7: {  	_ =	swait.ge [sflag:s30], $0x100  }
0xb8: {  	[sflag:s30] =	ssyncset.done $0x0  }
0xb9: {  	[sflag:s30] =	ssyncadd.s32 $0xFFFFFF00  }
0xba: {  	s8 =	stileid.u32;
	_ =	swait.ge [sflag:s26], $0x4000  }
0xbb: {  	s9 =	sshrl.u32 s6, $0x3;
	s7 =	sadd.s32 $0x1, s7;
	[sflag:s26] =	ssyncset.done $0x0  }
0xbc: {  	s8 =	sshll.u32 s8, $0x6;
	p0 =	sne.s32 s7, s15;
	[sflag:s26] =	ssyncadd.s32 $0xFFFFC000  }
.Ltmp2:
0xbd: {  	s8 =	sor.u32 $0x1C04, s8;
	[bflag:$0x0] =	sbarrier.arrive $0xFFFF;
	(pc) =	sbr.rel @p0 .LBB2_1-.Ltmp2, $4  }
0xbe: {  	[hbm:s14], [sflag:s8] =	dma.local [spmem:s9], $0x2800  }
0xbf: {  	_ =	swait.ge [sflag:s21], $0x2800  }
0xc0: {  	[sflag:s21] =	ssyncset.done $0x0  }
0xc1: {  	[sflag:s21] =	ssyncadd.s32 $0xFFFFD800  }
0xc2: {  	_ =	sfence.sel $0x180000  }
0xc3: {  	[bflag:$0x0] =	sbarrier.arrive $0xFFFF  }
0xc4: {  	_ =	strace $0x9000004D  }
0xc5: {  	s0 =	stileid.u32;
	[bflag:$0x2] =	sbarrier.arrive $0xFFFF  }
0xc6: {  	p0 =	sne.s32 s0, $0x0;
	s0 =	rddreg [dreg:$0x3]  }
0xc7: {  	s0 =	sadd.s32 @!p0 $0x100000, s0  }
0xc8: {  	[sflag:s0] =	ssyncadd.tile.s32 @!p0 $0x1;
	_ =	shalt  }
.Lfunc_end2:
_tile_overlayer_lowered:
.L_overlay_start_2:
0xc9: {  	(tag) =	ssettag $0x2  }
0xca: {  	s0 =	rddreg [dreg:$0x0];
	s2 =	stileid.u32  }
0xcb: {  	s1 =	rddreg [dreg:$0x1];
	p0 =	sne.s32 s2, $0x0  }
0xcc: {  	s3 =	rddreg [dreg:$0x2];
	[bflag:$0x3] =	sbarrier.arrive $0xFFFF;
	s2 =	simm.s32 @!p0 $0x1C04  }
0xcd: {  	[timem:s3], [sflag:s2] =	dma.local @!p0 [hbm:s0], s1  }
0xce: {  	s0 =	simm.s32 @!p0 $0x4  }
0xcf: {  	_ =	swait.ge @!p0 [sflag:s0], s1  }
0xd0: {  	s1 =	ssub.s32 @!p0 $0x0, s1;
	[sflag:s0] =	ssyncset.done @!p0 $0x0  }
0xd1: {  	[sflag:s0] =	ssyncadd.s32 @!p0 s1  }
0xd2: {  	[bflag:$0x3] =	sbarrier.arrive $0xFFFF  }
0xd3: {  	_ =	shalt  }

// kernel: kernel.7.cloned.1.call-start
scs
__scs_entry_jumppad:
0x0: {  	(pc) =	sbr.rel $0x88, $3  }
0x1: {  	(tag) =	ssettag $0x0;
	lr =	simm.s32 $0x1  }
0x2: {  	[smem:$0x3F97] =	sst lr;
	_ =	strace $0xD0000000  }
0x3: {  	_ = 	snop  }
0x4: {  	_ = 	snop  }
0x5: {  	_ = 	snop  }
0x6: {  	_ = 	snop  }
0x7: {  	_ = 	snop  }
__scs_overlays_trampoline_lowered:
0x8: {  	[smem:$0x3FA6] =	sst s0  }
0x9: {  	[smem:$0x3FA7] =	sst s1  }
0xa: {  	[smem:$0x3FA8] =	sst s2  }
0xb: {  	[smem:$0x3FA9] =	sst s3  }
0xc: {  	[smem:$0x3FAA] =	sst s4  }
0xd: {  	[smem:$0x3FAB] =	sst s5  }
0xe: {  	[smem:$0x3FAC] =	sst s6  }
0xf: {  	[smem:$0x3FAD] =	sst s7  }
0x10: {  	[smem:$0x3FAE] =	sst s8  }
0x11: {  	[smem:$0x3FAF] =	sst s9;
	s0 =	simm.s32 @!p0 $0x0  }
0x12: {  	s1 =	sld [smem:$0x3F95];
	s0 =	simm.s32 @p0 $0x1  }
0x13: {  	[smem:$0x3FB0] =	sst s0;
	s0 =	simm.s32 @!p1 $0x0  }
0x14: {  	s2 =	sld [smem:$0x3F94];
	s0 =	simm.s32 @p1 $0x1  }
0x15: {  	[smem:$0x3FB1] =	sst s0;
	s0 =	simm.s32 @!p2 $0x0  }
0x16: {  	s3 =	sld [smem:$0x3FDB];
	s0 =	simm.s32 @p2 $0x1  }
0x17: {  	s4 =	simm.s32 $0x1BF5;
	[smem:$0x3FB3] =	sst s0  }
0x18: {  	s0 =	sld [smem:$0x3F96];
	_ =	swait.ge [sflag:s4], $0x0  }
0x19: {  	s7 =	sld [smem:$0x3F97]  }
0x1a: {  	s8 =	sadd.s32 $0xFFFFE003, lr  }
0x1b: {  	s9 =	sadd.s32 $0xFFFFFEF7, lr;
	s5 =	simm.s32 $0xFFFFFFFF;
	p2 =	slt.u32 s8, $0xFFFFF086  }
0x1c: {  	p1 =	slt.u32 s9, $0xF7A;
	s5 =	simm.s32 @!p2 $0x0  }
0x1d: {  	s5 =	simm.s32 @p1 $0x1;
	p0 =	seq.s32 s7, s2  }
0x1e: {  	s7 =	smul.u32 @!p0 $0xF7A, s2;
	p2 =	seq.s32 @!p0 s5, $0x0  }
0x1f: {  	s9 =	smul.u32 $0xF7A, s1;
	s8 =	simm.s32 @!p0 $0x1BF5;
	p2 =	por !p2, p0  }
0x20: {  	[sflag:s8] =	ssyncset.s32 @!p0 $0xFFFFF086;
	s6 =	sadd.s32 @!p0 s3, s7;
	s7 =	simm.s32 @!p0 $0x108  }
0x21: {  	s3 =	sadd.s32 s3, s9;
	s6 =	sadd.s32 @!p0 $0x88, s6;
	s7 =	simm.s32 @p2 $0x1082  }
0x22: {  	[simem:s7], [sflag:s8] =	dma.local @!p0 [hbm:s6], $0xF7A  }
0x23: {  	s9 =	sor.u32 $0xD0000000, s2;
	s6 =	simm.s32 $0x108;
	_ =	swait.ge @!p0 [sflag:s8], $0x0  }
0x24: {  	s3 =	sadd.s32 $0x88, s3;
	s6 =	simm.s32 @!p1 $0x1082;
	[sflag:s4] =	ssyncset.s32 $0xFFFFF086  }
0x25: {  	[simem:s6], [sflag:s4] =	dma.local [hbm:s3], $0xF7A  }
0x26: {  	[smem:$0x3F97] =	sst s1;
	(tag) =	ssettag s2;
	_ =	strace s9  }
0x27: {  	s1 =	sld [smem:$0x3FA7]  }
0x28: {  	s2 =	sld [smem:$0x3FA8]  }
0x29: {  	s4 =	sld [smem:$0x3FAA]  }
0x2a: {  	p0 =	seq.s32 s5, $0x0;
	s5 =	sld [smem:$0x3FAB]  }
0x2b: {  	s6 =	sld [smem:$0x3FAC]  }
0x2c: {  	s7 =	sld [smem:$0x3FAD]  }
0x2d: {  	s3 =	simm.s32 $0x108;
	s8 =	sld [smem:$0x3FAE]  }
0x2e: {  	s3 =	simm.s32 @!p0 $0x1082;
	s9 =	sld [smem:$0x3FAF]  }
0x2f: {  	lr =	sadd.s32 s0, s3;
	s0 =	sld [smem:$0x3FA6]  }
0x30: {  	s3 =	sld [smem:$0x3FA9]  }
0x31: {  	[smem:$0x3FB2] =	sst s10  }
0x32: {  	s10 =	sld [smem:$0x3FB0];
	_ =	sdelay $0x3  }
0x33: {  	p0 =	seq.s32 s10, $0x1;
	s10 =	sld [smem:$0x3FB2];
	_ =	sdelay $0x3  }
0x34: {  	[smem:$0x3FB2] =	sst s10  }
0x35: {  	s10 =	sld [smem:$0x3FB1];
	_ =	sdelay $0x3  }
0x36: {  	p1 =	seq.s32 s10, $0x1;
	s10 =	sld [smem:$0x3FB2];
	_ =	sdelay $0x3  }
0x37: {  	[smem:$0x3FB2] =	sst s10  }
0x38: {  	s10 =	sld [smem:$0x3FB3]  }
0x39: {  	_ = 	snop;
	(pc) =	sbr.ind lr, $3  }
0x3a: {  	_ = 	snop  }
0x3b: {  	_ = 	snop  }
0x3c: {  	p2 =	seq.s32 s10, $0x1;
	s10 =	sld [smem:$0x3FB2]  }
0x3d: {  	_ =	shalt  }
0x3e: {  	_ =	shalt  }
0x3f: {  	_ =	shalt  }
0x40: {  	_ =	shalt  }
0x41: {  	_ =	shalt  }
0x42: {  	_ =	shalt  }
0x43: {  	_ =	shalt  }
0x44: {  	_ =	shalt  }
0x45: {  	_ =	shalt  }
0x46: {  	_ =	shalt  }
0x47: {  	_ =	shalt  }
0x48: {  	_ =	shalt  }
0x49: {  	_ =	shalt  }
0x4a: {  	_ =	shalt  }
0x4b: {  	_ =	shalt  }
0x4c: {  	_ =	shalt  }
0x4d: {  	_ =	shalt  }
0x4e: {  	_ =	shalt  }
0x4f: {  	_ =	shalt  }
0x50: {  	_ =	shalt  }
0x51: {  	_ =	shalt  }
0x52: {  	_ =	shalt  }
0x53: {  	_ =	shalt  }
0x54: {  	_ =	shalt  }
0x55: {  	_ =	shalt  }
0x56: {  	_ =	shalt  }
0x57: {  	_ =	shalt  }
0x58: {  	_ =	shalt  }
0x59: {  	_ =	shalt  }
0x5a: {  	_ =	shalt  }
0x5b: {  	_ =	shalt  }
0x5c: {  	_ =	shalt  }
0x5d: {  	_ =	shalt  }
0x5e: {  	_ =	shalt  }
0x5f: {  	_ =	shalt  }
0x60: {  	_ =	shalt  }
0x61: {  	_ =	shalt  }
0x62: {  	_ =	shalt  }
0x63: {  	_ =	shalt  }
0x64: {  	_ =	shalt  }
0x65: {  	_ =	shalt  }
0x66: {  	_ =	shalt  }
0x67: {  	_ =	shalt  }
0x68: {  	_ =	shalt  }
0x69: {  	_ =	shalt  }
0x6a: {  	_ =	shalt  }
0x6b: {  	_ =	shalt  }
0x6c: {  	_ =	shalt  }
0x6d: {  	_ =	shalt  }
0x6e: {  	_ =	shalt  }
0x6f: {  	_ =	shalt  }
0x70: {  	_ =	shalt  }
0x71: {  	_ =	shalt  }
0x72: {  	_ =	shalt  }
0x73: {  	_ =	shalt  }
0x74: {  	_ =	shalt  }
0x75: {  	_ =	shalt  }
0x76: {  	_ =	shalt  }
0x77: {  	_ =	shalt  }
0x78: {  	_ =	shalt  }
0x79: {  	_ =	shalt  }
0x7a: {  	_ =	shalt  }
0x7b: {  	_ =	shalt  }
0x7c: {  	_ =	shalt  }
0x7d: {  	_ =	shalt  }
0x7e: {  	_ =	shalt  }
0x7f: {  	_ =	shalt  }
0x80: {  	_ =	shalt  }
0x81: {  	_ =	shalt  }
0x82: {  	_ =	shalt  }
0x83: {  	_ =	shalt  }
0x84: {  	_ =	shalt  }
0x85: {  	_ =	shalt  }
0x86: {  	_ =	shalt  }
0x87: {  	_ =	shalt  }
.Lfunc_end0:
.L_simem_size_0:
called_computation_lowered:
.L_overlay_start_0:
0x88: {  	s2 =	sld [smem:$0x3FD9]  }
0x89: {  	s3 =	sld [smem:$0x3FFE];
	_ =	sdelay $0x1  }
0x8a: {  	s1 =	srdreg.scid  }
0x8b: {  	s0 =	sand.u32 $0x1, s1  }
0x8c: {  	s17 =	sshll.u32 s0, $0xA;
	s2 =	sadd.s32 s3, s2  }
0x8d: {  	s2 =	sadd.s32 s2, s17  }
0x8e: {  	[smem:$0x3FBE] =	sst s2  }
0x8f: {  	_ = 	snop  }
0x90: {  	s2 =	sld [smem:$0x3FD0];
	(tm) =	ssettm $0x1  }
0x91: {  	s18 =	sld [smem:$0x3FFB];
	_ =	sdelay $0x3  }
0x92: {  	_ =	strace s18  }
0x93: {  	s3 =	sld [smem:$0x3FFC];
	_ =	sdelay $0x3  }
0x94: {  	_ =	strace s3  }
0x95: {  	s3 =	sld [smem:$0x3FFD];
	_ =	sdelay $0x3  }
0x96: {  	_ =	strace s3  }
0x97: {  	_ =	strace $0x8FFFFFFF  }
0x98: {  	s19 =	sld [smem:$0x3FDB];
	_ =	sdelay $0x1  }
0x99: {  	s4 =	simm.s32 $_scs_section_size  }
0x9a: {  	s5 =	simm.s32 $_size__tile_overlayer_lowered;
	s6 =	simm.s32 $_tile_overlayer_lowered  }
0x9b: {  	s22 =	simm.s32 $0x1BFF;
	s21 =	sshll.u32 s6, $0x1;
	s3 =	sadd.s32 s4, s19  }
0x9c: {  	s7 =	simm.s32 $0x0;
	s20 =	sshll.u32 s5, $0x1;
	s5 =	sadd.s32 s21, s3  }
0x9d: {  	[timem:s7], [sflag:s22] =	dma.local [hbm:s5], s20  }
0x9e: {  	_ =	swait.ge [sflag:s22], s20  }
0x9f: {  	s4 =	ssub.s32 $0x0, s20;
	[sflag:s22] =	ssyncset.done $0x0  }
0xa0: {  	[sflag:s22] =	ssyncadd.s32 s4;
	_ =	sdelay $0x1  }
0xa1: {  	s23 =	simm.s32 $0x1B8B  }
0xa2: {  	_ =	swait.ge [sflag:s23], $0x1  }
0xa3: {  	[sflag:s23] =	ssyncset.done $0x0  }
0xa4: {  	s25 =	simm.s32 $0x1B8E;
	s24 =	sld [smem:$0x3FFE];
	[sflag:s23] =	ssyncadd.s32 $0xFFFFFFFF  }
0xa5: {  	s26 =	simm.s32 $execute0_lowered;
	[smem:$0x3FD2] =	sst s25  }
0xa6: {  	s5 =	sshll.u32 s26, $0x1;
	_ =	strace $0x80000046;
	[dreg:$0x1] =	wrdreg $0xFFFFFFFF  }
0xa7: {  	s28 =	simm.s32 $_size_execute0_lowered;
	s3 =	sadd.s32 s3, s5;
	[dreg:$0x0] =	wrdreg $0x0  }
0xa8: {  	s5 =	sshll.u32 s28, $0x1;
	[dreg:$0x2] =	wrdreg s3  }
0xa9: {  	[dreg:$0x3] =	wrdreg s5  }
0xaa: {  	[dreg:$0x4] =	wrdreg $0xC0  }
0xab: {  	_ =	task [dreg:s7], $0x5FFFF  }
0xac: {  	[dreg:$0x1] =	wrdreg $0xFFFFFFFF  }
0xad: {  	[dreg:$0x0] =	wrdreg $0x60  }
0xae: {  	[dreg:$0x2] =	wrdreg s2  }
0xaf: {  	[dreg:$0x3] =	wrdreg s24  }
0xb0: {  	[dreg:$0x4] =	wrdreg $0x55000  }
0xb1: {  	[dreg:$0x5] =	wrdreg $0x9  }
0xb2: {  	_ =	task.clear_ibuf [dreg:s7], $0x6FFFF;
	_ =	strace $0x90000046  }
0xb3: {  	s29 =	simm.s32 $0x9;
	_ =	strace $0x80000048  }
0xb4: {  	_ =	swait.ge [sflag:s29], $0x1  }
0xb5: {  	[sflag:s29] =	ssyncadd.s32 $0xFFFFFFFF  }
0xb6: {  	_ =	strace $0x90000048  }
0xb7: {  	_ =	sfence  }
0xb8: {  	s30 =	sld [smem:$0x0];
	_ =	sdelay $0x2  }
0xb9: {  	s31 =	sshll.u32 s1, $0xD;
	s1 =	sshrl.u32 s1, $0x2  }
0xba: {  	s3 =	sand.u32 $0x4000, s31;
	s1 =	sadd.s32 s1, s30  }
0xbb: {  	s0 =	sor.u32 s3, s0;
	s1 =	sshll.u32 s1, $0x11  }
0xbc: {  	s0 =	sor.u32 s1, s0  }
0xbd: {  	s0 =	sadd.s32 $0x8F2B, s0  }
0xbe: {  	[sflag:s0] =	ssyncadd.remote.s32 $0x1  }
0xbf: {  	_ =	sfence.sel $0xFFFF  }
0xc0: {  	[dreg:$0x0] =	wrdreg $0xFFFFFFFF;
	(pc) =	sbr.abs _section_cstart, $3  }
0xc1: {  	[dreg:$0x1] =	wrdreg $0xFFFFFFFF  }
0xc2: {  	_ =	task.clear_ibuf [dreg:s7], $0x2FFFF;
	_ =	strace $0x9FFFFFFF  }
0xc3: {  	(tm) =	ssettm $0x7FFFFFFF  }
tec
execute0_lowered:
.L_overlay_start_1:
0x0: {  	(tag) =	ssettag $0x1  }
0x1: {  	s3 =	rddreg [dreg:$0x0]  }
0x2: {  	s1 =	srdreg.scid;
	s4 =	rddreg [dreg:$0x1]  }
0x3: {  	s0 =	stileid.u32;
	s7 =	rddreg [dreg:$0x2]  }
0x4: {  	s2 =	simm.s32 $0x0;
	s28 =	simm.s32 $0x5000;
	s29 =	simm.s32 $0x5280  }
0x5: {  	s30 =	simm.s32 $0x0;
	s1 =	sand.u32 $0x1, s1;
	s25 =	smul.u32 $0x5000, s0  }
0x6: {  	s5 =	sshrl.u32 s0, $0x3;
	s9 =	sshll.u32 s0, $0x7;
	s6 =	smul.u32 $0x2800, s1  }
0x7: {  	[smem:$0x7FF] =	sst s2;
	s23 =	sshll.u32 s0, $0x1;
	s8 =	smul.u32 $0x1400, s5  }
0x8: {  	s9 =	sand.u32 $0x380, s9;
	_ =	strace $0x80000047;
	s5 =	smul.u32 $0x50000, s5  }
0x9: {  	s24 =	ssub.s32 $0x2, s1;
	s1 =	sor.u32 s1, s23;
	s23 =	simm.s32 $0x2800  }
0xa: {  	s26 =	sshrl.u32 s24, $0x1;
	s1 =	smul.u32 $0x500, s1;
	s31 =	sshrl.u32 s25, $0x2  }
0xb: {  	s25 =	simm.s32 $0x80;
	s6 =	sadd.s32 s6, s8;
	s5 =	sshrl.u32 s5, $0x2  }
0xc: {  	s22 =	ssub.s32 s24, s26;
	s24 =	simm.s32 $0x1;
	s6 =	sor.u32 s9, s6  }
0xd: {  	s26 =	simm.s32 $0x400;
	s5 =	sadd.s32 s5, s7;
	s6 =	sshrl.u32 s6, $0x3  }
0xe: {  	s21 =	sadd.s32 s6, s4;
	s4 =	sadd.s32 s9, s5;
	s5 =	sadd.s32 s31, s7  }
0xf: {  	s3 =	sadd.s32 s3, s1;
	s22 =	smax.u32 s22, $0x1;
	s6 =	sadd.s32 $0x80, s5  }
0x10: {  	s7 =	sadd.s32 $0x100, s5;
	s8 =	sadd.s32 $0x180, s5;
	s9 =	sadd.s32 $0x200, s5  }
0x11: {  	s10 =	sadd.s32 $0x280, s5;
	s11 =	sadd.s32 $0x300, s5;
	s12 =	sadd.s32 $0x380, s5  }
0x12: {  	s13 =	sadd.s32 $0x14000, s5;
	s14 =	sadd.s32 $0x14080, s5;
	s15 =	sadd.s32 $0x14100, s5  }
0x13: {  	s16 =	sadd.s32 $0x14180, s5;
	s17 =	sadd.s32 $0x14200, s5;
	s18 =	sadd.s32 $0x14280, s5  }
0x14: {  	v0 =	vimm.f32 $0.0e+00;
	s19 =	sadd.s32 $0x14300, s5;
	s20 =	sadd.s32 $0x14380, s5;
	s21 =	sadd.s32 $0x2400, s21  }
.LBB2_1:
0x15: {  	s1 =	simm.s32 $0x40;
	s31 =	simm.s32 $0x0  }
.LBB2_2:
0x16: {  	p0 =	sne.s32 s1, $0x9FC0;
	[tilespmem:s31+$0x0] =	vst v0;
	s31 =	smov.u32 s1;
	s1 =	sadd.s32 $0x40, s1  }
.Ltmp0:
0x17: {  	(pc) =	sbr.rel @p0 .LBB2_2-.Ltmp0, $2  }
0x18: {  	_ =	sdelay $0x2  }
0x19: {  	s31 =	sshra.s32 s31, $0x2  }
0x1a: {  	[tilespmem:s31+$0x0] =	vst v0  }
0x1b: {  	[tilespmem:s23], [sflag:$0x1] =	stream.linear.gather [hbm4b:s3+s2], $0x2800, $0x38;
	[tilespmem:$0x7D00] =	vst v63  }
0x1c: {  	_ =	swait.ge [sflag:s24], $0x2800  }
0x1d: {  	[sflag:s24] =	ssyncset.done $0x0  }
0x1e: {  	s31 =	simm.s32 $0x1C0;
	[sflag:s24] =	ssyncadd.s32 $0xFFFFD800  }
.LBB2_4:
0x1f: {  	s1 =	sshra.s32 s31, $0x2  }
0x20: {  	v1 =	vld [tilespmem:s1+$0x2790];
	_ =	sdelay $0x4  }
0x21: {  	(xrf1) =	vunique.msk.u32 $0xffff, v1;
	_ =	sdelay $0xd  }
0x22: {  	_, v2, vm0 =	vpop (xrf1);
	_ =	sdelay $0x3  }
0x23: {  	v2 =	vcvt.s32.f32 v2;
	_ =	sdelay $0x1  }
0x24: {  	[tilespmem:v1+s2+$0x0] =	vst.idx.add.f32.msk vm0, v2  }
0x25: {  	v1 =	vld [tilespmem:s1+$0x27A0];
	_ =	sdelay $0x4  }
0x26: {  	(xrf1) =	vunique.msk.u32 $0xffff, v1;
	_ =	sdelay $0xd  }
0x27: {  	_, v2, vm0 =	vpop (xrf1);
	_ =	sdelay $0x3  }
0x28: {  	v2 =	vcvt.s32.f32 v2;
	_ =	sdelay $0x1  }
0x29: {  	[tilespmem:v1+s2+$0x0] =	vst.idx.add.f32.msk vm0, v2  }
0x2a: {  	v1 =	vld [tilespmem:s1+$0x27B0];
	_ =	sdelay $0x4  }
0x2b: {  	(xrf1) =	vunique.msk.u32 $0xffff, v1;
	_ =	sdelay $0xd  }
0x2c: {  	_, v2, vm0 =	vpop (xrf1);
	_ =	sdelay $0x3  }
0x2d: {  	v2 =	vcvt.s32.f32 v2;
	_ =	sdelay $0x1  }
0x2e: {  	[tilespmem:v1+s2+$0x0] =	vst.idx.add.f32.msk vm0, v2  }
0x2f: {  	v1 =	vld [tilespmem:s1+$0x27C0];
	_ =	sdelay $0x4  }
0x30: {  	(xrf1) =	vunique.msk.u32 $0xffff, v1;
	_ =	sdelay $0xd  }
0x31: {  	_, v2, vm0 =	vpop (xrf1);
	_ =	sdelay $0x3  }
0x32: {  	v2 =	vcvt.s32.f32 v2;
	_ =	sdelay $0x1  }
0x33: {  	[tilespmem:v1+s2+$0x0] =	vst.idx.add.f32.msk vm0, v2  }
0x34: {  	v1 =	vld [tilespmem:s1+$0x27D0];
	_ =	sdelay $0x4  }
0x35: {  	(xrf1) =	vunique.msk.u32 $0xffff, v1;
	_ =	sdelay $0xd  }
0x36: {  	_, v2, vm0 =	vpop (xrf1);
	_ =	sdelay $0x3  }
0x37: {  	v2 =	vcvt.s32.f32 v2;
	_ =	sdelay $0x1  }
0x38: {  	[tilespmem:v1+s2+$0x0] =	vst.idx.add.f32.msk vm0, v2  }
0x39: {  	v1 =	vld [tilespmem:s1+$0x27E0];
	_ =	sdelay $0x4  }
0x3a: {  	(xrf1) =	vunique.msk.u32 $0xffff, v1;
	_ =	sdelay $0xd  }
0x3b: {  	_, v2, vm0 =	vpop (xrf1);
	_ =	sdelay $0x3  }
0x3c: {  	v2 =	vcvt.s32.f32 v2;
	_ =	sdelay $0x1  }
0x3d: {  	[tilespmem:v1+s2+$0x0] =	vst.idx.add.f32.msk vm0, v2  }
0x3e: {  	v1 =	vld [tilespmem:s1+$0x27F0];
	_ =	sdelay $0x4  }
0x3f: {  	(xrf1) =	vunique.msk.u32 $0xffff, v1;
	_ =	sdelay $0xd  }
0x40: {  	_, v2, vm0 =	vpop (xrf1);
	_ =	sdelay $0x3  }
0x41: {  	v2 =	vcvt.s32.f32 v2;
	_ =	sdelay $0x1  }
0x42: {  	[tilespmem:v1+s2+$0x0] =	vst.idx.add.f32.msk vm0, v2  }
0x43: {  	v1 =	vld [tilespmem:s1+$0x2800];
	_ =	sdelay $0x4  }
0x44: {  	(xrf1) =	vunique.msk.u32 $0xffff, v1;
	_ =	sdelay $0xd  }
0x45: {  	_, v2, vm0 =	vpop (xrf1)  }
0x46: {  	p0 =	sne.s32 s31, $0x9FC0  }
.Ltmp1:
0x47: {  	_ = 	snop;
	(pc) =	sbr.rel @p0 .LBB2_4-.Ltmp1, $3  }
0x48: {  	_ = 	snop  }
0x49: {  	v2 =	vcvt.s32.f32 v2;
	_ =	sdelay $0x1  }
0x4a: {  	s31 =	sadd.s32 $0x200, s31;
	[tilespmem:v1+s2+$0x0] =	vst.idx.add.f32.msk vm0, v2  }
0x4b: {  	s1 =	simm.s32 $0x0  }
0x4c: {  	[spmem:s4] =	stream.strided.scatter [tilespmem:s1], [sflag:$0x1], $0x2800, s26, s25, $0x38;
	[tilespmem:$0x7D00] =	vst v63  }
0x4d: {  	_ =	swait.ge [sflag:s24], $0x2800  }
0x4e: {  	[sflag:s24] =	ssyncset.done $0x0  }
0x4f: {  	[sflag:s24] =	ssyncadd.s32 $0xFFFFD800  }
0x50: {  	[bflag:$0x0] =	sbarrier.arrive $0xFFFF  }
0x51: {  	[tilespmem:$0x5280] =	vst v0  }
0x52: {  	[tilespmem:$0x5290] =	vst v0  }
0x53: {  	[tilespmem:$0x52A0] =	vst v0  }
0x54: {  	[tilespmem:$0x52B0] =	vst v0  }
0x55: {  	[tilespmem:$0x52C0] =	vst v0  }
0x56: {  	[tilespmem:$0x52D0] =	vst v0  }
0x57: {  	[tilespmem:$0x52E0] =	vst v0  }
0x58: {  	[tilespmem:$0x52F0] =	vst v0  }
0x59: {  	[tilespmem:$0x5300] =	vst v0  }
0x5a: {  	[tilespmem:$0x5310] =	vst v0  }
0x5b: {  	[tilespmem:$0x5320] =	vst v0  }
0x5c: {  	[tilespmem:$0x5330] =	vst v0  }
0x5d: {  	[tilespmem:$0x5340] =	vst v0  }
0x5e: {  	[tilespmem:$0x5350] =	vst v0  }
0x5f: {  	[tilespmem:$0x5360] =	vst v0  }
0x60: {  	[tilespmem:$0x5370] =	vst v0  }
0x61: {  	[tilespmem:$0x5380] =	vst v0  }
0x62: {  	[tilespmem:$0x5390] =	vst v0  }
0x63: {  	[tilespmem:$0x53A0] =	vst v0  }
0x64: {  	[tilespmem:$0x53B0] =	vst v0  }
0x65: {  	[tilespmem:$0x53C0] =	vst v0  }
0x66: {  	[tilespmem:$0x53D0] =	vst v0  }
0x67: {  	[tilespmem:$0x53E0] =	vst v0  }
0x68: {  	[tilespmem:$0x53F0] =	vst v0  }
0x69: {  	[tilespmem:$0x5400] =	vst v0  }
0x6a: {  	[tilespmem:$0x5410] =	vst v0  }
0x6b: {  	[tilespmem:$0x5420] =	vst v0  }
0x6c: {  	[tilespmem:$0x5430] =	vst v0  }
0x6d: {  	[tilespmem:$0x5440] =	vst v0  }
0x6e: {  	[tilespmem:$0x5450] =	vst v0  }
0x6f: {  	[tilespmem:$0x5460] =	vst v0  }
0x70: {  	[tilespmem:$0x5470] =	vst v0  }
0x71: {  	[tilespmem:$0x5480] =	vst v0  }
0x72: {  	[tilespmem:$0x5490] =	vst v0  }
0x73: {  	[tilespmem:$0x54A0] =	vst v0  }
0x74: {  	[tilespmem:$0x54B0] =	vst v0  }
0x75: {  	[tilespmem:$0x54C0] =	vst v0  }
0x76: {  	[tilespmem:$0x54D0] =	vst v0  }
0x77: {  	[tilespmem:$0x54E0] =	vst v0  }
0x78: {  	[tilespmem:$0x54F0] =	vst v0  }
0x79: {  	[tilespmem:s28], [sflag:$0x1] =	stream.strided.gather [spmem:s5], $0x280, s26, s25, $0x38;
	[tilespmem:$0x7D00] =	vst v63  }
0x7a: {  	_ =	swait.ge [sflag:s24], $0x280  }
0x7b: {  	[sflag:s24] =	ssyncset.done $0x0  }
0x7c: {  	s31 =	simm.s32 $0x0;
	[sflag:s24] =	ssyncadd.s32 $0xFFFFFD80  }
0x7d: {  	s1 =	simm.s32 $0x40;
	v1 =	vld [tilespmem:s31+$0x5000]  }
.LBB2_6:
0x7e: {  	p0 =	sne.s32 s1, $0x9C0;
	v2 =	vld [tilespmem:s31+$0x5280];
	_ =	sdelay $0x2  }
.Ltmp2:
0x7f: {  	(pc) =	sbr.rel @p0 .LBB2_6-.Ltmp2, $4  }
0x80: {  	_ = 	snop  }
0x81: {  	v2 =	vadd.f32 v1, v2  }
0x82: {  	s0 =	sshra.s32 s1, $0x2  }
0x83: {  	s1 =	sadd.s32 $0x40, s1;
	v1 =	vld [tilespmem:s0+$0x5000];
	[tilespmem:s31+$0x5280] =	vst v2;
	s31 =	smov.u32 s0  }
0x84: {  	v2 =	vld [tilespmem:s31+$0x5280];
	_ =	sdelay $0x4  }
0x85: {  	v1 =	vadd.f32 v1, v2;
	_ =	sdelay $0x1  }
0x86: {  	[tilespmem:s31+$0x5280] =	vst v1  }
0x87: {  	[tilespmem:s28], [sflag:$0x1] =	stream.strided.gather [spmem:s6], $0x280, s26, s25, $0x38;
	[tilespmem:$0x7D00] =	vst v63  }
0x88: {  	_ =	swait.ge [sflag:s24], $0x280  }
0x89: {  	[sflag:s24] =	ssyncset.done $0x0  }
0x8a: {  	s31 =	simm.s32 $0x0;
	[sflag:s24] =	ssyncadd.s32 $0xFFFFFD80  }
0x8b: {  	s1 =	simm.s32 $0x40;
	v1 =	vld [tilespmem:s31+$0x5000]  }
.LBB2_8:
0x8c: {  	p0 =	sne.s32 s1, $0x9C0;
	v2 =	vld [tilespmem:s31+$0x5280];
	_ =	sdelay $0x2  }
.Ltmp3:
0x8d: {  	(pc) =	sbr.rel @p0 .LBB2_8-.Ltmp3, $4  }
0x8e: {  	_ = 	snop  }
0x8f: {  	v2 =	vadd.f32 v1, v2  }
0x90: {  	s0 =	sshra.s32 s1, $0x2  }
0x91: {  	s1 =	sadd.s32 $0x40, s1;
	v1 =	vld [tilespmem:s0+$0x5000];
	[tilespmem:s31+$0x5280] =	vst v2;
	s31 =	smov.u32 s0  }
0x92: {  	v2 =	vld [tilespmem:s31+$0x5280];
	_ =	sdelay $0x4  }
0x93: {  	v1 =	vadd.f32 v1, v2;
	_ =	sdelay $0x1  }
0x94: {  	[tilespmem:s31+$0x5280] =	vst v1  }
0x95: {  	[tilespmem:s28], [sflag:$0x1] =	stream.strided.gather [spmem:s7], $0x280, s26, s25, $0x38;
	[tilespmem:$0x7D00] =	vst v63  }
0x96: {  	_ =	swait.ge [sflag:s24], $0x280  }
0x97: {  	[sflag:s24] =	ssyncset.done $0x0  }
0x98: {  	s31 =	simm.s32 $0x0;
	[sflag:s24] =	ssyncadd.s32 $0xFFFFFD80  }
0x99: {  	s1 =	simm.s32 $0x40;
	v1 =	vld [tilespmem:s31+$0x5000]  }
.LBB2_10:
0x9a: {  	p0 =	sne.s32 s1, $0x9C0;
	v2 =	vld [tilespmem:s31+$0x5280];
	_ =	sdelay $0x2  }
.Ltmp4:
0x9b: {  	(pc) =	sbr.rel @p0 .LBB2_10-.Ltmp4, $4  }
0x9c: {  	_ = 	snop  }
0x9d: {  	v2 =	vadd.f32 v1, v2  }
0x9e: {  	s0 =	sshra.s32 s1, $0x2  }
0x9f: {  	s1 =	sadd.s32 $0x40, s1;
	v1 =	vld [tilespmem:s0+$0x5000];
	[tilespmem:s31+$0x5280] =	vst v2;
	s31 =	smov.u32 s0  }
0xa0: {  	v2 =	vld [tilespmem:s31+$0x5280];
	_ =	sdelay $0x4  }
0xa1: {  	v1 =	vadd.f32 v1, v2;
	_ =	sdelay $0x1  }
0xa2: {  	[tilespmem:s31+$0x5280] =	vst v1  }
0xa3: {  	[tilespmem:s28], [sflag:$0x1] =	stream.strided.gather [spmem:s8], $0x280, s26, s25, $0x38;
	[tilespmem:$0x7D00] =	vst v63  }
0xa4: {  	_ =	swait.ge [sflag:s24], $0x280  }
0xa5: {  	[sflag:s24] =	ssyncset.done $0x0  }
0xa6: {  	s31 =	simm.s32 $0x0;
	[sflag:s24] =	ssyncadd.s32 $0xFFFFFD80  }
0xa7: {  	s1 =	simm.s32 $0x40;
	v1 =	vld [tilespmem:s31+$0x5000]  }
.LBB2_12:
0xa8: {  	p0 =	sne.s32 s1, $0x9C0;
	v2 =	vld [tilespmem:s31+$0x5280];
	_ =	sdelay $0x2  }
.Ltmp5:
0xa9: {  	(pc) =	sbr.rel @p0 .LBB2_12-.Ltmp5, $4  }
0xaa: {  	_ = 	snop  }
0xab: {  	v2 =	vadd.f32 v1, v2  }
0xac: {  	s0 =	sshra.s32 s1, $0x2  }
0xad: {  	s1 =	sadd.s32 $0x40, s1;
	v1 =	vld [tilespmem:s0+$0x5000];
	[tilespmem:s31+$0x5280] =	vst v2;
	s31 =	smov.u32 s0  }
0xae: {  	v2 =	vld [tilespmem:s31+$0x5280];
	_ =	sdelay $0x4  }
0xaf: {  	v1 =	vadd.f32 v1, v2;
	_ =	sdelay $0x1  }
0xb0: {  	[tilespmem:s31+$0x5280] =	vst v1  }
0xb1: {  	[tilespmem:s28], [sflag:$0x1] =	stream.strided.gather [spmem:s9], $0x280, s26, s25, $0x38;
	[tilespmem:$0x7D00] =	vst v63  }
0xb2: {  	_ =	swait.ge [sflag:s24], $0x280  }
0xb3: {  	[sflag:s24] =	ssyncset.done $0x0  }
0xb4: {  	s31 =	simm.s32 $0x0;
	[sflag:s24] =	ssyncadd.s32 $0xFFFFFD80  }
0xb5: {  	s1 =	simm.s32 $0x40;
	v1 =	vld [tilespmem:s31+$0x5000]  }
.LBB2_14:
0xb6: {  	p0 =	sne.s32 s1, $0x9C0;
	v2 =	vld [tilespmem:s31+$0x5280];
	_ =	sdelay $0x2  }
.Ltmp6:
0xb7: {  	(pc) =	sbr.rel @p0 .LBB2_14-.Ltmp6, $4  }
0xb8: {  	_ = 	snop  }
0xb9: {  	v2 =	vadd.f32 v1, v2  }
0xba: {  	s0 =	sshra.s32 s1, $0x2  }
0xbb: {  	s1 =	sadd.s32 $0x40, s1;
	v1 =	vld [tilespmem:s0+$0x5000];
	[tilespmem:s31+$0x5280] =	vst v2;
	s31 =	smov.u32 s0  }
0xbc: {  	v2 =	vld [tilespmem:s31+$0x5280];
	_ =	sdelay $0x4  }
0xbd: {  	v1 =	vadd.f32 v1, v2;
	_ =	sdelay $0x1  }
0xbe: {  	[tilespmem:s31+$0x5280] =	vst v1  }
0xbf: {  	[tilespmem:s28], [sflag:$0x1] =	stream.strided.gather [spmem:s10], $0x280, s26, s25, $0x38;
	[tilespmem:$0x7D00] =	vst v63  }
0xc0: {  	_ =	swait.ge [sflag:s24], $0x280  }
0xc1: {  	[sflag:s24] =	ssyncset.done $0x0  }
0xc2: {  	s31 =	simm.s32 $0x0;
	[sflag:s24] =	ssyncadd.s32 $0xFFFFFD80  }
0xc3: {  	s1 =	simm.s32 $0x40;
	v1 =	vld [tilespmem:s31+$0x5000]  }
.LBB2_16:
0xc4: {  	p0 =	sne.s32 s1, $0x9C0;
	v2 =	vld [tilespmem:s31+$0x5280];
	_ =	sdelay $0x2  }
.Ltmp7:
0xc5: {  	(pc) =	sbr.rel @p0 .LBB2_16-.Ltmp7, $4  }
0xc6: {  	_ = 	snop  }
0xc7: {  	v2 =	vadd.f32 v1, v2  }
0xc8: {  	s0 =	sshra.s32 s1, $0x2  }
0xc9: {  	s1 =	sadd.s32 $0x40, s1;
	v1 =	vld [tilespmem:s0+$0x5000];
	[tilespmem:s31+$0x5280] =	vst v2;
	s31 =	smov.u32 s0  }
0xca: {  	v2 =	vld [tilespmem:s31+$0x5280];
	_ =	sdelay $0x4  }
0xcb: {  	v1 =	vadd.f32 v1, v2;
	_ =	sdelay $0x1  }
0xcc: {  	[tilespmem:s31+$0x5280] =	vst v1  }
0xcd: {  	[tilespmem:s28], [sflag:$0x1] =	stream.strided.gather [spmem:s11], $0x280, s26, s25, $0x38;
	[tilespmem:$0x7D00] =	vst v63  }
0xce: {  	_ =	swait.ge [sflag:s24], $0x280  }
0xcf: {  	[sflag:s24] =	ssyncset.done $0x0  }
0xd0: {  	s31 =	simm.s32 $0x0;
	[sflag:s24] =	ssyncadd.s32 $0xFFFFFD80  }
0xd1: {  	s1 =	simm.s32 $0x40;
	v1 =	vld [tilespmem:s31+$0x5000]  }
.LBB2_18:
0xd2: {  	p0 =	sne.s32 s1, $0x9C0;
	v2 =	vld [tilespmem:s31+$0x5280];
	_ =	sdelay $0x2  }
.Ltmp8:
0xd3: {  	(pc) =	sbr.rel @p0 .LBB2_18-.Ltmp8, $4  }
0xd4: {  	_ = 	snop  }
0xd5: {  	v2 =	vadd.f32 v1, v2  }
0xd6: {  	s0 =	sshra.s32 s1, $0x2  }
0xd7: {  	s1 =	sadd.s32 $0x40, s1;
	v1 =	vld [tilespmem:s0+$0x5000];
	[tilespmem:s31+$0x5280] =	vst v2;
	s31 =	smov.u32 s0  }
0xd8: {  	v2 =	vld [tilespmem:s31+$0x5280];
	_ =	sdelay $0x4  }
0xd9: {  	v1 =	vadd.f32 v1, v2;
	_ =	sdelay $0x1  }
0xda: {  	[tilespmem:s31+$0x5280] =	vst v1  }
0xdb: {  	[tilespmem:s28], [sflag:$0x1] =	stream.strided.gather [spmem:s12], $0x280, s26, s25, $0x38;
	[tilespmem:$0x7D00] =	vst v63  }
0xdc: {  	_ =	swait.ge [sflag:s24], $0x280  }
0xdd: {  	[sflag:s24] =	ssyncset.done $0x0  }
0xde: {  	s31 =	simm.s32 $0x0;
	[sflag:s24] =	ssyncadd.s32 $0xFFFFFD80  }
0xdf: {  	s1 =	simm.s32 $0x40;
	v1 =	vld [tilespmem:s31+$0x5000]  }
.LBB2_20:
0xe0: {  	p0 =	sne.s32 s1, $0x9C0;
	v2 =	vld [tilespmem:s31+$0x5280];
	_ =	sdelay $0x2  }
.Ltmp9:
0xe1: {  	(pc) =	sbr.rel @p0 .LBB2_20-.Ltmp9, $4  }
0xe2: {  	_ = 	snop  }
0xe3: {  	v2 =	vadd.f32 v1, v2  }
0xe4: {  	s0 =	sshra.s32 s1, $0x2  }
0xe5: {  	s1 =	sadd.s32 $0x40, s1;
	v1 =	vld [tilespmem:s0+$0x5000];
	[tilespmem:s31+$0x5280] =	vst v2;
	s31 =	smov.u32 s0  }
0xe6: {  	v2 =	vld [tilespmem:s31+$0x5280];
	_ =	sdelay $0x4  }
0xe7: {  	v1 =	vadd.f32 v1, v2;
	_ =	sdelay $0x1  }
0xe8: {  	[tilespmem:s31+$0x5280] =	vst v1  }
0xe9: {  	[tilespmem:s28], [sflag:$0x1] =	stream.strided.gather [spmem:s13], $0x280, s26, s25, $0x38;
	[tilespmem:$0x7D00] =	vst v63  }
0xea: {  	_ =	swait.ge [sflag:s24], $0x280  }
0xeb: {  	[sflag:s24] =	ssyncset.done $0x0  }
0xec: {  	s31 =	simm.s32 $0x0;
	[sflag:s24] =	ssyncadd.s32 $0xFFFFFD80  }
0xed: {  	s1 =	simm.s32 $0x40;
	v1 =	vld [tilespmem:s31+$0x5000]  }
.LBB2_22:
0xee: {  	p0 =	sne.s32 s1, $0x9C0;
	v2 =	vld [tilespmem:s31+$0x5280];
	_ =	sdelay $0x2  }
.Ltmp10:
0xef: {  	(pc) =	sbr.rel @p0 .LBB2_22-.Ltmp10, $4  }
0xf0: {  	_ = 	snop  }
0xf1: {  	v2 =	vadd.f32 v1, v2  }
0xf2: {  	s0 =	sshra.s32 s1, $0x2  }
0xf3: {  	s1 =	sadd.s32 $0x40, s1;
	v1 =	vld [tilespmem:s0+$0x5000];
	[tilespmem:s31+$0x5280] =	vst v2;
	s31 =	smov.u32 s0  }
0xf4: {  	v2 =	vld [tilespmem:s31+$0x5280];
	_ =	sdelay $0x4  }
0xf5: {  	v1 =	vadd.f32 v1, v2;
	_ =	sdelay $0x1  }
0xf6: {  	[tilespmem:s31+$0x5280] =	vst v1  }
0xf7: {  	[tilespmem:s28], [sflag:$0x1] =	stream.strided.gather [spmem:s14], $0x280, s26, s25, $0x38;
	[tilespmem:$0x7D00] =	vst v63  }
0xf8: {  	_ =	swait.ge [sflag:s24], $0x280  }
0xf9: {  	[sflag:s24] =	ssyncset.done $0x0  }
0xfa: {  	s31 =	simm.s32 $0x0;
	[sflag:s24] =	ssyncadd.s32 $0xFFFFFD80  }
0xfb: {  	s1 =	simm.s32 $0x40;
	v1 =	vld [tilespmem:s31+$0x5000]  }
.LBB2_24:
0xfc: {  	p0 =	sne.s32 s1, $0x9C0;
	v2 =	vld [tilespmem:s31+$0x5280];
	_ =	sdelay $0x2  }
.Ltmp11:
0xfd: {  	(pc) =	sbr.rel @p0 .LBB2_24-.Ltmp11, $4  }
0xfe: {  	_ = 	snop  }
0xff: {  	v2 =	vadd.f32 v1, v2  }
0x100: {  	s0 =	sshra.s32 s1, $0x2  }
0x101: {  	s1 =	sadd.s32 $0x40, s1;
	v1 =	vld [tilespmem:s0+$0x5000];
	[tilespmem:s31+$0x5280] =	vst v2;
	s31 =	smov.u32 s0  }
0x102: {  	v2 =	vld [tilespmem:s31+$0x5280];
	_ =	sdelay $0x4  }
0x103: {  	v1 =	vadd.f32 v1, v2;
	_ =	sdelay $0x1  }
0x104: {  	[tilespmem:s31+$0x5280] =	vst v1  }
0x105: {  	[tilespmem:s28], [sflag:$0x1] =	stream.strided.gather [spmem:s15], $0x280, s26, s25, $0x38;
	[tilespmem:$0x7D00] =	vst v63  }
0x106: {  	_ =	swait.ge [sflag:s24], $0x280  }
0x107: {  	[sflag:s24] =	ssyncset.done $0x0  }
0x108: {  	s31 =	simm.s32 $0x0;
	[sflag:s24] =	ssyncadd.s32 $0xFFFFFD80  }
0x109: {  	s1 =	simm.s32 $0x40;
	v1 =	vld [tilespmem:s31+$0x5000]  }
.LBB2_26:
0x10a: {  	p0 =	sne.s32 s1, $0x9C0;
	v2 =	vld [tilespmem:s31+$0x5280];
	_ =	sdelay $0x2  }
.Ltmp12:
0x10b: {  	(pc) =	sbr.rel @p0 .LBB2_26-.Ltmp12, $4  }
0x10c: {  	_ = 	snop  }
0x10d: {  	v2 =	vadd.f32 v1, v2  }
0x10e: {  	s0 =	sshra.s32 s1, $0x2  }
0x10f: {  	s1 =	sadd.s32 $0x40, s1;
	v1 =	vld [tilespmem:s0+$0x5000];
	[tilespmem:s31+$0x5280] =	vst v2;
	s31 =	smov.u32 s0  }
0x110: {  	v2 =	vld [tilespmem:s31+$0x5280];
	_ =	sdelay $0x4  }
0x111: {  	v1 =	vadd.f32 v1, v2;
	_ =	sdelay $0x1  }
0x112: {  	[tilespmem:s31+$0x5280] =	vst v1  }
0x113: {  	[tilespmem:s28], [sflag:$0x1] =	stream.strided.gather [spmem:s16], $0x280, s26, s25, $0x38;
	[tilespmem:$0x7D00] =	vst v63  }
0x114: {  	_ =	swait.ge [sflag:s24], $0x280  }
0x115: {  	[sflag:s24] =	ssyncset.done $0x0  }
0x116: {  	s31 =	simm.s32 $0x0;
	[sflag:s24] =	ssyncadd.s32 $0xFFFFFD80  }
0x117: {  	s1 =	simm.s32 $0x40;
	v1 =	vld [tilespmem:s31+$0x5000]  }
.LBB2_28:
0x118: {  	p0 =	sne.s32 s1, $0x9C0;
	v2 =	vld [tilespmem:s31+$0x5280];
	_ =	sdelay $0x2  }
.Ltmp13:
0x119: {  	(pc) =	sbr.rel @p0 .LBB2_28-.Ltmp13, $4  }
0x11a: {  	_ = 	snop  }
0x11b: {  	v2 =	vadd.f32 v1, v2  }
0x11c: {  	s0 =	sshra.s32 s1, $0x2  }
0x11d: {  	s1 =	sadd.s32 $0x40, s1;
	v1 =	vld [tilespmem:s0+$0x5000];
	[tilespmem:s31+$0x5280] =	vst v2;
	s31 =	smov.u32 s0  }
0x11e: {  	v2 =	vld [tilespmem:s31+$0x5280];
	_ =	sdelay $0x4  }
0x11f: {  	v1 =	vadd.f32 v1, v2;
	_ =	sdelay $0x1  }
0x120: {  	[tilespmem:s31+$0x5280] =	vst v1  }
0x121: {  	[tilespmem:s28], [sflag:$0x1] =	stream.strided.gather [spmem:s17], $0x280, s26, s25, $0x38;
	[tilespmem:$0x7D00] =	vst v63  }
0x122: {  	_ =	swait.ge [sflag:s24], $0x280  }
0x123: {  	[sflag:s24] =	ssyncset.done $0x0  }
0x124: {  	s31 =	simm.s32 $0x0;
	[sflag:s24] =	ssyncadd.s32 $0xFFFFFD80  }
0x125: {  	s1 =	simm.s32 $0x40;
	v1 =	vld [tilespmem:s31+$0x5000]  }
.LBB2_30:
0x126: {  	p0 =	sne.s32 s1, $0x9C0;
	v2 =	vld [tilespmem:s31+$0x5280];
	_ =	sdelay $0x2  }
.Ltmp14:
0x127: {  	(pc) =	sbr.rel @p0 .LBB2_30-.Ltmp14, $4  }
0x128: {  	_ = 	snop  }
0x129: {  	v2 =	vadd.f32 v1, v2  }
0x12a: {  	s0 =	sshra.s32 s1, $0x2  }
0x12b: {  	s1 =	sadd.s32 $0x40, s1;
	v1 =	vld [tilespmem:s0+$0x5000];
	[tilespmem:s31+$0x5280] =	vst v2;
	s31 =	smov.u32 s0  }
0x12c: {  	v2 =	vld [tilespmem:s31+$0x5280];
	_ =	sdelay $0x4  }
0x12d: {  	v1 =	vadd.f32 v1, v2;
	_ =	sdelay $0x1  }
0x12e: {  	[tilespmem:s31+$0x5280] =	vst v1  }
0x12f: {  	[tilespmem:s28], [sflag:$0x1] =	stream.strided.gather [spmem:s18], $0x280, s26, s25, $0x38;
	[tilespmem:$0x7D00] =	vst v63  }
0x130: {  	_ =	swait.ge [sflag:s24], $0x280  }
0x131: {  	[sflag:s24] =	ssyncset.done $0x0  }
0x132: {  	s31 =	simm.s32 $0x0;
	[sflag:s24] =	ssyncadd.s32 $0xFFFFFD80  }
0x133: {  	s1 =	simm.s32 $0x40;
	v1 =	vld [tilespmem:s31+$0x5000]  }
.LBB2_32:
0x134: {  	p0 =	sne.s32 s1, $0x9C0;
	v2 =	vld [tilespmem:s31+$0x5280];
	_ =	sdelay $0x2  }
.Ltmp15:
0x135: {  	(pc) =	sbr.rel @p0 .LBB2_32-.Ltmp15, $4  }
0x136: {  	_ = 	snop  }
0x137: {  	v2 =	vadd.f32 v1, v2  }
0x138: {  	s0 =	sshra.s32 s1, $0x2  }
0x139: {  	s1 =	sadd.s32 $0x40, s1;
	v1 =	vld [tilespmem:s0+$0x5000];
	[tilespmem:s31+$0x5280] =	vst v2;
	s31 =	smov.u32 s0  }
0x13a: {  	v2 =	vld [tilespmem:s31+$0x5280];
	_ =	sdelay $0x4  }
0x13b: {  	v1 =	vadd.f32 v1, v2;
	_ =	sdelay $0x1  }
0x13c: {  	[tilespmem:s31+$0x5280] =	vst v1  }
0x13d: {  	[tilespmem:s28], [sflag:$0x1] =	stream.strided.gather [spmem:s19], $0x280, s26, s25, $0x38;
	[tilespmem:$0x7D00] =	vst v63  }
0x13e: {  	_ =	swait.ge [sflag:s24], $0x280  }
0x13f: {  	[sflag:s24] =	ssyncset.done $0x0  }
0x140: {  	s31 =	simm.s32 $0x0;
	[sflag:s24] =	ssyncadd.s32 $0xFFFFFD80  }
0x141: {  	s1 =	simm.s32 $0x40;
	v1 =	vld [tilespmem:s31+$0x5000]  }
.LBB2_34:
0x142: {  	p0 =	sne.s32 s1, $0x9C0;
	v2 =	vld [tilespmem:s31+$0x5280];
	_ =	sdelay $0x2  }
.Ltmp16:
0x143: {  	(pc) =	sbr.rel @p0 .LBB2_34-.Ltmp16, $4  }
0x144: {  	_ = 	snop  }
0x145: {  	v2 =	vadd.f32 v1, v2  }
0x146: {  	s0 =	sshra.s32 s1, $0x2  }
0x147: {  	s1 =	sadd.s32 $0x40, s1;
	v1 =	vld [tilespmem:s0+$0x5000];
	[tilespmem:s31+$0x5280] =	vst v2;
	s31 =	smov.u32 s0  }
0x148: {  	v2 =	vld [tilespmem:s31+$0x5280];
	_ =	sdelay $0x4  }
0x149: {  	v1 =	vadd.f32 v1, v2;
	_ =	sdelay $0x1  }
0x14a: {  	[tilespmem:s31+$0x5280] =	vst v1  }
0x14b: {  	[tilespmem:s28], [sflag:$0x1] =	stream.strided.gather [spmem:s20], $0x280, s26, s25, $0x38;
	[tilespmem:$0x7D00] =	vst v63  }
0x14c: {  	_ =	swait.ge [sflag:s24], $0x280  }
0x14d: {  	[sflag:s24] =	ssyncset.done $0x0  }
0x14e: {  	s31 =	simm.s32 $0x0;
	[sflag:s24] =	ssyncadd.s32 $0xFFFFFD80  }
0x14f: {  	s1 =	simm.s32 $0x40;
	v1 =	vld [tilespmem:s31+$0x5000]  }
.LBB2_36:
0x150: {  	p0 =	sne.s32 s1, $0x9C0;
	v2 =	vld [tilespmem:s31+$0x5280];
	_ =	sdelay $0x2  }
.Ltmp17:
0x151: {  	(pc) =	sbr.rel @p0 .LBB2_36-.Ltmp17, $4  }
0x152: {  	_ = 	snop  }
0x153: {  	v2 =	vadd.f32 v1, v2  }
0x154: {  	s0 =	sshra.s32 s1, $0x2  }
0x155: {  	s1 =	sadd.s32 $0x40, s1;
	v1 =	vld [tilespmem:s0+$0x5000];
	[tilespmem:s31+$0x5280] =	vst v2;
	s31 =	smov.u32 s0  }
0x156: {  	v2 =	vld [tilespmem:s31+$0x5280];
	_ =	sdelay $0x4  }
0x157: {  	s30 =	sadd.s32 $0x1, s30;
	v1 =	vadd.f32 v1, v2  }
0x158: {  	p0 =	sne.s32 s30, s22  }
.Ltmp18:
0x159: {  	[tilespmem:s31+$0x5280] =	vst v1;
	(pc) =	sbr.rel @p0 .LBB2_1-.Ltmp18, $4  }
0x15a: {  	[hbm4b:s21+s25] =	stream.strided.scatter [tilespmem:s29], [sflag:$0x1], $0x280, s26, s25, $0x38;
	[tilespmem:$0x7D00] =	vst v63  }
0x15b: {  	_ =	swait.ge [sflag:s24], $0x280  }
0x15c: {  	[sflag:s24] =	ssyncset.done $0x0  }
0x15d: {  	[sflag:s24] =	ssyncadd.s32 $0xFFFFFD80  }
0x15e: {  	_ =	sfence.sel $0x180000  }
0x15f: {  	[bflag:$0x0] =	sbarrier.arrive $0xFFFF  }
0x160: {  	_ =	strace $0x90000047  }
0x161: {  	s0 =	stileid.u32;
	[bflag:$0x2] =	sbarrier.arrive $0xFFFF  }
0x162: {  	p0 =	sne.s32 s0, $0x0;
	s0 =	rddreg [dreg:$0x3]  }
0x163: {  	s0 =	sadd.s32 @!p0 $0x100000, s0  }
0x164: {  	[sflag:s0] =	ssyncadd.tile.s32 @!p0 $0x1;
	_ =	shalt  }
.Lfunc_end2:
_tile_overlayer_lowered:
.L_overlay_start_2:
0x165: {  	(tag) =	ssettag $0x2  }
0x166: {  	s0 =	rddreg [dreg:$0x0];
	s2 =	stileid.u32  }
0x167: {  	s1 =	rddreg [dreg:$0x1];
	p0 =	sne.s32 s2, $0x0  }
0x168: {  	s3 =	rddreg [dreg:$0x2];
	[bflag:$0x3] =	sbarrier.arrive $0xFFFF;
	s2 =	simm.s32 @!p0 $0x1C01  }
0x169: {  	[timem:s3], [sflag:s2] =	dma.local @!p0 [hbm:s0], s1  }
0x16a: {  	s0 =	simm.s32 @!p0 $0x1  }
0x16b: {  	_ =	swait.ge @!p0 [sflag:s0], s1  }
0x16c: {  	s1 =	ssub.s32 @!p0 $0x0, s1;
	[sflag:s0] =	ssyncset.done @!p0 $0x0  }
0x16d: {  	[sflag:s0] =	ssyncadd.s32 @!p0 s1  }
0x16e: {  	[bflag:$0x3] =	sbarrier.arrive $0xFFFF  }
0x16f: {  	_ =	shalt  }

</sc_bundles>
